<compile_context>
chip_gen: v7x
topology: tpu7x:2x2x1
jax: 0.10.2.dev20260603
libtpu: 0.0.44.dev20260713+nightly
codegen_flags: <defaults>
</compile_context>

<pallas_src>
import functools

import jax
import jax.numpy as jnp
from jax import lax
from jax.experimental import pallas as pl
from jax.experimental.pallas import tpu as pltpu
from jax.experimental.pallas import tpu_sc as plsc


MEM_D = 32
NCLS = 10
NCLS_PAD = 16
B = 16384
NNODES = 1000000
NODE_CAP = 1 << 20
NC = 2
NS = 16
NW = NC * NS
BW = B // NW
OWN = NODE_CAP // NW
OWN_SHIFT = 15


def _mesh():
    return plsc.VectorSubcoreMesh(core_axis_name="c", subcore_axis_name="s")


def _wid():
    return lax.axis_index("s") * NC + lax.axis_index("c")


_SC_PARAMS = pltpu.CompilerParams(needs_layout_passes=False,
                                  use_tc_tiling_on_sc=False)



def _sca_body(src_hbm, dst_hbm, lab_hbm, mem_hbm, lu_hbm,
              ms_hbm, md_hbm, mlab_hbm, lus_hbm, lud_hbm, a_hbm, d_hbm,
              own_v, row_v, ele_v, ids_v, ta_v, td_v, bnc_v, sem):
    wid = _wid()
    base = wid * BW
    iota = lax.iota(jnp.int32, 16)

    def fire_rows():
        for j in range(BW // 128):
            pltpu.async_copy(
                mem_hbm.at[own_v.at[pl.ds(j * 128, 128)]],
                row_v.at[pl.ds(j * 128, 128)], sem)

    def drain_rows(out_hbm):
        for j in range(BW // 128):
            pltpu.make_async_copy(
                mem_hbm.at[own_v.at[pl.ds(j * 128, 128)]],
                row_v.at[pl.ds(j * 128, 128)], sem).wait()
        pltpu.sync_copy(row_v, out_hbm.at[pl.ds(base, BW)])

    def gather_lu(out_hbm):
        for j in range(BW // 128):
            pltpu.async_copy(
                lu_hbm.at[own_v.at[pl.ds(j * 128, 128)]],
                ele_v.at[pl.ds(j * 128, 128)], sem).wait()
        pltpu.sync_copy(ele_v, out_hbm.at[pl.ds(base, BW)])

    zero = jnp.zeros((16,), jnp.int32)

    def init_body(i, carry):
        ta_v[pl.ds(i * 16, 16)] = zero
        td_v[pl.ds(i * 16, 16)] = zero
        return carry

    def build(table_ref):
        def body(c, carry):
            for u in range(4):
                cc = c * 4 + u
                ids = ids_v[pl.ds(cc * 16, 16)]
                key = ids * 16 + iota
                ks, _ = plsc.sort_key_val(key, key)
                bnc_v[pl.ds(0, 16)] = ks
                nxt = bnc_v[pl.ds(1, 16)]
                id_s = lax.shift_right_arithmetic(ks, 4)
                id_n = lax.shift_right_arithmetic(nxt, 4)
                seg_end = id_s != id_n
                owned = lax.shift_right_arithmetic(id_s, OWN_SHIFT) == wid
                m = seg_end & owned
                e_val = cc * 16 + (ks & 15) + 1
                loc = id_s & (OWN - 1)
                plsc.store_scatter(table_ref, [loc], e_val, mask=m)
            return carry

        lax.fori_loop(0, B // 64, body, 0)

    bnc_v[pl.ds(16, 16)] = jnp.full((16,), -1, jnp.int32)

    pltpu.sync_copy(src_hbm.at[pl.ds(base, BW)], own_v)
    fire_rows()
    lax.fori_loop(0, OWN // 16, init_body, 0)
    pltpu.sync_copy(src_hbm, ids_v)
    build(ta_v)
    drain_rows(ms_hbm)
    gather_lu(lus_hbm)

    pltpu.sync_copy(dst_hbm.at[pl.ds(base, BW)], own_v)
    fire_rows()
    pltpu.sync_copy(dst_hbm, ids_v)
    build(td_v)
    drain_rows(md_hbm)
    gather_lu(lud_hbm)

    pltpu.sync_copy(lab_hbm.at[pl.ds(base, BW)], own_v)
    fire_rows()
    pltpu.sync_copy(ta_v, a_hbm.at[pl.ds(wid * OWN, OWN)])
    pltpu.sync_copy(td_v, d_hbm.at[pl.ds(wid * OWN, OWN)])
    drain_rows(mlab_hbm)


def _sca(src, dst, lab, mem, last_update):
    out_type = [
        jax.ShapeDtypeStruct((B, MEM_D), jnp.float32),
        jax.ShapeDtypeStruct((B, MEM_D), jnp.float32),
        jax.ShapeDtypeStruct((B, MEM_D), jnp.float32),
        jax.ShapeDtypeStruct((B,), jnp.int32),
        jax.ShapeDtypeStruct((B,), jnp.int32),
        jax.ShapeDtypeStruct((NODE_CAP,), jnp.int32),
        jax.ShapeDtypeStruct((NODE_CAP,), jnp.int32),
    ]
    scratch = [
        pltpu.VMEM((BW,), jnp.int32),
        pltpu.VMEM((BW, MEM_D), jnp.float32),
        pltpu.VMEM((BW,), jnp.int32),
        pltpu.VMEM((B,), jnp.int32),
        pltpu.VMEM((OWN,), jnp.int32),
        pltpu.VMEM((OWN,), jnp.int32),
        pltpu.VMEM((32,), jnp.int32),
        pltpu.SemaphoreType.DMA,
    ]
    fn = pl.kernel(_sca_body, mesh=_mesh(), out_type=out_type,
                   scratch_types=scratch, compiler_params=_SC_PARAMS)
    return fn(src, dst, lab, mem, last_update)



def _scb_body(lab_hbm, t_hbm, a_hbm, d_hbm, l_hbm, out_hbm,
              lab_v, ia_v, jd_v, im_v, jm_v, ts_v, td_v, sel_v, rows_v, sem):
    wid = _wid()
    base = wid * BW
    iota = lax.iota(jnp.int32, 16)

    pltpu.sync_copy(lab_hbm.at[pl.ds(base, BW)], lab_v)
    for j in range(BW // 128):
        pltpu.async_copy(a_hbm.at[lab_v.at[pl.ds(j * 128, 128)]],
                         ia_v.at[pl.ds(j * 128, 128)], sem).wait()
        pltpu.async_copy(d_hbm.at[lab_v.at[pl.ds(j * 128, 128)]],
                         jd_v.at[pl.ds(j * 128, 128)], sem).wait()

    def clamp_body(c, carry):
        ia = ia_v[pl.ds(c * 16, 16)]
        jd = jd_v[pl.ds(c * 16, 16)]
        im_v[pl.ds(c * 16, 16)] = jnp.maximum(ia - 1, 0)
        jm_v[pl.ds(c * 16, 16)] = jnp.maximum(jd - 1, 0)
        return carry

    lax.fori_loop(0, BW // 16, clamp_body, 0)

    for j in range(BW // 128):
        pltpu.async_copy(t_hbm.at[im_v.at[pl.ds(j * 128, 128)]],
                         ts_v.at[pl.ds(j * 128, 128)], sem).wait()
        pltpu.async_copy(t_hbm.at[jm_v.at[pl.ds(j * 128, 128)]],
                         td_v.at[pl.ds(j * 128, 128)], sem).wait()

    def sel_body(c, carry):
        ia = ia_v[pl.ds(c * 16, 16)]
        jd = jd_v[pl.ds(c * 16, 16)]
        ts = ts_v[pl.ds(c * 16, 16)]
        td = td_v[pl.ds(c * 16, 16)]
        use_dst = (jd > 0) & ((ia == 0) | (td >= ts))
        use_src = (ia > 0) & (~use_dst)
        qpos = base + c * 16 + iota
        sel = jnp.where(use_dst, B + jd - 1,
                        jnp.where(use_src, ia - 1, 2 * B + qpos))
        sel_v[pl.ds(c * 16, 16)] = sel
        return carry

    lax.fori_loop(0, BW // 16, sel_body, 0)

    for j in range(BW // 128):
        pltpu.async_copy(l_hbm.at[sel_v.at[pl.ds(j * 128, 128)]],
                         rows_v.at[pl.ds(j * 128, 128)], sem).wait()
    pltpu.sync_copy(rows_v, out_hbm.at[pl.ds(base, BW)])


def _scb(lab, t, a_tab, d_tab, l_rows):
    scratch = [
        pltpu.VMEM((BW,), jnp.int32),
        pltpu.VMEM((BW,), jnp.int32),
        pltpu.VMEM((BW,), jnp.int32),
        pltpu.VMEM((BW,), jnp.int32),
        pltpu.VMEM((BW,), jnp.int32),
        pltpu.VMEM((BW,), jnp.int32),
        pltpu.VMEM((BW,), jnp.int32),
        pltpu.VMEM((BW,), jnp.int32),
        pltpu.VMEM((BW, NCLS_PAD), jnp.float32),
        pltpu.SemaphoreType.DMA,
    ]
    fn = pl.kernel(_scb_body, mesh=_mesh(),
                   out_type=jax.ShapeDtypeStruct((B, NCLS_PAD), jnp.float32),
                   scratch_types=scratch, compiler_params=_SC_PARAMS)
    return fn(lab, t, a_tab, d_tab, l_rows)



def _gru_mlp_body(ms_ref, md_ref, msg_ref, t_ref, lus_ref, lud_ref, mlab_ref,
                  tw_ref, tb_ref,
                  wir_ref, wiz_ref, win_ref, whr_ref, whz_ref, whn_ref,
                  bir_ref, biz_ref, bin_ref, bhr_ref, bhz_ref, bhn_ref,
                  w1_ref, b1_ref, w2_ref, b2_ref,
                  ls_ref, ld_ref, lm_ref):
    ms = ms_ref[...]
    md = md_ref[...]
    msg = msg_ref[...]
    tf = t_ref[...].astype(jnp.float32)
    lus = lus_ref[...].astype(jnp.float32)
    lud = lud_ref[...].astype(jnp.float32)
    tw = tw_ref[...]
    tb = tb_ref[...]

    def dot_t(a, w):
        return lax.dot_general(a, w, (((1,), (1,)), ((), ())),
                               preferred_element_type=jnp.float32)

    def gru(h, other, rel):
        tenc = jnp.cos(rel * tw + tb)
        x = jnp.concatenate([h, other, msg, tenc], axis=1)
        r = jax.nn.sigmoid(dot_t(x, wir_ref[...]) + bir_ref[...]
                           + dot_t(h, whr_ref[...]) + bhr_ref[...])
        z = jax.nn.sigmoid(dot_t(x, wiz_ref[...]) + biz_ref[...]
                           + dot_t(h, whz_ref[...]) + bhz_ref[...])
        n = jnp.tanh(dot_t(x, win_ref[...]) + bin_ref[...]
                     + r * (dot_t(h, whn_ref[...]) + bhn_ref[...]))
        return (1.0 - z) * n + z * h

    nh_s = gru(ms, md, tf - lus)
    nh_d = gru(md, ms, tf - lud)

    def mlp(h):
        h1 = jax.nn.relu(dot_t(h, w1_ref[...]) + b1_ref[...])
        return dot_t(h1, w2_ref[...]) + b2_ref[...]

    ls_ref[...] = mlp(nh_s)
    ld_ref[...] = mlp(nh_d)
    lm_ref[...] = mlp(mlab_ref[...])


def _gru_mlp(ms, md, msg, t, lus, lud, mlab, tw, tb,
             wir, wiz, win, whr, whz, whn, bir, biz, bin_, bhr, bhz, bhn,
             w1, b1, w2, b2):
    bs = 2048
    grid = (B // bs,)
    row = lambda i: (i, 0)
    full = lambda shape: pl.BlockSpec(shape, lambda i: (0, 0))
    rspec = lambda d: pl.BlockSpec((bs, d), row)
    in_specs = [
        rspec(MEM_D), rspec(MEM_D), rspec(MEM_D), rspec(1), rspec(1), rspec(1),
        rspec(MEM_D),
        full((1, MEM_D)), full((1, MEM_D)),
        full((MEM_D, 4 * MEM_D)), full((MEM_D, 4 * MEM_D)), full((MEM_D, 4 * MEM_D)),
        full((MEM_D, MEM_D)), full((MEM_D, MEM_D)), full((MEM_D, MEM_D)),
        full((1, MEM_D)), full((1, MEM_D)), full((1, MEM_D)),
        full((1, MEM_D)), full((1, MEM_D)), full((1, MEM_D)),
        full((MEM_D, MEM_D)), full((1, MEM_D)),
        full((NCLS_PAD, MEM_D)), full((1, NCLS_PAD)),
    ]
    out_specs = [rspec(NCLS_PAD)] * 3
    out_shape = [jax.ShapeDtypeStruct((B, NCLS_PAD), jnp.float32)] * 3
    return pl.pallas_call(
        _gru_mlp_body,
        grid=grid,
        in_specs=in_specs,
        out_specs=out_specs,
        out_shape=out_shape,
    )(ms, md, msg, t, lus, lud, mlab, tw, tb,
      wir, wiz, win, whr, whz, whn, bir, biz, bin_, bhr, bhz, bhn,
      w1, b1, w2, b2)


def kernel(src, dst, t, msg, label_nodes, current_time, memory, last_update,
           time_w, time_b, W_ih, W_hh, b_ih, b_hh, W1, b1, W2, b2):
    D = MEM_D

    ms, md, mlab, lus, lud, a_tab, d_tab = _sca(
        src, dst, label_nodes, memory, last_update)

    wir, wiz, win = W_ih[:D], W_ih[D:2 * D], W_ih[2 * D:]
    whr, whz, whn = W_hh[:D], W_hh[D:2 * D], W_hh[2 * D:]
    bir, biz, bin_ = b_ih[:D], b_ih[D:2 * D], b_ih[2 * D:]
    bhr, bhz, bhn = b_hh[:D], b_hh[D:2 * D], b_hh[2 * D:]
    w2p = jnp.zeros((NCLS_PAD, D), jnp.float32).at[:NCLS].set(W2)
    b2p = jnp.zeros((NCLS_PAD,), jnp.float32).at[:NCLS].set(b2)

    r2 = lambda v: v.reshape(1, -1)
    c1 = lambda v: v.reshape(-1, 1)
    ls, ld, lm = _gru_mlp(
        ms, md, msg, c1(t), c1(lus), c1(lud), mlab,
        r2(time_w), r2(time_b),
        wir, wiz, win, whr, whz, whn,
        r2(bir), r2(biz), r2(bin_), r2(bhr), r2(bhz), r2(bhn),
        W1, r2(b1), w2p, r2(b2p))

    l_rows = jnp.concatenate([ls, ld, lm], axis=0)
    out = _scb(label_nodes, t, a_tab, d_tab, l_rows)
    return out[:, :NCLS]

# --- scband reference (transcript-rebuilt; emitter-appended) ---
"""Pipeline reference for scband-tgnclassifier-79663053406461 (READ-ONLY COPY).

The authoritative reference and input builder live on the scoring server;
editing this copy changes nothing except your own understanding.
"""

import jax, jax.numpy as jnp
import numpy as np

NUM_NODES = 1000000
RAW_MSG_DIM = 32
MEMORY_DIM = 32
TIME_DIM = 32
NUM_CLASSES = 10
B = 16384


def setup_inputs(seed: int = 0):
    key = jax.random.key(seed)
    ks = jax.random.split(key, 20)
    msg_in = RAW_MSG_DIM + 2 * MEMORY_DIM + TIME_DIM

    def w(k, shape, fan_in):
        return jax.random.normal(k, shape, dtype=jnp.float32) * (1.0 / np.sqrt(fan_in))

    return {
        "src": jax.random.randint(ks[0], (B,), 0, NUM_NODES, dtype=jnp.int32),
        "dst": jax.random.randint(ks[1], (B,), 0, NUM_NODES, dtype=jnp.int32),
        "t": jnp.sort(jax.random.randint(ks[2], (B,), 0, 1000000, dtype=jnp.int32)),
        "msg": jax.random.normal(ks[3], (B, RAW_MSG_DIM), dtype=jnp.float32),
        "label_nodes": jax.random.randint(ks[4], (B,), 0, NUM_NODES, dtype=jnp.int32),
        "current_time": 1000000,
        "memory": jax.random.normal(ks[5], (NUM_NODES, MEMORY_DIM), dtype=jnp.float32) * 0.1,
        "last_update": jnp.zeros((NUM_NODES,), dtype=jnp.int32),
        "time_w": w(ks[6], (TIME_DIM,), 1),
        "time_b": jnp.zeros((TIME_DIM,), dtype=jnp.float32),
        "W_ih": w(ks[7], (3 * MEMORY_DIM, msg_in), msg_in),
        "W_hh": w(ks[8], (3 * MEMORY_DIM, MEMORY_DIM), MEMORY_DIM),
        "b_ih": jnp.zeros((3 * MEMORY_DIM,), dtype=jnp.float32),
        "b_hh": jnp.zeros((3 * MEMORY_DIM,), dtype=jnp.float32),
        "W1": w(ks[9], (MEMORY_DIM, MEMORY_DIM), MEMORY_DIM),
        "b1": jnp.zeros((MEMORY_DIM,), dtype=jnp.float32),
        "W2": w(ks[10], (NUM_CLASSES, MEMORY_DIM), MEMORY_DIM),
        "b2": jnp.zeros((NUM_CLASSES,), dtype=jnp.float32),
    }


def reference(src, dst, t, msg, label_nodes, current_time, memory, last_update,
              time_w, time_b, W_ih, W_hh, b_ih, b_hh, W1, b1, W2, b2):
    # ---- update_event: TGNMemory.update_state with IdentityMessage + LastAggregator + GRUCell ----
    nodes = jnp.concatenate([src, dst])
    tt = jnp.concatenate([t, t])
    E = nodes.shape[0]
    # LastAggregator: pick the message with the largest timestamp per node (ties -> last event)
    perm = jnp.lexsort((jnp.arange(E), tt, nodes))
    ns = nodes[perm]
    is_last = jnp.concatenate([ns[1:] != ns[:-1], jnp.array([True])])

    # IdentityMessage: concat(mem[src], mem[dst], raw_msg, time_enc(t - last_update[src]))
    rel = tt.astype(jnp.float32) - jnp.concatenate([last_update[src], last_update[dst]]).astype(jnp.float32)
    tenc = jnp.cos(rel[:, None] * time_w[None, :] + time_b[None, :])
    src_mem = jnp.concatenate([memory[src], memory[dst]], axis=0)
    dst_mem = jnp.concatenate([memory[dst], memory[src]], axis=0)
    raw2 = jnp.concatenate([msg, msg], axis=0)
    msgs = jnp.concatenate([src_mem, dst_mem, raw2, tenc], axis=1)

    x = msgs[perm]
    h = memory[ns]
    gi = x @ W_ih.T + b_ih
    gh = h @ W_hh.T + b_hh
    D = h.shape[1]
    i_r, i_z, i_n = gi[:, :D], gi[:, D:2 * D], gi[:, 2 * D:]
    h_r, h_z, h_n = gh[:, :D], gh[:, D:2 * D], gh[:, 2 * D:]
    r = jax.nn.sigmoid(i_r + h_r)
    z = jax.nn.sigmoid(i_z + h_z)
    n = jnp.tanh(i_n + r * h_n)
    new_h = (1.0 - z) * n + z * h
    target = jnp.where(is_last, ns, NUM_NODES)
    memory = memory.at[target].set(new_h, mode='drop')  # scatter-overwrite into memory table

    # ---- get_logits ----
    per_label = memory[label_nodes]
    h1 = jax.nn.relu(per_label @ W1.T + b1)
    logits = h1 @ W2.T + b2
    return logits

if __name__ == "__main__":
    import jax
    _d = setup_inputs()
    print(jax.jit(kernel)(*tuple(_d.values())))

</pallas_src>

<mosaic_0001>
#map = affine_map<(d0, d1) -> (0)>
#map1 = affine_map<(d0, d1) -> (0, 0)>
module attributes {stable_mosaic.version = 14 : i64} {
  func.func @_scb_body(%arg0: i32, %arg1: i32, %arg2: memref<16384xi32, #tpu.memory_space<hbm>>, %arg3: memref<16384xi32, #tpu.memory_space<hbm>>, %arg4: memref<1048576xi32, #tpu.memory_space<hbm>>, %arg5: memref<1048576xi32, #tpu.memory_space<hbm>>, %arg6: memref<49152x16xf32, #tpu.memory_space<hbm>>, %arg7: memref<16384x16xf32, #tpu.memory_space<hbm>>, %arg8: memref<512xi32, #tpu.memory_space<vmem>>, %arg9: memref<512xi32, #tpu.memory_space<vmem>>, %arg10: memref<512xi32, #tpu.memory_space<vmem>>, %arg11: memref<512xi32, #tpu.memory_space<vmem>>, %arg12: memref<512xi32, #tpu.memory_space<vmem>>, %arg13: memref<512xi32, #tpu.memory_space<vmem>>, %arg14: memref<512xi32, #tpu.memory_space<vmem>>, %arg15: memref<512xi32, #tpu.memory_space<vmem>>, %arg16: memref<512x16xf32, #tpu.memory_space<vmem>>, %arg17: memref<!tpu.dma_semaphore, #tpu.memory_space<semaphore_mem>>) attributes {dimension_semantics = [#tpu.dimension_semantics<core_parallel>, #tpu.dimension_semantics<subcore_parallel>], iteration_bounds = array<i64: 2, 16>, scalar_prefetch = 0 : i64, scratch_operands = 10 : i64, tpu.core_type = #tpu.core_type<sc_vector_subcore>, window_params = [{transform_indices = #map}, {transform_indices = #map}, {transform_indices = #map}, {transform_indices = #map}, {transform_indices = #map1}, {transform_indices = #map1}]} {
    %mul3A = arith.constant 2 : i32
    %mul3A_0 = arith.muli %arg1, %mul3A : i32
    %add3A = arith.addi %mul3A_0, %arg0 : i32
    %mul3A_1 = arith.constant 512 : i32
    %mul3A_2 = arith.muli %add3A, %mul3A_1 : i32
    %iota3A = tpu.iota {dimensions = array<i32: 0>} : vector<16xi32>
    "tpu.region"() ({
      %run_scoped3A = tpu.sem_alloc : memref<!tpu.dma_semaphore, #tpu.memory_space<semaphore_mem>>
      %dma_start3A_268 = tpu.memref_slice %arg2[%mul3A_2] : memref<16384xi32, #tpu.memory_space<hbm>> -> memref<512xi32, #tpu.memory_space<hbm>>
      %dma_start3A_269 = tpu.memref_slice %arg2[%mul3A_2] : memref<16384xi32, #tpu.memory_space<hbm>> -> memref<512xi32, #tpu.memory_space<hbm>>
      tpu.enqueue_dma source(%dma_start3A_269 : memref<512xi32, #tpu.memory_space<hbm>>) target(%arg8 : memref<512xi32, #tpu.memory_space<vmem>>) target_semaphore(%run_scoped3A : memref<!tpu.dma_semaphore, #tpu.memory_space<semaphore_mem>>)
      %dma_wait3A_270 = tpu.memref_slice %arg2[%mul3A_2] : memref<16384xi32, #tpu.memory_space<hbm>> -> memref<512xi32, #tpu.memory_space<hbm>>
      %dma_wait3A_271 = tpu.memref_slice %arg2[%mul3A_2] : memref<16384xi32, #tpu.memory_space<hbm>> -> memref<512xi32, #tpu.memory_space<hbm>>
      tpu.wait_dma2 semaphore(%run_scoped3A : memref<!tpu.dma_semaphore, #tpu.memory_space<semaphore_mem>>) src(%dma_wait3A_271 : memref<512xi32, #tpu.memory_space<hbm>>) dst(%arg8 : memref<512xi32, #tpu.memory_space<vmem>>)
      tpu.yield
    }) : () -> ()
    %dma_start3A = arith.constant 0 : i32
    %dma_start3A_3 = tpu.memref_slice %arg9[%dma_start3A] : memref<512xi32, #tpu.memory_space<vmem>> -> memref<128xi32, #tpu.memory_space<vmem>>
    %dma_start3A_4 = arith.constant 0 : i32
    %dma_start3A_5 = tpu.memref_slice %arg8[%dma_start3A_4] : memref<512xi32, #tpu.memory_space<vmem>> -> memref<128xi32, #tpu.memory_space<vmem>>
    %dma_start3A_6 = arith.constant 0 : i32
    %dma_start3A_7 = tpu.memref_slice %arg4[%dma_start3A_6] : memref<1048576xi32, #tpu.memory_space<hbm>> -> memref<1048576xi32, #tpu.memory_space<hbm>>
    tpu.enqueue_indirect_dma source(%dma_start3A_7 : memref<1048576xi32, #tpu.memory_space<hbm>>) target(%dma_start3A_3 : memref<128xi32, #tpu.memory_space<vmem>>) offsets(%dma_start3A_5 : memref<128xi32, #tpu.memory_space<vmem>>) semaphore(%arg17 : memref<!tpu.dma_semaphore, #tpu.memory_space<semaphore_mem>>)
    %dma_wait3A = arith.constant 0 : i32
    %dma_wait3A_8 = tpu.memref_slice %arg9[%dma_wait3A] : memref<512xi32, #tpu.memory_space<vmem>> -> memref<128xi32, #tpu.memory_space<vmem>>
    %dma_wait3A_9 = arith.constant 0 : i32
    %dma_wait3A_10 = tpu.memref_slice %arg8[%dma_wait3A_9] : memref<512xi32, #tpu.memory_space<vmem>> -> memref<128xi32, #tpu.memory_space<vmem>>
    %dma_wait3A_11 = arith.constant 0 : i32
    %dma_wait3A_12 = tpu.memref_slice %arg4[%dma_wait3A_11] : memref<1048576xi32, #tpu.memory_space<hbm>> -> memref<1048576xi32, #tpu.memory_space<hbm>>
    tpu.wait_indirect_dma semaphore(%arg17 : memref<!tpu.dma_semaphore, #tpu.memory_space<semaphore_mem>>) src(%dma_wait3A_12 : memref<1048576xi32, #tpu.memory_space<hbm>>) dst(%dma_wait3A_8 : memref<128xi32, #tpu.memory_space<vmem>>)
    %dma_start3A_13 = arith.constant 0 : i32
    %dma_start3A_14 = tpu.memref_slice %arg10[%dma_start3A_13] : memref<512xi32, #tpu.memory_space<vmem>> -> memref<128xi32, #tpu.memory_space<vmem>>
    %dma_start3A_15 = arith.constant 0 : i32
    %dma_start3A_16 = tpu.memref_slice %arg8[%dma_start3A_15] : memref<512xi32, #tpu.memory_space<vmem>> -> memref<128xi32, #tpu.memory_space<vmem>>
    %dma_start3A_17 = arith.constant 0 : i32
    %dma_start3A_18 = tpu.memref_slice %arg5[%dma_start3A_17] : memref<1048576xi32, #tpu.memory_space<hbm>> -> memref<1048576xi32, #tpu.memory_space<hbm>>
    tpu.enqueue_indirect_dma source(%dma_start3A_18 : memref<1048576xi32, #tpu.memory_space<hbm>>) target(%dma_start3A_14 : memref<128xi32, #tpu.memory_space<vmem>>) offsets(%dma_start3A_16 : memref<128xi32, #tpu.memory_space<vmem>>) semaphore(%arg17 : memref<!tpu.dma_semaphore, #tpu.memory_space<semaphore_mem>>)
    %dma_wait3A_19 = arith.constant 0 : i32
    %dma_wait3A_20 = tpu.memref_slice %arg10[%dma_wait3A_19] : memref<512xi32, #tpu.memory_space<vmem>> -> memref<128xi32, #tpu.memory_space<vmem>>
    %dma_wait3A_21 = arith.constant 0 : i32
    %dma_wait3A_22 = tpu.memref_slice %arg8[%dma_wait3A_21] : memref<512xi32, #tpu.memory_space<vmem>> -> memref<128xi32, #tpu.memory_space<vmem>>
    %dma_wait3A_23 = arith.constant 0 : i32
    %dma_wait3A_24 = tpu.memref_slice %arg5[%dma_wait3A_23] : memref<1048576xi32, #tpu.memory_space<hbm>> -> memref<1048576xi32, #tpu.memory_space<hbm>>
    tpu.wait_indirect_dma semaphore(%arg17 : memref<!tpu.dma_semaphore, #tpu.memory_space<semaphore_mem>>) src(%dma_wait3A_24 : memref<1048576xi32, #tpu.memory_space<hbm>>) dst(%dma_wait3A_20 : memref<128xi32, #tpu.memory_space<vmem>>)
    %dma_start3A_25 = arith.constant 128 : i32
    %dma_start3A_26 = tpu.memref_slice %arg9[%dma_start3A_25] : memref<512xi32, #tpu.memory_space<vmem>> -> memref<128xi32, #tpu.memory_space<vmem>>
    %dma_start3A_27 = arith.constant 128 : i32
    %dma_start3A_28 = tpu.memref_slice %arg8[%dma_start3A_27] : memref<512xi32, #tpu.memory_space<vmem>> -> memref<128xi32, #tpu.memory_space<vmem>>
    %dma_start3A_29 = arith.constant 0 : i32
    %dma_start3A_30 = tpu.memref_slice %arg4[%dma_start3A_29] : memref<1048576xi32, #tpu.memory_space<hbm>> -> memref<1048576xi32, #tpu.memory_space<hbm>>
    tpu.enqueue_indirect_dma source(%dma_start3A_30 : memref<1048576xi32, #tpu.memory_space<hbm>>) target(%dma_start3A_26 : memref<128xi32, #tpu.memory_space<vmem>>) offsets(%dma_start3A_28 : memref<128xi32, #tpu.memory_space<vmem>>) semaphore(%arg17 : memref<!tpu.dma_semaphore, #tpu.memory_space<semaphore_mem>>)
    %dma_wait3A_31 = arith.constant 128 : i32
    %dma_wait3A_32 = tpu.memref_slice %arg9[%dma_wait3A_31] : memref<512xi32, #tpu.memory_space<vmem>> -> memref<128xi32, #tpu.memory_space<vmem>>
    %dma_wait3A_33 = arith.constant 128 : i32
    %dma_wait3A_34 = tpu.memref_slice %arg8[%dma_wait3A_33] : memref<512xi32, #tpu.memory_space<vmem>> -> memref<128xi32, #tpu.memory_space<vmem>>
    %dma_wait3A_35 = arith.constant 0 : i32
    %dma_wait3A_36 = tpu.memref_slice %arg4[%dma_wait3A_35] : memref<1048576xi32, #tpu.memory_space<hbm>> -> memref<1048576xi32, #tpu.memory_space<hbm>>
    tpu.wait_indirect_dma semaphore(%arg17 : memref<!tpu.dma_semaphore, #tpu.memory_space<semaphore_mem>>) src(%dma_wait3A_36 : memref<1048576xi32, #tpu.memory_space<hbm>>) dst(%dma_wait3A_32 : memref<128xi32, #tpu.memory_space<vmem>>)
    %dma_start3A_37 = arith.constant 128 : i32
    %dma_start3A_38 = tpu.memref_slice %arg10[%dma_start3A_37] : memref<512xi32, #tpu.memory_space<vmem>> -> memref<128xi32, #tpu.memory_space<vmem>>
    %dma_start3A_39 = arith.constant 128 : i32
    %dma_start3A_40 = tpu.memref_slice %arg8[%dma_start3A_39] : memref<512xi32, #tpu.memory_space<vmem>> -> memref<128xi32, #tpu.memory_space<vmem>>
    %dma_start3A_41 = arith.constant 0 : i32
    %dma_start3A_42 = tpu.memref_slice %arg5[%dma_start3A_41] : memref<1048576xi32, #tpu.memory_space<hbm>> -> memref<1048576xi32, #tpu.memory_space<hbm>>
    tpu.enqueue_indirect_dma source(%dma_start3A_42 : memref<1048576xi32, #tpu.memory_space<hbm>>) target(%dma_start3A_38 : memref<128xi32, #tpu.memory_space<vmem>>) offsets(%dma_start3A_40 : memref<128xi32, #tpu.memory_space<vmem>>) semaphore(%arg17 : memref<!tpu.dma_semaphore, #tpu.memory_space<semaphore_mem>>)
    %dma_wait3A_43 = arith.constant 128 : i32
    %dma_wait3A_44 = tpu.memref_slice %arg10[%dma_wait3A_43] : memref<512xi32, #tpu.memory_space<vmem>> -> memref<128xi32, #tpu.memory_space<vmem>>
    %dma_wait3A_45 = arith.constant 128 : i32
    %dma_wait3A_46 = tpu.memref_slice %arg8[%dma_wait3A_45] : memref<512xi32, #tpu.memory_space<vmem>> -> memref<128xi32, #tpu.memory_space<vmem>>
    %dma_wait3A_47 = arith.constant 0 : i32
    %dma_wait3A_48 = tpu.memref_slice %arg5[%dma_wait3A_47] : memref<1048576xi32, #tpu.memory_space<hbm>> -> memref<1048576xi32, #tpu.memory_space<hbm>>
    tpu.wait_indirect_dma semaphore(%arg17 : memref<!tpu.dma_semaphore, #tpu.memory_space<semaphore_mem>>) src(%dma_wait3A_48 : memref<1048576xi32, #tpu.memory_space<hbm>>) dst(%dma_wait3A_44 : memref<128xi32, #tpu.memory_space<vmem>>)
    %dma_start3A_49 = arith.constant 256 : i32
    %dma_start3A_50 = tpu.memref_slice %arg9[%dma_start3A_49] : memref<512xi32, #tpu.memory_space<vmem>> -> memref<128xi32, #tpu.memory_space<vmem>>
    %dma_start3A_51 = arith.constant 256 : i32
    %dma_start3A_52 = tpu.memref_slice %arg8[%dma_start3A_51] : memref<512xi32, #tpu.memory_space<vmem>> -> memref<128xi32, #tpu.memory_space<vmem>>
    %dma_start3A_53 = arith.constant 0 : i32
    %dma_start3A_54 = tpu.memref_slice %arg4[%dma_start3A_53] : memref<1048576xi32, #tpu.memory_space<hbm>> -> memref<1048576xi32, #tpu.memory_space<hbm>>
    tpu.enqueue_indirect_dma source(%dma_start3A_54 : memref<1048576xi32, #tpu.memory_space<hbm>>) target(%dma_start3A_50 : memref<128xi32, #tpu.memory_space<vmem>>) offsets(%dma_start3A_52 : memref<128xi32, #tpu.memory_space<vmem>>) semaphore(%arg17 : memref<!tpu.dma_semaphore, #tpu.memory_space<semaphore_mem>>)
    %dma_wait3A_55 = arith.constant 256 : i32
    %dma_wait3A_56 = tpu.memref_slice %arg9[%dma_wait3A_55] : memref<512xi32, #tpu.memory_space<vmem>> -> memref<128xi32, #tpu.memory_space<vmem>>
    %dma_wait3A_57 = arith.constant 256 : i32
    %dma_wait3A_58 = tpu.memref_slice %arg8[%dma_wait3A_57] : memref<512xi32, #tpu.memory_space<vmem>> -> memref<128xi32, #tpu.memory_space<vmem>>
    %dma_wait3A_59 = arith.constant 0 : i32
    %dma_wait3A_60 = tpu.memref_slice %arg4[%dma_wait3A_59] : memref<1048576xi32, #tpu.memory_space<hbm>> -> memref<1048576xi32, #tpu.memory_space<hbm>>
    tpu.wait_indirect_dma semaphore(%arg17 : memref<!tpu.dma_semaphore, #tpu.memory_space<semaphore_mem>>) src(%dma_wait3A_60 : memref<1048576xi32, #tpu.memory_space<hbm>>) dst(%dma_wait3A_56 : memref<128xi32, #tpu.memory_space<vmem>>)
    %dma_start3A_61 = arith.constant 256 : i32
    %dma_start3A_62 = tpu.memref_slice %arg10[%dma_start3A_61] : memref<512xi32, #tpu.memory_space<vmem>> -> memref<128xi32, #tpu.memory_space<vmem>>
    %dma_start3A_63 = arith.constant 256 : i32
    %dma_start3A_64 = tpu.memref_slice %arg8[%dma_start3A_63] : memref<512xi32, #tpu.memory_space<vmem>> -> memref<128xi32, #tpu.memory_space<vmem>>
    %dma_start3A_65 = arith.constant 0 : i32
    %dma_start3A_66 = tpu.memref_slice %arg5[%dma_start3A_65] : memref<1048576xi32, #tpu.memory_space<hbm>> -> memref<1048576xi32, #tpu.memory_space<hbm>>
    tpu.enqueue_indirect_dma source(%dma_start3A_66 : memref<1048576xi32, #tpu.memory_space<hbm>>) target(%dma_start3A_62 : memref<128xi32, #tpu.memory_space<vmem>>) offsets(%dma_start3A_64 : memref<128xi32, #tpu.memory_space<vmem>>) semaphore(%arg17 : memref<!tpu.dma_semaphore, #tpu.memory_space<semaphore_mem>>)
    %dma_wait3A_67 = arith.constant 256 : i32
    %dma_wait3A_68 = tpu.memref_slice %arg10[%dma_wait3A_67] : memref<512xi32, #tpu.memory_space<vmem>> -> memref<128xi32, #tpu.memory_space<vmem>>
    %dma_wait3A_69 = arith.constant 256 : i32
    %dma_wait3A_70 = tpu.memref_slice %arg8[%dma_wait3A_69] : memref<512xi32, #tpu.memory_space<vmem>> -> memref<128xi32, #tpu.memory_space<vmem>>
    %dma_wait3A_71 = arith.constant 0 : i32
    %dma_wait3A_72 = tpu.memref_slice %arg5[%dma_wait3A_71] : memref<1048576xi32, #tpu.memory_space<hbm>> -> memref<1048576xi32, #tpu.memory_space<hbm>>
    tpu.wait_indirect_dma semaphore(%arg17 : memref<!tpu.dma_semaphore, #tpu.memory_space<semaphore_mem>>) src(%dma_wait3A_72 : memref<1048576xi32, #tpu.memory_space<hbm>>) dst(%dma_wait3A_68 : memref<128xi32, #tpu.memory_space<vmem>>)
    %dma_start3A_73 = arith.constant 384 : i32
    %dma_start3A_74 = tpu.memref_slice %arg9[%dma_start3A_73] : memref<512xi32, #tpu.memory_space<vmem>> -> memref<128xi32, #tpu.memory_space<vmem>>
    %dma_start3A_75 = arith.constant 384 : i32
    %dma_start3A_76 = tpu.memref_slice %arg8[%dma_start3A_75] : memref<512xi32, #tpu.memory_space<vmem>> -> memref<128xi32, #tpu.memory_space<vmem>>
    %dma_start3A_77 = arith.constant 0 : i32
    %dma_start3A_78 = tpu.memref_slice %arg4[%dma_start3A_77] : memref<1048576xi32, #tpu.memory_space<hbm>> -> memref<1048576xi32, #tpu.memory_space<hbm>>
    tpu.enqueue_indirect_dma source(%dma_start3A_78 : memref<1048576xi32, #tpu.memory_space<hbm>>) target(%dma_start3A_74 : memref<128xi32, #tpu.memory_space<vmem>>) offsets(%dma_start3A_76 : memref<128xi32, #tpu.memory_space<vmem>>) semaphore(%arg17 : memref<!tpu.dma_semaphore, #tpu.memory_space<semaphore_mem>>)
    %dma_wait3A_79 = arith.constant 384 : i32
    %dma_wait3A_80 = tpu.memref_slice %arg9[%dma_wait3A_79] : memref<512xi32, #tpu.memory_space<vmem>> -> memref<128xi32, #tpu.memory_space<vmem>>
    %dma_wait3A_81 = arith.constant 384 : i32
    %dma_wait3A_82 = tpu.memref_slice %arg8[%dma_wait3A_81] : memref<512xi32, #tpu.memory_space<vmem>> -> memref<128xi32, #tpu.memory_space<vmem>>
    %dma_wait3A_83 = arith.constant 0 : i32
    %dma_wait3A_84 = tpu.memref_slice %arg4[%dma_wait3A_83] : memref<1048576xi32, #tpu.memory_space<hbm>> -> memref<1048576xi32, #tpu.memory_space<hbm>>
    tpu.wait_indirect_dma semaphore(%arg17 : memref<!tpu.dma_semaphore, #tpu.memory_space<semaphore_mem>>) src(%dma_wait3A_84 : memref<1048576xi32, #tpu.memory_space<hbm>>) dst(%dma_wait3A_80 : memref<128xi32, #tpu.memory_space<vmem>>)
    %dma_start3A_85 = arith.constant 384 : i32
    %dma_start3A_86 = tpu.memref_slice %arg10[%dma_start3A_85] : memref<512xi32, #tpu.memory_space<vmem>> -> memref<128xi32, #tpu.memory_space<vmem>>
    %dma_start3A_87 = arith.constant 384 : i32
    %dma_start3A_88 = tpu.memref_slice %arg8[%dma_start3A_87] : memref<512xi32, #tpu.memory_space<vmem>> -> memref<128xi32, #tpu.memory_space<vmem>>
    %dma_start3A_89 = arith.constant 0 : i32
    %dma_start3A_90 = tpu.memref_slice %arg5[%dma_start3A_89] : memref<1048576xi32, #tpu.memory_space<hbm>> -> memref<1048576xi32, #tpu.memory_space<hbm>>
    tpu.enqueue_indirect_dma source(%dma_start3A_90 : memref<1048576xi32, #tpu.memory_space<hbm>>) target(%dma_start3A_86 : memref<128xi32, #tpu.memory_space<vmem>>) offsets(%dma_start3A_88 : memref<128xi32, #tpu.memory_space<vmem>>) semaphore(%arg17 : memref<!tpu.dma_semaphore, #tpu.memory_space<semaphore_mem>>)
    %dma_wait3A_91 = arith.constant 384 : i32
    %dma_wait3A_92 = tpu.memref_slice %arg10[%dma_wait3A_91] : memref<512xi32, #tpu.memory_space<vmem>> -> memref<128xi32, #tpu.memory_space<vmem>>
    %dma_wait3A_93 = arith.constant 384 : i32
    %dma_wait3A_94 = tpu.memref_slice %arg8[%dma_wait3A_93] : memref<512xi32, #tpu.memory_space<vmem>> -> memref<128xi32, #tpu.memory_space<vmem>>
    %dma_wait3A_95 = arith.constant 0 : i32
    %dma_wait3A_96 = tpu.memref_slice %arg5[%dma_wait3A_95] : memref<1048576xi32, #tpu.memory_space<hbm>> -> memref<1048576xi32, #tpu.memory_space<hbm>>
    tpu.wait_indirect_dma semaphore(%arg17 : memref<!tpu.dma_semaphore, #tpu.memory_space<semaphore_mem>>) src(%dma_wait3A_96 : memref<1048576xi32, #tpu.memory_space<hbm>>) dst(%dma_wait3A_92 : memref<128xi32, #tpu.memory_space<vmem>>)
    %scan3A = arith.constant 0 : i32
    %scan3A_97 = arith.constant 0 : i32
    %scan3A_98 = arith.constant 32 : i32
    %scan3A_99 = arith.addi %scan3A_97, %scan3A_98 : i32
    %scan3A_100 = arith.constant 1 : i32
    scf.for %scan3A_268 = %scan3A_97 to %scan3A_99 step %scan3A_100  : i32 {
      %mul3A_269 = arith.constant 16 : i32
      %mul3A_270 = arith.muli %scan3A_268, %mul3A_269 : i32
      %get3A = arith.index_cast %mul3A_270 : i32 to index
      %get3A_271 = tpu.vector_load %arg9[%get3A] {strides = array<i32>} : memref<512xi32, #tpu.memory_space<vmem>>, vector<16xi32>,
      %mul3A_272 = arith.constant 16 : i32
      %mul3A_273 = arith.muli %scan3A_268, %mul3A_272 : i32
      %get3A_274 = arith.index_cast %mul3A_273 : i32 to index
      %get3A_275 = tpu.vector_load %arg10[%get3A_274] {strides = array<i32>} : memref<512xi32, #tpu.memory_space<vmem>>, vector<16xi32>,
      %sub3A = arith.constant 1 : i32
      %sub3A_276 = vector.broadcast %sub3A : i32 to vector<16xi32>
      %sub3A_277 = arith.subi %get3A_271, %sub3A_276 : vector<16xi32>
      %max3A = arith.constant 0 : i32
      %max3A_278 = vector.broadcast %max3A : i32 to vector<16xi32>
      %max3A_279 = arith.maxsi %sub3A_277, %max3A_278 : vector<16xi32>
      %mul3A_280 = arith.constant 16 : i32
      %mul3A_281 = arith.muli %scan3A_268, %mul3A_280 : i32
      %swap3A = arith.index_cast %mul3A_281 : i32 to index
      %swap3A_282 = tpu.vector_load %arg11[%swap3A] {strides = array<i32>} : memref<512xi32, #tpu.memory_space<vmem>>, vector<16xi32>,
      tpu.vector_store %arg11[%swap3A], %max3A_279 {strides = array<i32>} : memref<512xi32, #tpu.memory_space<vmem>>, vector<16xi32>,
      %sub3A_283 = arith.constant 1 : i32
      %sub3A_284 = vector.broadcast %sub3A_283 : i32 to vector<16xi32>
      %sub3A_285 = arith.subi %get3A_275, %sub3A_284 : vector<16xi32>
      %max3A_286 = arith.constant 0 : i32
      %max3A_287 = vector.broadcast %max3A_286 : i32 to vector<16xi32>
      %max3A_288 = arith.maxsi %sub3A_285, %max3A_287 : vector<16xi32>
      %mul3A_289 = arith.constant 16 : i32
      %mul3A_290 = arith.muli %scan3A_268, %mul3A_289 : i32
      %swap3A_291 = arith.index_cast %mul3A_290 : i32 to index
      %swap3A_292 = tpu.vector_load %arg12[%swap3A_291] {strides = array<i32>} : memref<512xi32, #tpu.memory_space<vmem>>, vector<16xi32>,
      tpu.vector_store %arg12[%swap3A_291], %max3A_288 {strides = array<i32>} : memref<512xi32, #tpu.memory_space<vmem>>, vector<16xi32>,
    }
    %scan3A_101 = arith.constant 32 : i32
    %dma_start3A_102 = arith.constant 0 : i32
    %dma_start3A_103 = tpu.memref_slice %arg13[%dma_start3A_102] : memref<512xi32, #tpu.memory_space<vmem>> -> memref<128xi32, #tpu.memory_space<vmem>>
    %dma_start3A_104 = arith.constant 0 : i32
    %dma_start3A_105 = tpu.memref_slice %arg11[%dma_start3A_104] : memref<512xi32, #tpu.memory_space<vmem>> -> memref<128xi32, #tpu.memory_space<vmem>>
    %dma_start3A_106 = arith.constant 0 : i32
    %dma_start3A_107 = tpu.memref_slice %arg3[%dma_start3A_106] : memref<16384xi32, #tpu.memory_space<hbm>> -> memref<16384xi32, #tpu.memory_space<hbm>>
    tpu.enqueue_indirect_dma source(%dma_start3A_107 : memref<16384xi32, #tpu.memory_space<hbm>>) target(%dma_start3A_103 : memref<128xi32, #tpu.memory_space<vmem>>) offsets(%dma_start3A_105 : memref<128xi32, #tpu.memory_space<vmem>>) semaphore(%arg17 : memref<!tpu.dma_semaphore, #tpu.memory_space<semaphore_mem>>)
    %dma_wait3A_108 = arith.constant 0 : i32
    %dma_wait3A_109 = tpu.memref_slice %arg13[%dma_wait3A_108] : memref<512xi32, #tpu.memory_space<vmem>> -> memref<128xi32, #tpu.memory_space<vmem>>
    %dma_wait3A_110 = arith.constant 0 : i32
    %dma_wait3A_111 = tpu.memref_slice %arg11[%dma_wait3A_110] : memref<512xi32, #tpu.memory_space<vmem>> -> memref<128xi32, #tpu.memory_space<vmem>>
    %dma_wait3A_112 = arith.constant 0 : i32
    %dma_wait3A_113 = tpu.memref_slice %arg3[%dma_wait3A_112] : memref<16384xi32, #tpu.memory_space<hbm>> -> memref<16384xi32, #tpu.memory_space<hbm>>
    tpu.wait_indirect_dma semaphore(%arg17 : memref<!tpu.dma_semaphore, #tpu.memory_space<semaphore_mem>>) src(%dma_wait3A_113 : memref<16384xi32, #tpu.memory_space<hbm>>) dst(%dma_wait3A_109 : memref<128xi32, #tpu.memory_space<vmem>>)
    %dma_start3A_114 = arith.constant 0 : i32
    %dma_start3A_115 = tpu.memref_slice %arg14[%dma_start3A_114] : memref<512xi32, #tpu.memory_space<vmem>> -> memref<128xi32, #tpu.memory_space<vmem>>
    %dma_start3A_116 = arith.constant 0 : i32
    %dma_start3A_117 = tpu.memref_slice %arg12[%dma_start3A_116] : memref<512xi32, #tpu.memory_space<vmem>> -> memref<128xi32, #tpu.memory_space<vmem>>
    %dma_start3A_118 = arith.constant 0 : i32
    %dma_start3A_119 = tpu.memref_slice %arg3[%dma_start3A_118] : memref<16384xi32, #tpu.memory_space<hbm>> -> memref<16384xi32, #tpu.memory_space<hbm>>
    tpu.enqueue_indirect_dma source(%dma_start3A_119 : memref<16384xi32, #tpu.memory_space<hbm>>) target(%dma_start3A_115 : memref<128xi32, #tpu.memory_space<vmem>>) offsets(%dma_start3A_117 : memref<128xi32, #tpu.memory_space<vmem>>) semaphore(%arg17 : memref<!tpu.dma_semaphore, #tpu.memory_space<semaphore_mem>>)
    %dma_wait3A_120 = arith.constant 0 : i32
    %dma_wait3A_121 = tpu.memref_slice %arg14[%dma_wait3A_120] : memref<512xi32, #tpu.memory_space<vmem>> -> memref<128xi32, #tpu.memory_space<vmem>>
    %dma_wait3A_122 = arith.constant 0 : i32
    %dma_wait3A_123 = tpu.memref_slice %arg12[%dma_wait3A_122] : memref<512xi32, #tpu.memory_space<vmem>> -> memref<128xi32, #tpu.memory_space<vmem>>
    %dma_wait3A_124 = arith.constant 0 : i32
    %dma_wait3A_125 = tpu.memref_slice %arg3[%dma_wait3A_124] : memref<16384xi32, #tpu.memory_space<hbm>> -> memref<16384xi32, #tpu.memory_space<hbm>>
    tpu.wait_indirect_dma semaphore(%arg17 : memref<!tpu.dma_semaphore, #tpu.memory_space<semaphore_mem>>) src(%dma_wait3A_125 : memref<16384xi32, #tpu.memory_space<hbm>>) dst(%dma_wait3A_121 : memref<128xi32, #tpu.memory_space<vmem>>)
    %dma_start3A_126 = arith.constant 128 : i32
    %dma_start3A_127 = tpu.memref_slice %arg13[%dma_start3A_126] : memref<512xi32, #tpu.memory_space<vmem>> -> memref<128xi32, #tpu.memory_space<vmem>>
    %dma_start3A_128 = arith.constant 128 : i32
    %dma_start3A_129 = tpu.memref_slice %arg11[%dma_start3A_128] : memref<512xi32, #tpu.memory_space<vmem>> -> memref<128xi32, #tpu.memory_space<vmem>>
    %dma_start3A_130 = arith.constant 0 : i32
    %dma_start3A_131 = tpu.memref_slice %arg3[%dma_start3A_130] : memref<16384xi32, #tpu.memory_space<hbm>> -> memref<16384xi32, #tpu.memory_space<hbm>>
    tpu.enqueue_indirect_dma source(%dma_start3A_131 : memref<16384xi32, #tpu.memory_space<hbm>>) target(%dma_start3A_127 : memref<128xi32, #tpu.memory_space<vmem>>) offsets(%dma_start3A_129 : memref<128xi32, #tpu.memory_space<vmem>>) semaphore(%arg17 : memref<!tpu.dma_semaphore, #tpu.memory_space<semaphore_mem>>)
    %dma_wait3A_132 = arith.constant 128 : i32
    %dma_wait3A_133 = tpu.memref_slice %arg13[%dma_wait3A_132] : memref<512xi32, #tpu.memory_space<vmem>> -> memref<128xi32, #tpu.memory_space<vmem>>
    %dma_wait3A_134 = arith.constant 128 : i32
    %dma_wait3A_135 = tpu.memref_slice %arg11[%dma_wait3A_134] : memref<512xi32, #tpu.memory_space<vmem>> -> memref<128xi32, #tpu.memory_space<vmem>>
    %dma_wait3A_136 = arith.constant 0 : i32
    %dma_wait3A_137 = tpu.memref_slice %arg3[%dma_wait3A_136] : memref<16384xi32, #tpu.memory_space<hbm>> -> memref<16384xi32, #tpu.memory_space<hbm>>
    tpu.wait_indirect_dma semaphore(%arg17 : memref<!tpu.dma_semaphore, #tpu.memory_space<semaphore_mem>>) src(%dma_wait3A_137 : memref<16384xi32, #tpu.memory_space<hbm>>) dst(%dma_wait3A_133 : memref<128xi32, #tpu.memory_space<vmem>>)
    %dma_start3A_138 = arith.constant 128 : i32
    %dma_start3A_139 = tpu.memref_slice %arg14[%dma_start3A_138] : memref<512xi32, #tpu.memory_space<vmem>> -> memref<128xi32, #tpu.memory_space<vmem>>
    %dma_start3A_140 = arith.constant 128 : i32
    %dma_start3A_141 = tpu.memref_slice %arg12[%dma_start3A_140] : memref<512xi32, #tpu.memory_space<vmem>> -> memref<128xi32, #tpu.memory_space<vmem>>
    %dma_start3A_142 = arith.constant 0 : i32
    %dma_start3A_143 = tpu.memref_slice %arg3[%dma_start3A_142] : memref<16384xi32, #tpu.memory_space<hbm>> -> memref<16384xi32, #tpu.memory_space<hbm>>
    tpu.enqueue_indirect_dma source(%dma_start3A_143 : memref<16384xi32, #tpu.memory_space<hbm>>) target(%dma_start3A_139 : memref<128xi32, #tpu.memory_space<vmem>>) offsets(%dma_start3A_141 : memref<128xi32, #tpu.memory_space<vmem>>) semaphore(%arg17 : memref<!tpu.dma_semaphore, #tpu.memory_space<semaphore_mem>>)
    %dma_wait3A_144 = arith.constant 128 : i32
    %dma_wait3A_145 = tpu.memref_slice %arg14[%dma_wait3A_144] : memref<512xi32, #tpu.memory_space<vmem>> -> memref<128xi32, #tpu.memory_space<vmem>>
    %dma_wait3A_146 = arith.constant 128 : i32
    %dma_wait3A_147 = tpu.memref_slice %arg12[%dma_wait3A_146] : memref<512xi32, #tpu.memory_space<vmem>> -> memref<128xi32, #tpu.memory_space<vmem>>
    %dma_wait3A_148 = arith.constant 0 : i32
    %dma_wait3A_149 = tpu.memref_slice %arg3[%dma_wait3A_148] : memref<16384xi32, #tpu.memory_space<hbm>> -> memref<16384xi32, #tpu.memory_space<hbm>>
    tpu.wait_indirect_dma semaphore(%arg17 : memref<!tpu.dma_semaphore, #tpu.memory_space<semaphore_mem>>) src(%dma_wait3A_149 : memref<16384xi32, #tpu.memory_space<hbm>>) dst(%dma_wait3A_145 : memref<128xi32, #tpu.memory_space<vmem>>)
    %dma_start3A_150 = arith.constant 256 : i32
    %dma_start3A_151 = tpu.memref_slice %arg13[%dma_start3A_150] : memref<512xi32, #tpu.memory_space<vmem>> -> memref<128xi32, #tpu.memory_space<vmem>>
    %dma_start3A_152 = arith.constant 256 : i32
    %dma_start3A_153 = tpu.memref_slice %arg11[%dma_start3A_152] : memref<512xi32, #tpu.memory_space<vmem>> -> memref<128xi32, #tpu.memory_space<vmem>>
    %dma_start3A_154 = arith.constant 0 : i32
    %dma_start3A_155 = tpu.memref_slice %arg3[%dma_start3A_154] : memref<16384xi32, #tpu.memory_space<hbm>> -> memref<16384xi32, #tpu.memory_space<hbm>>
    tpu.enqueue_indirect_dma source(%dma_start3A_155 : memref<16384xi32, #tpu.memory_space<hbm>>) target(%dma_start3A_151 : memref<128xi32, #tpu.memory_space<vmem>>) offsets(%dma_start3A_153 : memref<128xi32, #tpu.memory_space<vmem>>) semaphore(%arg17 : memref<!tpu.dma_semaphore, #tpu.memory_space<semaphore_mem>>)
    %dma_wait3A_156 = arith.constant 256 : i32
    %dma_wait3A_157 = tpu.memref_slice %arg13[%dma_wait3A_156] : memref<512xi32, #tpu.memory_space<vmem>> -> memref<128xi32, #tpu.memory_space<vmem>>
    %dma_wait3A_158 = arith.constant 256 : i32
    %dma_wait3A_159 = tpu.memref_slice %arg11[%dma_wait3A_158] : memref<512xi32, #tpu.memory_space<vmem>> -> memref<128xi32, #tpu.memory_space<vmem>>
    %dma_wait3A_160 = arith.constant 0 : i32
    %dma_wait3A_161 = tpu.memref_slice %arg3[%dma_wait3A_160] : memref<16384xi32, #tpu.memory_space<hbm>> -> memref<16384xi32, #tpu.memory_space<hbm>>
    tpu.wait_indirect_dma semaphore(%arg17 : memref<!tpu.dma_semaphore, #tpu.memory_space<semaphore_mem>>) src(%dma_wait3A_161 : memref<16384xi32, #tpu.memory_space<hbm>>) dst(%dma_wait3A_157 : memref<128xi32, #tpu.memory_space<vmem>>)
    %dma_start3A_162 = arith.constant 256 : i32
    %dma_start3A_163 = tpu.memref_slice %arg14[%dma_start3A_162] : memref<512xi32, #tpu.memory_space<vmem>> -> memref<128xi32, #tpu.memory_space<vmem>>
    %dma_start3A_164 = arith.constant 256 : i32
    %dma_start3A_165 = tpu.memref_slice %arg12[%dma_start3A_164] : memref<512xi32, #tpu.memory_space<vmem>> -> memref<128xi32, #tpu.memory_space<vmem>>
    %dma_start3A_166 = arith.constant 0 : i32
    %dma_start3A_167 = tpu.memref_slice %arg3[%dma_start3A_166] : memref<16384xi32, #tpu.memory_space<hbm>> -> memref<16384xi32, #tpu.memory_space<hbm>>
    tpu.enqueue_indirect_dma source(%dma_start3A_167 : memref<16384xi32, #tpu.memory_space<hbm>>) target(%dma_start3A_163 : memref<128xi32, #tpu.memory_space<vmem>>) offsets(%dma_start3A_165 : memref<128xi32, #tpu.memory_space<vmem>>) semaphore(%arg17 : memref<!tpu.dma_semaphore, #tpu.memory_space<semaphore_mem>>)
    %dma_wait3A_168 = arith.constant 256 : i32
    %dma_wait3A_169 = tpu.memref_slice %arg14[%dma_wait3A_168] : memref<512xi32, #tpu.memory_space<vmem>> -> memref<128xi32, #tpu.memory_space<vmem>>
    %dma_wait3A_170 = arith.constant 256 : i32
    %dma_wait3A_171 = tpu.memref_slice %arg12[%dma_wait3A_170] : memref<512xi32, #tpu.memory_space<vmem>> -> memref<128xi32, #tpu.memory_space<vmem>>
    %dma_wait3A_172 = arith.constant 0 : i32
    %dma_wait3A_173 = tpu.memref_slice %arg3[%dma_wait3A_172] : memref<16384xi32, #tpu.memory_space<hbm>> -> memref<16384xi32, #tpu.memory_space<hbm>>
    tpu.wait_indirect_dma semaphore(%arg17 : memref<!tpu.dma_semaphore, #tpu.memory_space<semaphore_mem>>) src(%dma_wait3A_173 : memref<16384xi32, #tpu.memory_space<hbm>>) dst(%dma_wait3A_169 : memref<128xi32, #tpu.memory_space<vmem>>)
    %dma_start3A_174 = arith.constant 384 : i32
    %dma_start3A_175 = tpu.memref_slice %arg13[%dma_start3A_174] : memref<512xi32, #tpu.memory_space<vmem>> -> memref<128xi32, #tpu.memory_space<vmem>>
    %dma_start3A_176 = arith.constant 384 : i32
    %dma_start3A_177 = tpu.memref_slice %arg11[%dma_start3A_176] : memref<512xi32, #tpu.memory_space<vmem>> -> memref<128xi32, #tpu.memory_space<vmem>>
    %dma_start3A_178 = arith.constant 0 : i32
    %dma_start3A_179 = tpu.memref_slice %arg3[%dma_start3A_178] : memref<16384xi32, #tpu.memory_space<hbm>> -> memref<16384xi32, #tpu.memory_space<hbm>>
    tpu.enqueue_indirect_dma source(%dma_start3A_179 : memref<16384xi32, #tpu.memory_space<hbm>>) target(%dma_start3A_175 : memref<128xi32, #tpu.memory_space<vmem>>) offsets(%dma_start3A_177 : memref<128xi32, #tpu.memory_space<vmem>>) semaphore(%arg17 : memref<!tpu.dma_semaphore, #tpu.memory_space<semaphore_mem>>)
    %dma_wait3A_180 = arith.constant 384 : i32
    %dma_wait3A_181 = tpu.memref_slice %arg13[%dma_wait3A_180] : memref<512xi32, #tpu.memory_space<vmem>> -> memref<128xi32, #tpu.memory_space<vmem>>
    %dma_wait3A_182 = arith.constant 384 : i32
    %dma_wait3A_183 = tpu.memref_slice %arg11[%dma_wait3A_182] : memref<512xi32, #tpu.memory_space<vmem>> -> memref<128xi32, #tpu.memory_space<vmem>>
    %dma_wait3A_184 = arith.constant 0 : i32
    %dma_wait3A_185 = tpu.memref_slice %arg3[%dma_wait3A_184] : memref<16384xi32, #tpu.memory_space<hbm>> -> memref<16384xi32, #tpu.memory_space<hbm>>
    tpu.wait_indirect_dma semaphore(%arg17 : memref<!tpu.dma_semaphore, #tpu.memory_space<semaphore_mem>>) src(%dma_wait3A_185 : memref<16384xi32, #tpu.memory_space<hbm>>) dst(%dma_wait3A_181 : memref<128xi32, #tpu.memory_space<vmem>>)
    %dma_start3A_186 = arith.constant 384 : i32
    %dma_start3A_187 = tpu.memref_slice %arg14[%dma_start3A_186] : memref<512xi32, #tpu.memory_space<vmem>> -> memref<128xi32, #tpu.memory_space<vmem>>
    %dma_start3A_188 = arith.constant 384 : i32
    %dma_start3A_189 = tpu.memref_slice %arg12[%dma_start3A_188] : memref<512xi32, #tpu.memory_space<vmem>> -> memref<128xi32, #tpu.memory_space<vmem>>
    %dma_start3A_190 = arith.constant 0 : i32
    %dma_start3A_191 = tpu.memref_slice %arg3[%dma_start3A_190] : memref<16384xi32, #tpu.memory_space<hbm>> -> memref<16384xi32, #tpu.memory_space<hbm>>
    tpu.enqueue_indirect_dma source(%dma_start3A_191 : memref<16384xi32, #tpu.memory_space<hbm>>) target(%dma_start3A_187 : memref<128xi32, #tpu.memory_space<vmem>>) offsets(%dma_start3A_189 : memref<128xi32, #tpu.memory_space<vmem>>) semaphore(%arg17 : memref<!tpu.dma_semaphore, #tpu.memory_space<semaphore_mem>>)
    %dma_wait3A_192 = arith.constant 384 : i32
    %dma_wait3A_193 = tpu.memref_slice %arg14[%dma_wait3A_192] : memref<512xi32, #tpu.memory_space<vmem>> -> memref<128xi32, #tpu.memory_space<vmem>>
    %dma_wait3A_194 = arith.constant 384 : i32
    %dma_wait3A_195 = tpu.memref_slice %arg12[%dma_wait3A_194] : memref<512xi32, #tpu.memory_space<vmem>> -> memref<128xi32, #tpu.memory_space<vmem>>
    %dma_wait3A_196 = arith.constant 0 : i32
    %dma_wait3A_197 = tpu.memref_slice %arg3[%dma_wait3A_196] : memref<16384xi32, #tpu.memory_space<hbm>> -> memref<16384xi32, #tpu.memory_space<hbm>>
    tpu.wait_indirect_dma semaphore(%arg17 : memref<!tpu.dma_semaphore, #tpu.memory_space<semaphore_mem>>) src(%dma_wait3A_197 : memref<16384xi32, #tpu.memory_space<hbm>>) dst(%dma_wait3A_193 : memref<128xi32, #tpu.memory_space<vmem>>)
    %scan3A_198 = arith.constant 0 : i32
    %scan3A_199 = arith.constant 0 : i32
    %scan3A_200 = arith.constant 32 : i32
    %scan3A_201 = arith.addi %scan3A_199, %scan3A_200 : i32
    %scan3A_202 = arith.constant 1 : i32
    scf.for %scan3A_268 = %scan3A_199 to %scan3A_201 step %scan3A_202  : i32 {
      %mul3A_269 = arith.constant 16 : i32
      %mul3A_270 = arith.muli %scan3A_268, %mul3A_269 : i32
      %get3A = arith.index_cast %mul3A_270 : i32 to index
      %get3A_271 = tpu.vector_load %arg9[%get3A] {strides = array<i32>} : memref<512xi32, #tpu.memory_space<vmem>>, vector<16xi32>,
      %mul3A_272 = arith.constant 16 : i32
      %mul3A_273 = arith.muli %scan3A_268, %mul3A_272 : i32
      %get3A_274 = arith.index_cast %mul3A_273 : i32 to index
      %get3A_275 = tpu.vector_load %arg10[%get3A_274] {strides = array<i32>} : memref<512xi32, #tpu.memory_space<vmem>>, vector<16xi32>,
      %mul3A_276 = arith.constant 16 : i32
      %mul3A_277 = arith.muli %scan3A_268, %mul3A_276 : i32
      %get3A_278 = arith.index_cast %mul3A_277 : i32 to index
      %get3A_279 = tpu.vector_load %arg13[%get3A_278] {strides = array<i32>} : memref<512xi32, #tpu.memory_space<vmem>>, vector<16xi32>,
      %mul3A_280 = arith.constant 16 : i32
      %mul3A_281 = arith.muli %scan3A_268, %mul3A_280 : i32
      %get3A_282 = arith.index_cast %mul3A_281 : i32 to index
      %get3A_283 = tpu.vector_load %arg14[%get3A_282] {strides = array<i32>} : memref<512xi32, #tpu.memory_space<vmem>>, vector<16xi32>,
      %gt3A = arith.constant 0 : i32
      %gt3A_284 = vector.broadcast %gt3A : i32 to vector<16xi32>
      %gt3A_285 = arith.cmpi sgt, %get3A_275, %gt3A_284 : vector<16xi32>
      %eq3A = arith.constant 0 : i32
      %eq3A_286 = vector.broadcast %eq3A : i32 to vector<16xi32>
      %eq3A_287 = arith.cmpi eq, %get3A_271, %eq3A_286 : vector<16xi32>
      %ge3A = arith.cmpi sge, %get3A_283, %get3A_279 : vector<16xi32>
      %or3A = arith.ori %eq3A_287, %ge3A : vector<16xi1>
      %and3A = arith.andi %gt3A_285, %or3A : vector<16xi1>
      %gt3A_288 = arith.constant 0 : i32
      %gt3A_289 = vector.broadcast %gt3A_288 : i32 to vector<16xi32>
      %gt3A_290 = arith.cmpi sgt, %get3A_271, %gt3A_289 : vector<16xi32>
      %not3A = arith.constant dense<true> : vector<16xi1>
      %not3A_291 = arith.xori %and3A, %not3A : vector<16xi1>
      %and3A_292 = arith.andi %gt3A_290, %not3A_291 : vector<16xi1>
      %mul3A_293 = arith.constant 16 : i32
      %mul3A_294 = arith.muli %scan3A_268, %mul3A_293 : i32
      %add3A_295 = arith.addi %mul3A_2, %mul3A_294 : i32
      %add3A_296 = vector.broadcast %add3A_295 : i32 to vector<16xi32>
      %add3A_297 = arith.addi %add3A_296, %iota3A : vector<16xi32>
      %add3A_298 = arith.constant 16384 : i32
      %add3A_299 = vector.broadcast %add3A_298 : i32 to vector<16xi32>
      %add3A_300 = arith.addi %add3A_299, %get3A_275 : vector<16xi32>
      %sub3A = arith.constant 1 : i32
      %sub3A_301 = vector.broadcast %sub3A : i32 to vector<16xi32>
      %sub3A_302 = arith.subi %add3A_300, %sub3A_301 : vector<16xi32>
      %sub3A_303 = arith.constant 1 : i32
      %sub3A_304 = vector.broadcast %sub3A_303 : i32 to vector<16xi32>
      %sub3A_305 = arith.subi %get3A_271, %sub3A_304 : vector<16xi32>
      %add3A_306 = arith.constant 32768 : i32
      %add3A_307 = vector.broadcast %add3A_306 : i32 to vector<16xi32>
      %add3A_308 = arith.addi %add3A_307, %add3A_297 : vector<16xi32>
      %select_n3A = arith.select %and3A_292, %sub3A_305, %add3A_308 : vector<16xi1>, vector<16xi32>
      %select_n3A_309 = arith.select %and3A, %sub3A_302, %select_n3A : vector<16xi1>, vector<16xi32>
      %mul3A_310 = arith.constant 16 : i32
      %mul3A_311 = arith.muli %scan3A_268, %mul3A_310 : i32
      %swap3A = arith.index_cast %mul3A_311 : i32 to index
      %swap3A_312 = tpu.vector_load %arg15[%swap3A] {strides = array<i32>} : memref<512xi32, #tpu.memory_space<vmem>>, vector<16xi32>,
      tpu.vector_store %arg15[%swap3A], %select_n3A_309 {strides = array<i32>} : memref<512xi32, #tpu.memory_space<vmem>>, vector<16xi32>,
    }
    %scan3A_203 = arith.constant 32 : i32
    %dma_start3A_204 = arith.constant 0 : i32
    %dma_start3A_205 = arith.constant 0 : i32
    %dma_start3A_206 = tpu.memref_slice %arg16[%dma_start3A_204, %dma_start3A_205] : memref<512x16xf32, #tpu.memory_space<vmem>> -> memref<128x16xf32, #tpu.memory_space<vmem>>
    %dma_start3A_207 = arith.constant 0 : i32
    %dma_start3A_208 = tpu.memref_slice %arg15[%dma_start3A_207] : memref<512xi32, #tpu.memory_space<vmem>> -> memref<128xi32, #tpu.memory_space<vmem>>
    %dma_start3A_209 = arith.constant 0 : i32
    %dma_start3A_210 = arith.constant 0 : i32
    %dma_start3A_211 = tpu.memref_slice %arg6[%dma_start3A_209, %dma_start3A_210] : memref<49152x16xf32, #tpu.memory_space<hbm>> -> memref<49152x16xf32, #tpu.memory_space<hbm>>
    tpu.enqueue_indirect_dma source(%dma_start3A_211 : memref<49152x16xf32, #tpu.memory_space<hbm>>) target(%dma_start3A_206 : memref<128x16xf32, #tpu.memory_space<vmem>>) offsets(%dma_start3A_208 : memref<128xi32, #tpu.memory_space<vmem>>) semaphore(%arg17 : memref<!tpu.dma_semaphore, #tpu.memory_space<semaphore_mem>>)
    %dma_wait3A_212 = arith.constant 0 : i32
    %dma_wait3A_213 = arith.constant 0 : i32
    %dma_wait3A_214 = tpu.memref_slice %arg16[%dma_wait3A_212, %dma_wait3A_213] : memref<512x16xf32, #tpu.memory_space<vmem>> -> memref<128x16xf32, #tpu.memory_space<vmem>>
    %dma_wait3A_215 = arith.constant 0 : i32
    %dma_wait3A_216 = tpu.memref_slice %arg15[%dma_wait3A_215] : memref<512xi32, #tpu.memory_space<vmem>> -> memref<128xi32, #tpu.memory_space<vmem>>
    %dma_wait3A_217 = arith.constant 0 : i32
    %dma_wait3A_218 = arith.constant 0 : i32
    %dma_wait3A_219 = tpu.memref_slice %arg6[%dma_wait3A_217, %dma_wait3A_218] : memref<49152x16xf32, #tpu.memory_space<hbm>> -> memref<49152x16xf32, #tpu.memory_space<hbm>>
    tpu.wait_indirect_dma semaphore(%arg17 : memref<!tpu.dma_semaphore, #tpu.memory_space<semaphore_mem>>) src(%dma_wait3A_219 : memref<49152x16xf32, #tpu.memory_space<hbm>>) dst(%dma_wait3A_214 : memref<128x16xf32, #tpu.memory_space<vmem>>)
    %dma_start3A_220 = arith.constant 128 : i32
    %dma_start3A_221 = arith.constant 0 : i32
    %dma_start3A_222 = tpu.memref_slice %arg16[%dma_start3A_220, %dma_start3A_221] : memref<512x16xf32, #tpu.memory_space<vmem>> -> memref<128x16xf32, #tpu.memory_space<vmem>>
    %dma_start3A_223 = arith.constant 128 : i32
    %dma_start3A_224 = tpu.memref_slice %arg15[%dma_start3A_223] : memref<512xi32, #tpu.memory_space<vmem>> -> memref<128xi32, #tpu.memory_space<vmem>>
    %dma_start3A_225 = arith.constant 0 : i32
    %dma_start3A_226 = arith.constant 0 : i32
    %dma_start3A_227 = tpu.memref_slice %arg6[%dma_start3A_225, %dma_start3A_226] : memref<49152x16xf32, #tpu.memory_space<hbm>> -> memref<49152x16xf32, #tpu.memory_space<hbm>>
    tpu.enqueue_indirect_dma source(%dma_start3A_227 : memref<49152x16xf32, #tpu.memory_space<hbm>>) target(%dma_start3A_222 : memref<128x16xf32, #tpu.memory_space<vmem>>) offsets(%dma_start3A_224 : memref<128xi32, #tpu.memory_space<vmem>>) semaphore(%arg17 : memref<!tpu.dma_semaphore, #tpu.memory_space<semaphore_mem>>)
    %dma_wait3A_228 = arith.constant 128 : i32
    %dma_wait3A_229 = arith.constant 0 : i32
    %dma_wait3A_230 = tpu.memref_slice %arg16[%dma_wait3A_228, %dma_wait3A_229] : memref<512x16xf32, #tpu.memory_space<vmem>> -> memref<128x16xf32, #tpu.memory_space<vmem>>
    %dma_wait3A_231 = arith.constant 128 : i32
    %dma_wait3A_232 = tpu.memref_slice %arg15[%dma_wait3A_231] : memref<512xi32, #tpu.memory_space<vmem>> -> memref<128xi32, #tpu.memory_space<vmem>>
    %dma_wait3A_233 = arith.constant 0 : i32
    %dma_wait3A_234 = arith.constant 0 : i32
    %dma_wait3A_235 = tpu.memref_slice %arg6[%dma_wait3A_233, %dma_wait3A_234] : memref<49152x16xf32, #tpu.memory_space<hbm>> -> memref<49152x16xf32, #tpu.memory_space<hbm>>
    tpu.wait_indirect_dma semaphore(%arg17 : memref<!tpu.dma_semaphore, #tpu.memory_space<semaphore_mem>>) src(%dma_wait3A_235 : memref<49152x16xf32, #tpu.memory_space<hbm>>) dst(%dma_wait3A_230 : memref<128x16xf32, #tpu.memory_space<vmem>>)
    %dma_start3A_236 = arith.constant 256 : i32
    %dma_start3A_237 = arith.constant 0 : i32
    %dma_start3A_238 = tpu.memref_slice %arg16[%dma_start3A_236, %dma_start3A_237] : memref<512x16xf32, #tpu.memory_space<vmem>> -> memref<128x16xf32, #tpu.memory_space<vmem>>
    %dma_start3A_239 = arith.constant 256 : i32
    %dma_start3A_240 = tpu.memref_slice %arg15[%dma_start3A_239] : memref<512xi32, #tpu.memory_space<vmem>> -> memref<128xi32, #tpu.memory_space<vmem>>
    %dma_start3A_241 = arith.constant 0 : i32
    %dma_start3A_242 = arith.constant 0 : i32
    %dma_start3A_243 = tpu.memref_slice %arg6[%dma_start3A_241, %dma_start3A_242] : memref<49152x16xf32, #tpu.memory_space<hbm>> -> memref<49152x16xf32, #tpu.memory_space<hbm>>
    tpu.enqueue_indirect_dma source(%dma_start3A_243 : memref<49152x16xf32, #tpu.memory_space<hbm>>) target(%dma_start3A_238 : memref<128x16xf32, #tpu.memory_space<vmem>>) offsets(%dma_start3A_240 : memref<128xi32, #tpu.memory_space<vmem>>) semaphore(%arg17 : memref<!tpu.dma_semaphore, #tpu.memory_space<semaphore_mem>>)
    %dma_wait3A_244 = arith.constant 256 : i32
    %dma_wait3A_245 = arith.constant 0 : i32
    %dma_wait3A_246 = tpu.memref_slice %arg16[%dma_wait3A_244, %dma_wait3A_245] : memref<512x16xf32, #tpu.memory_space<vmem>> -> memref<128x16xf32, #tpu.memory_space<vmem>>
    %dma_wait3A_247 = arith.constant 256 : i32
    %dma_wait3A_248 = tpu.memref_slice %arg15[%dma_wait3A_247] : memref<512xi32, #tpu.memory_space<vmem>> -> memref<128xi32, #tpu.memory_space<vmem>>
    %dma_wait3A_249 = arith.constant 0 : i32
    %dma_wait3A_250 = arith.constant 0 : i32
    %dma_wait3A_251 = tpu.memref_slice %arg6[%dma_wait3A_249, %dma_wait3A_250] : memref<49152x16xf32, #tpu.memory_space<hbm>> -> memref<49152x16xf32, #tpu.memory_space<hbm>>
    tpu.wait_indirect_dma semaphore(%arg17 : memref<!tpu.dma_semaphore, #tpu.memory_space<semaphore_mem>>) src(%dma_wait3A_251 : memref<49152x16xf32, #tpu.memory_space<hbm>>) dst(%dma_wait3A_246 : memref<128x16xf32, #tpu.memory_space<vmem>>)
    %dma_start3A_252 = arith.constant 384 : i32
    %dma_start3A_253 = arith.constant 0 : i32
    %dma_start3A_254 = tpu.memref_slice %arg16[%dma_start3A_252, %dma_start3A_253] : memref<512x16xf32, #tpu.memory_space<vmem>> -> memref<128x16xf32, #tpu.memory_space<vmem>>
    %dma_start3A_255 = arith.constant 384 : i32
    %dma_start3A_256 = tpu.memref_slice %arg15[%dma_start3A_255] : memref<512xi32, #tpu.memory_space<vmem>> -> memref<128xi32, #tpu.memory_space<vmem>>
    %dma_start3A_257 = arith.constant 0 : i32
    %dma_start3A_258 = arith.constant 0 : i32
    %dma_start3A_259 = tpu.memref_slice %arg6[%dma_start3A_257, %dma_start3A_258] : memref<49152x16xf32, #tpu.memory_space<hbm>> -> memref<49152x16xf32, #tpu.memory_space<hbm>>
    tpu.enqueue_indirect_dma source(%dma_start3A_259 : memref<49152x16xf32, #tpu.memory_space<hbm>>) target(%dma_start3A_254 : memref<128x16xf32, #tpu.memory_space<vmem>>) offsets(%dma_start3A_256 : memref<128xi32, #tpu.memory_space<vmem>>) semaphore(%arg17 : memref<!tpu.dma_semaphore, #tpu.memory_space<semaphore_mem>>)
    %dma_wait3A_260 = arith.constant 384 : i32
    %dma_wait3A_261 = arith.constant 0 : i32
    %dma_wait3A_262 = tpu.memref_slice %arg16[%dma_wait3A_260, %dma_wait3A_261] : memref<512x16xf32, #tpu.memory_space<vmem>> -> memref<128x16xf32, #tpu.memory_space<vmem>>
    %dma_wait3A_263 = arith.constant 384 : i32
    %dma_wait3A_264 = tpu.memref_slice %arg15[%dma_wait3A_263] : memref<512xi32, #tpu.memory_space<vmem>> -> memref<128xi32, #tpu.memory_space<vmem>>
    %dma_wait3A_265 = arith.constant 0 : i32
    %dma_wait3A_266 = arith.constant 0 : i32
    %dma_wait3A_267 = tpu.memref_slice %arg6[%dma_wait3A_265, %dma_wait3A_266] : memref<49152x16xf32, #tpu.memory_space<hbm>> -> memref<49152x16xf32, #tpu.memory_space<hbm>>
    tpu.wait_indirect_dma semaphore(%arg17 : memref<!tpu.dma_semaphore, #tpu.memory_space<semaphore_mem>>) src(%dma_wait3A_267 : memref<49152x16xf32, #tpu.memory_space<hbm>>) dst(%dma_wait3A_262 : memref<128x16xf32, #tpu.memory_space<vmem>>)
    "tpu.region"() ({
      %run_scoped3A = tpu.sem_alloc : memref<!tpu.dma_semaphore, #tpu.memory_space<semaphore_mem>>
      %dma_start3A_268 = arith.constant 0 : i32
      %dma_start3A_269 = tpu.memref_slice %arg7[%mul3A_2, %dma_start3A_268] : memref<16384x16xf32, #tpu.memory_space<hbm>> -> memref<512x16xf32, #tpu.memory_space<hbm>>
      %dma_start3A_270 = arith.constant 0 : i32
      %dma_start3A_271 = tpu.memref_slice %arg7[%mul3A_2, %dma_start3A_270] : memref<16384x16xf32, #tpu.memory_space<hbm>> -> memref<512x16xf32, #tpu.memory_space<hbm>>
      tpu.enqueue_dma source(%arg16 : memref<512x16xf32, #tpu.memory_space<vmem>>) target(%dma_start3A_271 : memref<512x16xf32, #tpu.memory_space<hbm>>) target_semaphore(%run_scoped3A : memref<!tpu.dma_semaphore, #tpu.memory_space<semaphore_mem>>)
      %dma_wait3A_272 = arith.constant 0 : i32
      %dma_wait3A_273 = tpu.memref_slice %arg7[%mul3A_2, %dma_wait3A_272] : memref<16384x16xf32, #tpu.memory_space<hbm>> -> memref<512x16xf32, #tpu.memory_space<hbm>>
      %dma_wait3A_274 = arith.constant 0 : i32
      %dma_wait3A_275 = tpu.memref_slice %arg7[%mul3A_2, %dma_wait3A_274] : memref<16384x16xf32, #tpu.memory_space<hbm>> -> memref<512x16xf32, #tpu.memory_space<hbm>>
      tpu.wait_dma2 semaphore(%run_scoped3A : memref<!tpu.dma_semaphore, #tpu.memory_space<semaphore_mem>>) src(%arg16 : memref<512x16xf32, #tpu.memory_space<vmem>>) dst(%dma_wait3A_275 : memref<512x16xf32, #tpu.memory_space<hbm>>)
      tpu.yield
    }) : () -> ()
    return
  }
}

#map = affine_map<(d0, d1) -> (0)>
#map1 = affine_map<(d0, d1) -> (0, 0)>
module attributes {stable_mosaic.version = 14 : i64} {
  func.func @_sca_body(%arg0: i32, %arg1: i32, %arg2: memref<16384xi32, #tpu.memory_space<hbm>>, %arg3: memref<16384xi32, #tpu.memory_space<hbm>>, %arg4: memref<16384xi32, #tpu.memory_space<hbm>>, %arg5: memref<1000000x32xf32, #tpu.memory_space<hbm>>, %arg6: memref<1000000xi32, #tpu.memory_space<hbm>>, %arg7: memref<16384x32xf32, #tpu.memory_space<hbm>>, %arg8: memref<16384x32xf32, #tpu.memory_space<hbm>>, %arg9: memref<16384x32xf32, #tpu.memory_space<hbm>>, %arg10: memref<16384xi32, #tpu.memory_space<hbm>>, %arg11: memref<16384xi32, #tpu.memory_space<hbm>>, %arg12: memref<1048576xi32, #tpu.memory_space<hbm>>, %arg13: memref<1048576xi32, #tpu.memory_space<hbm>>, %arg14: memref<512xi32, #tpu.memory_space<vmem>>, %arg15: memref<512x32xf32, #tpu.memory_space<vmem>>, %arg16: memref<512xi32, #tpu.memory_space<vmem>>, %arg17: memref<16384xi32, #tpu.memory_space<vmem>>, %arg18: memref<32768xi32, #tpu.memory_space<vmem>>, %arg19: memref<32768xi32, #tpu.memory_space<vmem>>, %arg20: memref<32xi32, #tpu.memory_space<vmem>>, %arg21: memref<!tpu.dma_semaphore, #tpu.memory_space<semaphore_mem>>) attributes {dimension_semantics = [#tpu.dimension_semantics<core_parallel>, #tpu.dimension_semantics<subcore_parallel>], iteration_bounds = array<i64: 2, 16>, scalar_prefetch = 0 : i64, scratch_operands = 8 : i64, tpu.core_type = #tpu.core_type<sc_vector_subcore>, window_params = [{transform_indices = #map}, {transform_indices = #map}, {transform_indices = #map}, {transform_indices = #map1}, {transform_indices = #map}, {transform_indices = #map1}, {transform_indices = #map1}, {transform_indices = #map1}, {transform_indices = #map}, {transform_indices = #map}, {transform_indices = #map}, {transform_indices = #map}]} {
    %mul3A = arith.constant 2 : i32
    %mul3A_0 = arith.muli %arg1, %mul3A : i32
    %add3A = arith.addi %mul3A_0, %arg0 : i32
    %mul3A_1 = arith.constant 512 : i32
    %mul3A_2 = arith.muli %add3A, %mul3A_1 : i32
    %iota3A = tpu.iota {dimensions = array<i32: 0>} : vector<16xi32>
    %broadcast_in_dim3A = arith.constant 0 : i32
    %broadcast_in_dim3A_3 = vector.broadcast %broadcast_in_dim3A : i32 to vector<16xi32>
    %broadcast_in_dim3A_4 = arith.constant -1 : i32
    %broadcast_in_dim3A_5 = vector.broadcast %broadcast_in_dim3A_4 : i32 to vector<16xi32>
    %swap3A = arith.constant 16 : index
    %swap3A_6 = tpu.vector_load %arg20[%swap3A] {strides = array<i32>} : memref<32xi32, #tpu.memory_space<vmem>>, vector<16xi32>,
    tpu.vector_store %arg20[%swap3A], %broadcast_in_dim3A_5 {strides = array<i32>} : memref<32xi32, #tpu.memory_space<vmem>>, vector<16xi32>,
    "tpu.region"() ({
      %run_scoped3A = tpu.sem_alloc : memref<!tpu.dma_semaphore, #tpu.memory_space<semaphore_mem>>
      %dma_start3A_314 = tpu.memref_slice %arg2[%mul3A_2] : memref<16384xi32, #tpu.memory_space<hbm>> -> memref<512xi32, #tpu.memory_space<hbm>>
      %dma_start3A_315 = tpu.memref_slice %arg2[%mul3A_2] : memref<16384xi32, #tpu.memory_space<hbm>> -> memref<512xi32, #tpu.memory_space<hbm>>
      tpu.enqueue_dma source(%dma_start3A_315 : memref<512xi32, #tpu.memory_space<hbm>>) target(%arg14 : memref<512xi32, #tpu.memory_space<vmem>>) target_semaphore(%run_scoped3A : memref<!tpu.dma_semaphore, #tpu.memory_space<semaphore_mem>>)
      %dma_wait3A_316 = tpu.memref_slice %arg2[%mul3A_2] : memref<16384xi32, #tpu.memory_space<hbm>> -> memref<512xi32, #tpu.memory_space<hbm>>
      %dma_wait3A_317 = tpu.memref_slice %arg2[%mul3A_2] : memref<16384xi32, #tpu.memory_space<hbm>> -> memref<512xi32, #tpu.memory_space<hbm>>
      tpu.wait_dma2 semaphore(%run_scoped3A : memref<!tpu.dma_semaphore, #tpu.memory_space<semaphore_mem>>) src(%dma_wait3A_317 : memref<512xi32, #tpu.memory_space<hbm>>) dst(%arg14 : memref<512xi32, #tpu.memory_space<vmem>>)
      tpu.yield
    }) : () -> ()
    %dma_start3A = arith.constant 0 : i32
    %dma_start3A_7 = arith.constant 0 : i32
    %dma_start3A_8 = tpu.memref_slice %arg15[%dma_start3A, %dma_start3A_7] : memref<512x32xf32, #tpu.memory_space<vmem>> -> memref<128x32xf32, #tpu.memory_space<vmem>>
    %dma_start3A_9 = arith.constant 0 : i32
    %dma_start3A_10 = tpu.memref_slice %arg14[%dma_start3A_9] : memref<512xi32, #tpu.memory_space<vmem>> -> memref<128xi32, #tpu.memory_space<vmem>>
    %dma_start3A_11 = arith.constant 0 : i32
    %dma_start3A_12 = arith.constant 0 : i32
    %dma_start3A_13 = tpu.memref_slice %arg5[%dma_start3A_11, %dma_start3A_12] : memref<1000000x32xf32, #tpu.memory_space<hbm>> -> memref<1000000x32xf32, #tpu.memory_space<hbm>>
    tpu.enqueue_indirect_dma source(%dma_start3A_13 : memref<1000000x32xf32, #tpu.memory_space<hbm>>) target(%dma_start3A_8 : memref<128x32xf32, #tpu.memory_space<vmem>>) offsets(%dma_start3A_10 : memref<128xi32, #tpu.memory_space<vmem>>) semaphore(%arg21 : memref<!tpu.dma_semaphore, #tpu.memory_space<semaphore_mem>>)
    %dma_start3A_14 = arith.constant 128 : i32
    %dma_start3A_15 = arith.constant 0 : i32
    %dma_start3A_16 = tpu.memref_slice %arg15[%dma_start3A_14, %dma_start3A_15] : memref<512x32xf32, #tpu.memory_space<vmem>> -> memref<128x32xf32, #tpu.memory_space<vmem>>
    %dma_start3A_17 = arith.constant 128 : i32
    %dma_start3A_18 = tpu.memref_slice %arg14[%dma_start3A_17] : memref<512xi32, #tpu.memory_space<vmem>> -> memref<128xi32, #tpu.memory_space<vmem>>
    %dma_start3A_19 = arith.constant 0 : i32
    %dma_start3A_20 = arith.constant 0 : i32
    %dma_start3A_21 = tpu.memref_slice %arg5[%dma_start3A_19, %dma_start3A_20] : memref<1000000x32xf32, #tpu.memory_space<hbm>> -> memref<1000000x32xf32, #tpu.memory_space<hbm>>
    tpu.enqueue_indirect_dma source(%dma_start3A_21 : memref<1000000x32xf32, #tpu.memory_space<hbm>>) target(%dma_start3A_16 : memref<128x32xf32, #tpu.memory_space<vmem>>) offsets(%dma_start3A_18 : memref<128xi32, #tpu.memory_space<vmem>>) semaphore(%arg21 : memref<!tpu.dma_semaphore, #tpu.memory_space<semaphore_mem>>)
    %dma_start3A_22 = arith.constant 256 : i32
    %dma_start3A_23 = arith.constant 0 : i32
    %dma_start3A_24 = tpu.memref_slice %arg15[%dma_start3A_22, %dma_start3A_23] : memref<512x32xf32, #tpu.memory_space<vmem>> -> memref<128x32xf32, #tpu.memory_space<vmem>>
    %dma_start3A_25 = arith.constant 256 : i32
    %dma_start3A_26 = tpu.memref_slice %arg14[%dma_start3A_25] : memref<512xi32, #tpu.memory_space<vmem>> -> memref<128xi32, #tpu.memory_space<vmem>>
    %dma_start3A_27 = arith.constant 0 : i32
    %dma_start3A_28 = arith.constant 0 : i32
    %dma_start3A_29 = tpu.memref_slice %arg5[%dma_start3A_27, %dma_start3A_28] : memref<1000000x32xf32, #tpu.memory_space<hbm>> -> memref<1000000x32xf32, #tpu.memory_space<hbm>>
    tpu.enqueue_indirect_dma source(%dma_start3A_29 : memref<1000000x32xf32, #tpu.memory_space<hbm>>) target(%dma_start3A_24 : memref<128x32xf32, #tpu.memory_space<vmem>>) offsets(%dma_start3A_26 : memref<128xi32, #tpu.memory_space<vmem>>) semaphore(%arg21 : memref<!tpu.dma_semaphore, #tpu.memory_space<semaphore_mem>>)
    %dma_start3A_30 = arith.constant 384 : i32
    %dma_start3A_31 = arith.constant 0 : i32
    %dma_start3A_32 = tpu.memref_slice %arg15[%dma_start3A_30, %dma_start3A_31] : memref<512x32xf32, #tpu.memory_space<vmem>> -> memref<128x32xf32, #tpu.memory_space<vmem>>
    %dma_start3A_33 = arith.constant 384 : i32
    %dma_start3A_34 = tpu.memref_slice %arg14[%dma_start3A_33] : memref<512xi32, #tpu.memory_space<vmem>> -> memref<128xi32, #tpu.memory_space<vmem>>
    %dma_start3A_35 = arith.constant 0 : i32
    %dma_start3A_36 = arith.constant 0 : i32
    %dma_start3A_37 = tpu.memref_slice %arg5[%dma_start3A_35, %dma_start3A_36] : memref<1000000x32xf32, #tpu.memory_space<hbm>> -> memref<1000000x32xf32, #tpu.memory_space<hbm>>
    tpu.enqueue_indirect_dma source(%dma_start3A_37 : memref<1000000x32xf32, #tpu.memory_space<hbm>>) target(%dma_start3A_32 : memref<128x32xf32, #tpu.memory_space<vmem>>) offsets(%dma_start3A_34 : memref<128xi32, #tpu.memory_space<vmem>>) semaphore(%arg21 : memref<!tpu.dma_semaphore, #tpu.memory_space<semaphore_mem>>)
    %scan3A = arith.constant 0 : i32
    %scan3A_38 = arith.constant 0 : i32
    %scan3A_39 = arith.constant 2048 : i32
    %scan3A_40 = arith.addi %scan3A_38, %scan3A_39 : i32
    %scan3A_41 = arith.constant 1 : i32
    scf.for %scan3A_314 = %scan3A_38 to %scan3A_40 step %scan3A_41  : i32 {
      %mul3A_315 = arith.constant 16 : i32
      %mul3A_316 = arith.muli %scan3A_314, %mul3A_315 : i32
      %swap3A_317 = arith.index_cast %mul3A_316 : i32 to index
      %swap3A_318 = tpu.vector_load %arg18[%swap3A_317] {strides = array<i32>} : memref<32768xi32, #tpu.memory_space<vmem>>, vector<16xi32>,
      tpu.vector_store %arg18[%swap3A_317], %broadcast_in_dim3A_3 {strides = array<i32>} : memref<32768xi32, #tpu.memory_space<vmem>>, vector<16xi32>,
      %mul3A_319 = arith.constant 16 : i32
      %mul3A_320 = arith.muli %scan3A_314, %mul3A_319 : i32
      %swap3A_321 = arith.index_cast %mul3A_320 : i32 to index
      %swap3A_322 = tpu.vector_load %arg19[%swap3A_321] {strides = array<i32>} : memref<32768xi32, #tpu.memory_space<vmem>>, vector<16xi32>,
      tpu.vector_store %arg19[%swap3A_321], %broadcast_in_dim3A_3 {strides = array<i32>} : memref<32768xi32, #tpu.memory_space<vmem>>, vector<16xi32>,
    }
    %scan3A_42 = arith.constant 2048 : i32
    "tpu.region"() ({
      %run_scoped3A = tpu.sem_alloc : memref<!tpu.dma_semaphore, #tpu.memory_space<semaphore_mem>>
      tpu.enqueue_dma source(%arg2 : memref<16384xi32, #tpu.memory_space<hbm>>) target(%arg17 : memref<16384xi32, #tpu.memory_space<vmem>>) target_semaphore(%run_scoped3A : memref<!tpu.dma_semaphore, #tpu.memory_space<semaphore_mem>>)
      tpu.wait_dma2 semaphore(%run_scoped3A : memref<!tpu.dma_semaphore, #tpu.memory_space<semaphore_mem>>) src(%arg2 : memref<16384xi32, #tpu.memory_space<hbm>>) dst(%arg17 : memref<16384xi32, #tpu.memory_space<vmem>>)
      tpu.yield
    }) : () -> ()
    %scan3A_43 = arith.constant 0 : i32
    %scan3A_44 = arith.constant 0 : i32
    %scan3A_45 = arith.constant 256 : i32
    %scan3A_46 = arith.addi %scan3A_44, %scan3A_45 : i32
    %scan3A_47 = arith.constant 1 : i32
    scf.for %scan3A_314 = %scan3A_44 to %scan3A_46 step %scan3A_47  : i32 {
      %mul3A_315 = arith.constant 4 : i32
      %mul3A_316 = arith.muli %scan3A_314, %mul3A_315 : i32
      %add3A_317 = arith.constant 0 : i32
      %add3A_318 = arith.addi %mul3A_316, %add3A_317 : i32
      %mul3A_319 = arith.constant 16 : i32
      %mul3A_320 = arith.muli %add3A_318, %mul3A_319 : i32
      %get3A = arith.index_cast %mul3A_320 : i32 to index
      %get3A_321 = tpu.vector_load %arg17[%get3A] {strides = array<i32>} : memref<16384xi32, #tpu.memory_space<vmem>>, vector<16xi32>,
      %mul3A_322 = arith.constant 16 : i32
      %mul3A_323 = vector.broadcast %mul3A_322 : i32 to vector<16xi32>
      %mul3A_324 = arith.muli %get3A_321, %mul3A_323 : vector<16xi32>
      %add3A_325 = arith.addi %mul3A_324, %iota3A : vector<16xi32>
      %masked_sort3A = arith.constant dense<true> : vector<16xi1>
      %masked_sort3A_326 = arith.constant -2147483648 : i32
      %masked_sort3A_327 = vector.broadcast %masked_sort3A_326 : i32 to vector<16xi32>
      %masked_sort3A_328 = arith.xori %add3A_325, %masked_sort3A_327 : vector<16xi32>
      %masked_sort3A_329, %masked_sort3A_330, %masked_sort3A_331 = tpu.sort %masked_sort3A_328, %add3A_325 masked %masked_sort3A : (vector<16xi32>, vector<16xi32>, vector<16xi1>) -> (vector<16xi1>, vector<16xi32>, vector<16xi32>)
      %masked_sort3A_332 = arith.xori %masked_sort3A_330, %masked_sort3A_327 : vector<16xi32>
      %swap3A_333 = arith.constant 0 : index
      %swap3A_334 = tpu.vector_load %arg20[%swap3A_333] {strides = array<i32>} : memref<32xi32, #tpu.memory_space<vmem>>, vector<16xi32>,
      tpu.vector_store %arg20[%swap3A_333], %masked_sort3A_332 {strides = array<i32>} : memref<32xi32, #tpu.memory_space<vmem>>, vector<16xi32>,
      %get3A_335 = arith.constant 1 : index
      %get3A_336 = tpu.vector_load %arg20[%get3A_335] {strides = array<i32>} : memref<32xi32, #tpu.memory_space<vmem>>, vector<16xi32>,
      %shift_right_arithmetic3A = arith.constant 4 : i32
      %shift_right_arithmetic3A_337 = vector.broadcast %shift_right_arithmetic3A : i32 to vector<16xi32>
      %shift_right_arithmetic3A_338 = arith.shrsi %masked_sort3A_332, %shift_right_arithmetic3A_337 : vector<16xi32>
      %shift_right_arithmetic3A_339 = arith.constant 4 : i32
      %shift_right_arithmetic3A_340 = vector.broadcast %shift_right_arithmetic3A_339 : i32 to vector<16xi32>
      %shift_right_arithmetic3A_341 = arith.shrsi %get3A_336, %shift_right_arithmetic3A_340 : vector<16xi32>
      %ne3A = arith.cmpi ne, %shift_right_arithmetic3A_338, %shift_right_arithmetic3A_341 : vector<16xi32>
      %shift_right_arithmetic3A_342 = arith.constant 15 : i32
      %shift_right_arithmetic3A_343 = vector.broadcast %shift_right_arithmetic3A_342 : i32 to vector<16xi32>
      %shift_right_arithmetic3A_344 = arith.shrsi %shift_right_arithmetic3A_338, %shift_right_arithmetic3A_343 : vector<16xi32>
      %eq3A = vector.broadcast %add3A : i32 to vector<16xi32>
      %eq3A_345 = arith.cmpi eq, %shift_right_arithmetic3A_344, %eq3A : vector<16xi32>
      %and3A = arith.andi %ne3A, %eq3A_345 : vector<16xi1>
      %mul3A_346 = arith.constant 16 : i32
      %mul3A_347 = arith.muli %add3A_318, %mul3A_346 : i32
      %and3A_348 = arith.constant 15 : i32
      %and3A_349 = vector.broadcast %and3A_348 : i32 to vector<16xi32>
      %and3A_350 = arith.andi %masked_sort3A_332, %and3A_349 : vector<16xi32>
      %add3A_351 = vector.broadcast %mul3A_347 : i32 to vector<16xi32>
      %add3A_352 = arith.addi %add3A_351, %and3A_350 : vector<16xi32>
      %add3A_353 = arith.constant 1 : i32
      %add3A_354 = vector.broadcast %add3A_353 : i32 to vector<16xi32>
      %add3A_355 = arith.addi %add3A_352, %add3A_354 : vector<16xi32>
      %and3A_356 = arith.constant 32767 : i32
      %and3A_357 = vector.broadcast %and3A_356 : i32 to vector<16xi32>
      %and3A_358 = arith.andi %shift_right_arithmetic3A_338, %and3A_357 : vector<16xi32>
      tpu.vector_store_idx %arg18[%and3A_358], %add3A_355 masked %and3A : memref<32768xi32, #tpu.memory_space<vmem>>[vector<16xi32>], vector<16xi32>, vector<16xi1>
      %mul3A_359 = arith.constant 4 : i32
      %mul3A_360 = arith.muli %scan3A_314, %mul3A_359 : i32
      %add3A_361 = arith.constant 1 : i32
      %add3A_362 = arith.addi %mul3A_360, %add3A_361 : i32
      %mul3A_363 = arith.constant 16 : i32
      %mul3A_364 = arith.muli %add3A_362, %mul3A_363 : i32
      %get3A_365 = arith.index_cast %mul3A_364 : i32 to index
      %get3A_366 = tpu.vector_load %arg17[%get3A_365] {strides = array<i32>} : memref<16384xi32, #tpu.memory_space<vmem>>, vector<16xi32>,
      %mul3A_367 = arith.constant 16 : i32
      %mul3A_368 = vector.broadcast %mul3A_367 : i32 to vector<16xi32>
      %mul3A_369 = arith.muli %get3A_366, %mul3A_368 : vector<16xi32>
      %add3A_370 = arith.addi %mul3A_369, %iota3A : vector<16xi32>
      %masked_sort3A_371 = arith.constant dense<true> : vector<16xi1>
      %masked_sort3A_372 = arith.constant -2147483648 : i32
      %masked_sort3A_373 = vector.broadcast %masked_sort3A_372 : i32 to vector<16xi32>
      %masked_sort3A_374 = arith.xori %add3A_370, %masked_sort3A_373 : vector<16xi32>
      %masked_sort3A_375, %masked_sort3A_376, %masked_sort3A_377 = tpu.sort %masked_sort3A_374, %add3A_370 masked %masked_sort3A_371 : (vector<16xi32>, vector<16xi32>, vector<16xi1>) -> (vector<16xi1>, vector<16xi32>, vector<16xi32>)
      %masked_sort3A_378 = arith.xori %masked_sort3A_376, %masked_sort3A_373 : vector<16xi32>
      %swap3A_379 = arith.constant 0 : index
      %swap3A_380 = tpu.vector_load %arg20[%swap3A_379] {strides = array<i32>} : memref<32xi32, #tpu.memory_space<vmem>>, vector<16xi32>,
      tpu.vector_store %arg20[%swap3A_379], %masked_sort3A_378 {strides = array<i32>} : memref<32xi32, #tpu.memory_space<vmem>>, vector<16xi32>,
      %get3A_381 = arith.constant 1 : index
      %get3A_382 = tpu.vector_load %arg20[%get3A_381] {strides = array<i32>} : memref<32xi32, #tpu.memory_space<vmem>>, vector<16xi32>,
      %shift_right_arithmetic3A_383 = arith.constant 4 : i32
      %shift_right_arithmetic3A_384 = vector.broadcast %shift_right_arithmetic3A_383 : i32 to vector<16xi32>
      %shift_right_arithmetic3A_385 = arith.shrsi %masked_sort3A_378, %shift_right_arithmetic3A_384 : vector<16xi32>
      %shift_right_arithmetic3A_386 = arith.constant 4 : i32
      %shift_right_arithmetic3A_387 = vector.broadcast %shift_right_arithmetic3A_386 : i32 to vector<16xi32>
      %shift_right_arithmetic3A_388 = arith.shrsi %get3A_382, %shift_right_arithmetic3A_387 : vector<16xi32>
      %ne3A_389 = arith.cmpi ne, %shift_right_arithmetic3A_385, %shift_right_arithmetic3A_388 : vector<16xi32>
      %shift_right_arithmetic3A_390 = arith.constant 15 : i32
      %shift_right_arithmetic3A_391 = vector.broadcast %shift_right_arithmetic3A_390 : i32 to vector<16xi32>
      %shift_right_arithmetic3A_392 = arith.shrsi %shift_right_arithmetic3A_385, %shift_right_arithmetic3A_391 : vector<16xi32>
      %eq3A_393 = vector.broadcast %add3A : i32 to vector<16xi32>
      %eq3A_394 = arith.cmpi eq, %shift_right_arithmetic3A_392, %eq3A_393 : vector<16xi32>
      %and3A_395 = arith.andi %ne3A_389, %eq3A_394 : vector<16xi1>
      %mul3A_396 = arith.constant 16 : i32
      %mul3A_397 = arith.muli %add3A_362, %mul3A_396 : i32
      %and3A_398 = arith.constant 15 : i32
      %and3A_399 = vector.broadcast %and3A_398 : i32 to vector<16xi32>
      %and3A_400 = arith.andi %masked_sort3A_378, %and3A_399 : vector<16xi32>
      %add3A_401 = vector.broadcast %mul3A_397 : i32 to vector<16xi32>
      %add3A_402 = arith.addi %add3A_401, %and3A_400 : vector<16xi32>
      %add3A_403 = arith.constant 1 : i32
      %add3A_404 = vector.broadcast %add3A_403 : i32 to vector<16xi32>
      %add3A_405 = arith.addi %add3A_402, %add3A_404 : vector<16xi32>
      %and3A_406 = arith.constant 32767 : i32
      %and3A_407 = vector.broadcast %and3A_406 : i32 to vector<16xi32>
      %and3A_408 = arith.andi %shift_right_arithmetic3A_385, %and3A_407 : vector<16xi32>
      tpu.vector_store_idx %arg18[%and3A_408], %add3A_405 masked %and3A_395 : memref<32768xi32, #tpu.memory_space<vmem>>[vector<16xi32>], vector<16xi32>, vector<16xi1>
      %mul3A_409 = arith.constant 4 : i32
      %mul3A_410 = arith.muli %scan3A_314, %mul3A_409 : i32
      %add3A_411 = arith.constant 2 : i32
      %add3A_412 = arith.addi %mul3A_410, %add3A_411 : i32
      %mul3A_413 = arith.constant 16 : i32
      %mul3A_414 = arith.muli %add3A_412, %mul3A_413 : i32
      %get3A_415 = arith.index_cast %mul3A_414 : i32 to index
      %get3A_416 = tpu.vector_load %arg17[%get3A_415] {strides = array<i32>} : memref<16384xi32, #tpu.memory_space<vmem>>, vector<16xi32>,
      %mul3A_417 = arith.constant 16 : i32
      %mul3A_418 = vector.broadcast %mul3A_417 : i32 to vector<16xi32>
      %mul3A_419 = arith.muli %get3A_416, %mul3A_418 : vector<16xi32>
      %add3A_420 = arith.addi %mul3A_419, %iota3A : vector<16xi32>
      %masked_sort3A_421 = arith.constant dense<true> : vector<16xi1>
      %masked_sort3A_422 = arith.constant -2147483648 : i32
      %masked_sort3A_423 = vector.broadcast %masked_sort3A_422 : i32 to vector<16xi32>
      %masked_sort3A_424 = arith.xori %add3A_420, %masked_sort3A_423 : vector<16xi32>
      %masked_sort3A_425, %masked_sort3A_426, %masked_sort3A_427 = tpu.sort %masked_sort3A_424, %add3A_420 masked %masked_sort3A_421 : (vector<16xi32>, vector<16xi32>, vector<16xi1>) -> (vector<16xi1>, vector<16xi32>, vector<16xi32>)
      %masked_sort3A_428 = arith.xori %masked_sort3A_426, %masked_sort3A_423 : vector<16xi32>
      %swap3A_429 = arith.constant 0 : index
      %swap3A_430 = tpu.vector_load %arg20[%swap3A_429] {strides = array<i32>} : memref<32xi32, #tpu.memory_space<vmem>>, vector<16xi32>,
      tpu.vector_store %arg20[%swap3A_429], %masked_sort3A_428 {strides = array<i32>} : memref<32xi32, #tpu.memory_space<vmem>>, vector<16xi32>,
      %get3A_431 = arith.constant 1 : index
      %get3A_432 = tpu.vector_load %arg20[%get3A_431] {strides = array<i32>} : memref<32xi32, #tpu.memory_space<vmem>>, vector<16xi32>,
      %shift_right_arithmetic3A_433 = arith.constant 4 : i32
      %shift_right_arithmetic3A_434 = vector.broadcast %shift_right_arithmetic3A_433 : i32 to vector<16xi32>
      %shift_right_arithmetic3A_435 = arith.shrsi %masked_sort3A_428, %shift_right_arithmetic3A_434 : vector<16xi32>
      %shift_right_arithmetic3A_436 = arith.constant 4 : i32
      %shift_right_arithmetic3A_437 = vector.broadcast %shift_right_arithmetic3A_436 : i32 to vector<16xi32>
      %shift_right_arithmetic3A_438 = arith.shrsi %get3A_432, %shift_right_arithmetic3A_437 : vector<16xi32>
      %ne3A_439 = arith.cmpi ne, %shift_right_arithmetic3A_435, %shift_right_arithmetic3A_438 : vector<16xi32>
      %shift_right_arithmetic3A_440 = arith.constant 15 : i32
      %shift_right_arithmetic3A_441 = vector.broadcast %shift_right_arithmetic3A_440 : i32 to vector<16xi32>
      %shift_right_arithmetic3A_442 = arith.shrsi %shift_right_arithmetic3A_435, %shift_right_arithmetic3A_441 : vector<16xi32>
      %eq3A_443 = vector.broadcast %add3A : i32 to vector<16xi32>
      %eq3A_444 = arith.cmpi eq, %shift_right_arithmetic3A_442, %eq3A_443 : vector<16xi32>
      %and3A_445 = arith.andi %ne3A_439, %eq3A_444 : vector<16xi1>
      %mul3A_446 = arith.constant 16 : i32
      %mul3A_447 = arith.muli %add3A_412, %mul3A_446 : i32
      %and3A_448 = arith.constant 15 : i32
      %and3A_449 = vector.broadcast %and3A_448 : i32 to vector<16xi32>
      %and3A_450 = arith.andi %masked_sort3A_428, %and3A_449 : vector<16xi32>
      %add3A_451 = vector.broadcast %mul3A_447 : i32 to vector<16xi32>
      %add3A_452 = arith.addi %add3A_451, %and3A_450 : vector<16xi32>
      %add3A_453 = arith.constant 1 : i32
      %add3A_454 = vector.broadcast %add3A_453 : i32 to vector<16xi32>
      %add3A_455 = arith.addi %add3A_452, %add3A_454 : vector<16xi32>
      %and3A_456 = arith.constant 32767 : i32
      %and3A_457 = vector.broadcast %and3A_456 : i32 to vector<16xi32>
      %and3A_458 = arith.andi %shift_right_arithmetic3A_435, %and3A_457 : vector<16xi32>
      tpu.vector_store_idx %arg18[%and3A_458], %add3A_455 masked %and3A_445 : memref<32768xi32, #tpu.memory_space<vmem>>[vector<16xi32>], vector<16xi32>, vector<16xi1>
      %mul3A_459 = arith.constant 4 : i32
      %mul3A_460 = arith.muli %scan3A_314, %mul3A_459 : i32
      %add3A_461 = arith.constant 3 : i32
      %add3A_462 = arith.addi %mul3A_460, %add3A_461 : i32
      %mul3A_463 = arith.constant 16 : i32
      %mul3A_464 = arith.muli %add3A_462, %mul3A_463 : i32
      %get3A_465 = arith.index_cast %mul3A_464 : i32 to index
      %get3A_466 = tpu.vector_load %arg17[%get3A_465] {strides = array<i32>} : memref<16384xi32, #tpu.memory_space<vmem>>, vector<16xi32>,
      %mul3A_467 = arith.constant 16 : i32
      %mul3A_468 = vector.broadcast %mul3A_467 : i32 to vector<16xi32>
      %mul3A_469 = arith.muli %get3A_466, %mul3A_468 : vector<16xi32>
      %add3A_470 = arith.addi %mul3A_469, %iota3A : vector<16xi32>
      %masked_sort3A_471 = arith.constant dense<true> : vector<16xi1>
      %masked_sort3A_472 = arith.constant -2147483648 : i32
      %masked_sort3A_473 = vector.broadcast %masked_sort3A_472 : i32 to vector<16xi32>
      %masked_sort3A_474 = arith.xori %add3A_470, %masked_sort3A_473 : vector<16xi32>
      %masked_sort3A_475, %masked_sort3A_476, %masked_sort3A_477 = tpu.sort %masked_sort3A_474, %add3A_470 masked %masked_sort3A_471 : (vector<16xi32>, vector<16xi32>, vector<16xi1>) -> (vector<16xi1>, vector<16xi32>, vector<16xi32>)
      %masked_sort3A_478 = arith.xori %masked_sort3A_476, %masked_sort3A_473 : vector<16xi32>
      %swap3A_479 = arith.constant 0 : index
      %swap3A_480 = tpu.vector_load %arg20[%swap3A_479] {strides = array<i32>} : memref<32xi32, #tpu.memory_space<vmem>>, vector<16xi32>,
      tpu.vector_store %arg20[%swap3A_479], %masked_sort3A_478 {strides = array<i32>} : memref<32xi32, #tpu.memory_space<vmem>>, vector<16xi32>,
      %get3A_481 = arith.constant 1 : index
      %get3A_482 = tpu.vector_load %arg20[%get3A_481] {strides = array<i32>} : memref<32xi32, #tpu.memory_space<vmem>>, vector<16xi32>,
      %shift_right_arithmetic3A_483 = arith.constant 4 : i32
      %shift_right_arithmetic3A_484 = vector.broadcast %shift_right_arithmetic3A_483 : i32 to vector<16xi32>
      %shift_right_arithmetic3A_485 = arith.shrsi %masked_sort3A_478, %shift_right_arithmetic3A_484 : vector<16xi32>
      %shift_right_arithmetic3A_486 = arith.constant 4 : i32
      %shift_right_arithmetic3A_487 = vector.broadcast %shift_right_arithmetic3A_486 : i32 to vector<16xi32>
      %shift_right_arithmetic3A_488 = arith.shrsi %get3A_482, %shift_right_arithmetic3A_487 : vector<16xi32>
      %ne3A_489 = arith.cmpi ne, %shift_right_arithmetic3A_485, %shift_right_arithmetic3A_488 : vector<16xi32>
      %shift_right_arithmetic3A_490 = arith.constant 15 : i32
      %shift_right_arithmetic3A_491 = vector.broadcast %shift_right_arithmetic3A_490 : i32 to vector<16xi32>
      %shift_right_arithmetic3A_492 = arith.shrsi %shift_right_arithmetic3A_485, %shift_right_arithmetic3A_491 : vector<16xi32>
      %eq3A_493 = vector.broadcast %add3A : i32 to vector<16xi32>
      %eq3A_494 = arith.cmpi eq, %shift_right_arithmetic3A_492, %eq3A_493 : vector<16xi32>
      %and3A_495 = arith.andi %ne3A_489, %eq3A_494 : vector<16xi1>
      %mul3A_496 = arith.constant 16 : i32
      %mul3A_497 = arith.muli %add3A_462, %mul3A_496 : i32
      %and3A_498 = arith.constant 15 : i32
      %and3A_499 = vector.broadcast %and3A_498 : i32 to vector<16xi32>
      %and3A_500 = arith.andi %masked_sort3A_478, %and3A_499 : vector<16xi32>
      %add3A_501 = vector.broadcast %mul3A_497 : i32 to vector<16xi32>
      %add3A_502 = arith.addi %add3A_501, %and3A_500 : vector<16xi32>
      %add3A_503 = arith.constant 1 : i32
      %add3A_504 = vector.broadcast %add3A_503 : i32 to vector<16xi32>
      %add3A_505 = arith.addi %add3A_502, %add3A_504 : vector<16xi32>
      %and3A_506 = arith.constant 32767 : i32
      %and3A_507 = vector.broadcast %and3A_506 : i32 to vector<16xi32>
      %and3A_508 = arith.andi %shift_right_arithmetic3A_485, %and3A_507 : vector<16xi32>
      tpu.vector_store_idx %arg18[%and3A_508], %add3A_505 masked %and3A_495 : memref<32768xi32, #tpu.memory_space<vmem>>[vector<16xi32>], vector<16xi32>, vector<16xi1>
    }
    %scan3A_48 = arith.constant 256 : i32
    %dma_wait3A = arith.constant 0 : i32
    %dma_wait3A_49 = arith.constant 0 : i32
    %dma_wait3A_50 = tpu.memref_slice %arg15[%dma_wait3A, %dma_wait3A_49] : memref<512x32xf32, #tpu.memory_space<vmem>> -> memref<128x32xf32, #tpu.memory_space<vmem>>
    %dma_wait3A_51 = arith.constant 0 : i32
    %dma_wait3A_52 = tpu.memref_slice %arg14[%dma_wait3A_51] : memref<512xi32, #tpu.memory_space<vmem>> -> memref<128xi32, #tpu.memory_space<vmem>>
    %dma_wait3A_53 = arith.constant 0 : i32
    %dma_wait3A_54 = arith.constant 0 : i32
    %dma_wait3A_55 = tpu.memref_slice %arg5[%dma_wait3A_53, %dma_wait3A_54] : memref<1000000x32xf32, #tpu.memory_space<hbm>> -> memref<1000000x32xf32, #tpu.memory_space<hbm>>
    tpu.wait_indirect_dma semaphore(%arg21 : memref<!tpu.dma_semaphore, #tpu.memory_space<semaphore_mem>>) src(%dma_wait3A_55 : memref<1000000x32xf32, #tpu.memory_space<hbm>>) dst(%dma_wait3A_50 : memref<128x32xf32, #tpu.memory_space<vmem>>)
    %dma_wait3A_56 = arith.constant 128 : i32
    %dma_wait3A_57 = arith.constant 0 : i32
    %dma_wait3A_58 = tpu.memref_slice %arg15[%dma_wait3A_56, %dma_wait3A_57] : memref<512x32xf32, #tpu.memory_space<vmem>> -> memref<128x32xf32, #tpu.memory_space<vmem>>
    %dma_wait3A_59 = arith.constant 128 : i32
    %dma_wait3A_60 = tpu.memref_slice %arg14[%dma_wait3A_59] : memref<512xi32, #tpu.memory_space<vmem>> -> memref<128xi32, #tpu.memory_space<vmem>>
    %dma_wait3A_61 = arith.constant 0 : i32
    %dma_wait3A_62 = arith.constant 0 : i32
    %dma_wait3A_63 = tpu.memref_slice %arg5[%dma_wait3A_61, %dma_wait3A_62] : memref<1000000x32xf32, #tpu.memory_space<hbm>> -> memref<1000000x32xf32, #tpu.memory_space<hbm>>
    tpu.wait_indirect_dma semaphore(%arg21 : memref<!tpu.dma_semaphore, #tpu.memory_space<semaphore_mem>>) src(%dma_wait3A_63 : memref<1000000x32xf32, #tpu.memory_space<hbm>>) dst(%dma_wait3A_58 : memref<128x32xf32, #tpu.memory_space<vmem>>)
    %dma_wait3A_64 = arith.constant 256 : i32
    %dma_wait3A_65 = arith.constant 0 : i32
    %dma_wait3A_66 = tpu.memref_slice %arg15[%dma_wait3A_64, %dma_wait3A_65] : memref<512x32xf32, #tpu.memory_space<vmem>> -> memref<128x32xf32, #tpu.memory_space<vmem>>
    %dma_wait3A_67 = arith.constant 256 : i32
    %dma_wait3A_68 = tpu.memref_slice %arg14[%dma_wait3A_67] : memref<512xi32, #tpu.memory_space<vmem>> -> memref<128xi32, #tpu.memory_space<vmem>>
    %dma_wait3A_69 = arith.constant 0 : i32
    %dma_wait3A_70 = arith.constant 0 : i32
    %dma_wait3A_71 = tpu.memref_slice %arg5[%dma_wait3A_69, %dma_wait3A_70] : memref<1000000x32xf32, #tpu.memory_space<hbm>> -> memref<1000000x32xf32, #tpu.memory_space<hbm>>
    tpu.wait_indirect_dma semaphore(%arg21 : memref<!tpu.dma_semaphore, #tpu.memory_space<semaphore_mem>>) src(%dma_wait3A_71 : memref<1000000x32xf32, #tpu.memory_space<hbm>>) dst(%dma_wait3A_66 : memref<128x32xf32, #tpu.memory_space<vmem>>)
    %dma_wait3A_72 = arith.constant 384 : i32
    %dma_wait3A_73 = arith.constant 0 : i32
    %dma_wait3A_74 = tpu.memref_slice %arg15[%dma_wait3A_72, %dma_wait3A_73] : memref<512x32xf32, #tpu.memory_space<vmem>> -> memref<128x32xf32, #tpu.memory_space<vmem>>
    %dma_wait3A_75 = arith.constant 384 : i32
    %dma_wait3A_76 = tpu.memref_slice %arg14[%dma_wait3A_75] : memref<512xi32, #tpu.memory_space<vmem>> -> memref<128xi32, #tpu.memory_space<vmem>>
    %dma_wait3A_77 = arith.constant 0 : i32
    %dma_wait3A_78 = arith.constant 0 : i32
    %dma_wait3A_79 = tpu.memref_slice %arg5[%dma_wait3A_77, %dma_wait3A_78] : memref<1000000x32xf32, #tpu.memory_space<hbm>> -> memref<1000000x32xf32, #tpu.memory_space<hbm>>
    tpu.wait_indirect_dma semaphore(%arg21 : memref<!tpu.dma_semaphore, #tpu.memory_space<semaphore_mem>>) src(%dma_wait3A_79 : memref<1000000x32xf32, #tpu.memory_space<hbm>>) dst(%dma_wait3A_74 : memref<128x32xf32, #tpu.memory_space<vmem>>)
    "tpu.region"() ({
      %run_scoped3A = tpu.sem_alloc : memref<!tpu.dma_semaphore, #tpu.memory_space<semaphore_mem>>
      %dma_start3A_314 = arith.constant 0 : i32
      %dma_start3A_315 = tpu.memref_slice %arg7[%mul3A_2, %dma_start3A_314] : memref<16384x32xf32, #tpu.memory_space<hbm>> -> memref<512x32xf32, #tpu.memory_space<hbm>>
      %dma_start3A_316 = arith.constant 0 : i32
      %dma_start3A_317 = tpu.memref_slice %arg7[%mul3A_2, %dma_start3A_316] : memref<16384x32xf32, #tpu.memory_space<hbm>> -> memref<512x32xf32, #tpu.memory_space<hbm>>
      tpu.enqueue_dma source(%arg15 : memref<512x32xf32, #tpu.memory_space<vmem>>) target(%dma_start3A_317 : memref<512x32xf32, #tpu.memory_space<hbm>>) target_semaphore(%run_scoped3A : memref<!tpu.dma_semaphore, #tpu.memory_space<semaphore_mem>>)
      %dma_wait3A_318 = arith.constant 0 : i32
      %dma_wait3A_319 = tpu.memref_slice %arg7[%mul3A_2, %dma_wait3A_318] : memref<16384x32xf32, #tpu.memory_space<hbm>> -> memref<512x32xf32, #tpu.memory_space<hbm>>
      %dma_wait3A_320 = arith.constant 0 : i32
      %dma_wait3A_321 = tpu.memref_slice %arg7[%mul3A_2, %dma_wait3A_320] : memref<16384x32xf32, #tpu.memory_space<hbm>> -> memref<512x32xf32, #tpu.memory_space<hbm>>
      tpu.wait_dma2 semaphore(%run_scoped3A : memref<!tpu.dma_semaphore, #tpu.memory_space<semaphore_mem>>) src(%arg15 : memref<512x32xf32, #tpu.memory_space<vmem>>) dst(%dma_wait3A_321 : memref<512x32xf32, #tpu.memory_space<hbm>>)
      tpu.yield
    }) : () -> ()
    %dma_start3A_80 = arith.constant 0 : i32
    %dma_start3A_81 = tpu.memref_slice %arg16[%dma_start3A_80] : memref<512xi32, #tpu.memory_space<vmem>> -> memref<128xi32, #tpu.memory_space<vmem>>
    %dma_start3A_82 = arith.constant 0 : i32
    %dma_start3A_83 = tpu.memref_slice %arg14[%dma_start3A_82] : memref<512xi32, #tpu.memory_space<vmem>> -> memref<128xi32, #tpu.memory_space<vmem>>
    %dma_start3A_84 = arith.constant 0 : i32
    %dma_start3A_85 = tpu.memref_slice %arg6[%dma_start3A_84] : memref<1000000xi32, #tpu.memory_space<hbm>> -> memref<1000000xi32, #tpu.memory_space<hbm>>
    tpu.enqueue_indirect_dma source(%dma_start3A_85 : memref<1000000xi32, #tpu.memory_space<hbm>>) target(%dma_start3A_81 : memref<128xi32, #tpu.memory_space<vmem>>) offsets(%dma_start3A_83 : memref<128xi32, #tpu.memory_space<vmem>>) semaphore(%arg21 : memref<!tpu.dma_semaphore, #tpu.memory_space<semaphore_mem>>)
    %dma_wait3A_86 = arith.constant 0 : i32
    %dma_wait3A_87 = tpu.memref_slice %arg16[%dma_wait3A_86] : memref<512xi32, #tpu.memory_space<vmem>> -> memref<128xi32, #tpu.memory_space<vmem>>
    %dma_wait3A_88 = arith.constant 0 : i32
    %dma_wait3A_89 = tpu.memref_slice %arg14[%dma_wait3A_88] : memref<512xi32, #tpu.memory_space<vmem>> -> memref<128xi32, #tpu.memory_space<vmem>>
    %dma_wait3A_90 = arith.constant 0 : i32
    %dma_wait3A_91 = tpu.memref_slice %arg6[%dma_wait3A_90] : memref<1000000xi32, #tpu.memory_space<hbm>> -> memref<1000000xi32, #tpu.memory_space<hbm>>
    tpu.wait_indirect_dma semaphore(%arg21 : memref<!tpu.dma_semaphore, #tpu.memory_space<semaphore_mem>>) src(%dma_wait3A_91 : memref<1000000xi32, #tpu.memory_space<hbm>>) dst(%dma_wait3A_87 : memref<128xi32, #tpu.memory_space<vmem>>)
    %dma_start3A_92 = arith.constant 128 : i32
    %dma_start3A_93 = tpu.memref_slice %arg16[%dma_start3A_92] : memref<512xi32, #tpu.memory_space<vmem>> -> memref<128xi32, #tpu.memory_space<vmem>>
    %dma_start3A_94 = arith.constant 128 : i32
    %dma_start3A_95 = tpu.memref_slice %arg14[%dma_start3A_94] : memref<512xi32, #tpu.memory_space<vmem>> -> memref<128xi32, #tpu.memory_space<vmem>>
    %dma_start3A_96 = arith.constant 0 : i32
    %dma_start3A_97 = tpu.memref_slice %arg6[%dma_start3A_96] : memref<1000000xi32, #tpu.memory_space<hbm>> -> memref<1000000xi32, #tpu.memory_space<hbm>>
    tpu.enqueue_indirect_dma source(%dma_start3A_97 : memref<1000000xi32, #tpu.memory_space<hbm>>) target(%dma_start3A_93 : memref<128xi32, #tpu.memory_space<vmem>>) offsets(%dma_start3A_95 : memref<128xi32, #tpu.memory_space<vmem>>) semaphore(%arg21 : memref<!tpu.dma_semaphore, #tpu.memory_space<semaphore_mem>>)
    %dma_wait3A_98 = arith.constant 128 : i32
    %dma_wait3A_99 = tpu.memref_slice %arg16[%dma_wait3A_98] : memref<512xi32, #tpu.memory_space<vmem>> -> memref<128xi32, #tpu.memory_space<vmem>>
    %dma_wait3A_100 = arith.constant 128 : i32
    %dma_wait3A_101 = tpu.memref_slice %arg14[%dma_wait3A_100] : memref<512xi32, #tpu.memory_space<vmem>> -> memref<128xi32, #tpu.memory_space<vmem>>
    %dma_wait3A_102 = arith.constant 0 : i32
    %dma_wait3A_103 = tpu.memref_slice %arg6[%dma_wait3A_102] : memref<1000000xi32, #tpu.memory_space<hbm>> -> memref<1000000xi32, #tpu.memory_space<hbm>>
    tpu.wait_indirect_dma semaphore(%arg21 : memref<!tpu.dma_semaphore, #tpu.memory_space<semaphore_mem>>) src(%dma_wait3A_103 : memref<1000000xi32, #tpu.memory_space<hbm>>) dst(%dma_wait3A_99 : memref<128xi32, #tpu.memory_space<vmem>>)
    %dma_start3A_104 = arith.constant 256 : i32
    %dma_start3A_105 = tpu.memref_slice %arg16[%dma_start3A_104] : memref<512xi32, #tpu.memory_space<vmem>> -> memref<128xi32, #tpu.memory_space<vmem>>
    %dma_start3A_106 = arith.constant 256 : i32
    %dma_start3A_107 = tpu.memref_slice %arg14[%dma_start3A_106] : memref<512xi32, #tpu.memory_space<vmem>> -> memref<128xi32, #tpu.memory_space<vmem>>
    %dma_start3A_108 = arith.constant 0 : i32
    %dma_start3A_109 = tpu.memref_slice %arg6[%dma_start3A_108] : memref<1000000xi32, #tpu.memory_space<hbm>> -> memref<1000000xi32, #tpu.memory_space<hbm>>
    tpu.enqueue_indirect_dma source(%dma_start3A_109 : memref<1000000xi32, #tpu.memory_space<hbm>>) target(%dma_start3A_105 : memref<128xi32, #tpu.memory_space<vmem>>) offsets(%dma_start3A_107 : memref<128xi32, #tpu.memory_space<vmem>>) semaphore(%arg21 : memref<!tpu.dma_semaphore, #tpu.memory_space<semaphore_mem>>)
    %dma_wait3A_110 = arith.constant 256 : i32
    %dma_wait3A_111 = tpu.memref_slice %arg16[%dma_wait3A_110] : memref<512xi32, #tpu.memory_space<vmem>> -> memref<128xi32, #tpu.memory_space<vmem>>
    %dma_wait3A_112 = arith.constant 256 : i32
    %dma_wait3A_113 = tpu.memref_slice %arg14[%dma_wait3A_112] : memref<512xi32, #tpu.memory_space<vmem>> -> memref<128xi32, #tpu.memory_space<vmem>>
    %dma_wait3A_114 = arith.constant 0 : i32
    %dma_wait3A_115 = tpu.memref_slice %arg6[%dma_wait3A_114] : memref<1000000xi32, #tpu.memory_space<hbm>> -> memref<1000000xi32, #tpu.memory_space<hbm>>
    tpu.wait_indirect_dma semaphore(%arg21 : memref<!tpu.dma_semaphore, #tpu.memory_space<semaphore_mem>>) src(%dma_wait3A_115 : memref<1000000xi32, #tpu.memory_space<hbm>>) dst(%dma_wait3A_111 : memref<128xi32, #tpu.memory_space<vmem>>)
    %dma_start3A_116 = arith.constant 384 : i32
    %dma_start3A_117 = tpu.memref_slice %arg16[%dma_start3A_116] : memref<512xi32, #tpu.memory_space<vmem>> -> memref<128xi32, #tpu.memory_space<vmem>>
    %dma_start3A_118 = arith.constant 384 : i32
    %dma_start3A_119 = tpu.memref_slice %arg14[%dma_start3A_118] : memref<512xi32, #tpu.memory_space<vmem>> -> memref<128xi32, #tpu.memory_space<vmem>>
    %dma_start3A_120 = arith.constant 0 : i32
    %dma_start3A_121 = tpu.memref_slice %arg6[%dma_start3A_120] : memref<1000000xi32, #tpu.memory_space<hbm>> -> memref<1000000xi32, #tpu.memory_space<hbm>>
    tpu.enqueue_indirect_dma source(%dma_start3A_121 : memref<1000000xi32, #tpu.memory_space<hbm>>) target(%dma_start3A_117 : memref<128xi32, #tpu.memory_space<vmem>>) offsets(%dma_start3A_119 : memref<128xi32, #tpu.memory_space<vmem>>) semaphore(%arg21 : memref<!tpu.dma_semaphore, #tpu.memory_space<semaphore_mem>>)
    %dma_wait3A_122 = arith.constant 384 : i32
    %dma_wait3A_123 = tpu.memref_slice %arg16[%dma_wait3A_122] : memref<512xi32, #tpu.memory_space<vmem>> -> memref<128xi32, #tpu.memory_space<vmem>>
    %dma_wait3A_124 = arith.constant 384 : i32
    %dma_wait3A_125 = tpu.memref_slice %arg14[%dma_wait3A_124] : memref<512xi32, #tpu.memory_space<vmem>> -> memref<128xi32, #tpu.memory_space<vmem>>
    %dma_wait3A_126 = arith.constant 0 : i32
    %dma_wait3A_127 = tpu.memref_slice %arg6[%dma_wait3A_126] : memref<1000000xi32, #tpu.memory_space<hbm>> -> memref<1000000xi32, #tpu.memory_space<hbm>>
    tpu.wait_indirect_dma semaphore(%arg21 : memref<!tpu.dma_semaphore, #tpu.memory_space<semaphore_mem>>) src(%dma_wait3A_127 : memref<1000000xi32, #tpu.memory_space<hbm>>) dst(%dma_wait3A_123 : memref<128xi32, #tpu.memory_space<vmem>>)
    "tpu.region"() ({
      %run_scoped3A = tpu.sem_alloc : memref<!tpu.dma_semaphore, #tpu.memory_space<semaphore_mem>>
      %dma_start3A_314 = tpu.memref_slice %arg10[%mul3A_2] : memref<16384xi32, #tpu.memory_space<hbm>> -> memref<512xi32, #tpu.memory_space<hbm>>
      %dma_start3A_315 = tpu.memref_slice %arg10[%mul3A_2] : memref<16384xi32, #tpu.memory_space<hbm>> -> memref<512xi32, #tpu.memory_space<hbm>>
      tpu.enqueue_dma source(%arg16 : memref<512xi32, #tpu.memory_space<vmem>>) target(%dma_start3A_315 : memref<512xi32, #tpu.memory_space<hbm>>) target_semaphore(%run_scoped3A : memref<!tpu.dma_semaphore, #tpu.memory_space<semaphore_mem>>)
      %dma_wait3A_316 = tpu.memref_slice %arg10[%mul3A_2] : memref<16384xi32, #tpu.memory_space<hbm>> -> memref<512xi32, #tpu.memory_space<hbm>>
      %dma_wait3A_317 = tpu.memref_slice %arg10[%mul3A_2] : memref<16384xi32, #tpu.memory_space<hbm>> -> memref<512xi32, #tpu.memory_space<hbm>>
      tpu.wait_dma2 semaphore(%run_scoped3A : memref<!tpu.dma_semaphore, #tpu.memory_space<semaphore_mem>>) src(%arg16 : memref<512xi32, #tpu.memory_space<vmem>>) dst(%dma_wait3A_317 : memref<512xi32, #tpu.memory_space<hbm>>)
      tpu.yield
    }) : () -> ()
    "tpu.region"() ({
      %run_scoped3A = tpu.sem_alloc : memref<!tpu.dma_semaphore, #tpu.memory_space<semaphore_mem>>
      %dma_start3A_314 = tpu.memref_slice %arg3[%mul3A_2] : memref<16384xi32, #tpu.memory_space<hbm>> -> memref<512xi32, #tpu.memory_space<hbm>>
      %dma_start3A_315 = tpu.memref_slice %arg3[%mul3A_2] : memref<16384xi32, #tpu.memory_space<hbm>> -> memref<512xi32, #tpu.memory_space<hbm>>
      tpu.enqueue_dma source(%dma_start3A_315 : memref<512xi32, #tpu.memory_space<hbm>>) target(%arg14 : memref<512xi32, #tpu.memory_space<vmem>>) target_semaphore(%run_scoped3A : memref<!tpu.dma_semaphore, #tpu.memory_space<semaphore_mem>>)
      %dma_wait3A_316 = tpu.memref_slice %arg3[%mul3A_2] : memref<16384xi32, #tpu.memory_space<hbm>> -> memref<512xi32, #tpu.memory_space<hbm>>
      %dma_wait3A_317 = tpu.memref_slice %arg3[%mul3A_2] : memref<16384xi32, #tpu.memory_space<hbm>> -> memref<512xi32, #tpu.memory_space<hbm>>
      tpu.wait_dma2 semaphore(%run_scoped3A : memref<!tpu.dma_semaphore, #tpu.memory_space<semaphore_mem>>) src(%dma_wait3A_317 : memref<512xi32, #tpu.memory_space<hbm>>) dst(%arg14 : memref<512xi32, #tpu.memory_space<vmem>>)
      tpu.yield
    }) : () -> ()
    %dma_start3A_128 = arith.constant 0 : i32
    %dma_start3A_129 = arith.constant 0 : i32
    %dma_start3A_130 = tpu.memref_slice %arg15[%dma_start3A_128, %dma_start3A_129] : memref<512x32xf32, #tpu.memory_space<vmem>> -> memref<128x32xf32, #tpu.memory_space<vmem>>
    %dma_start3A_131 = arith.constant 0 : i32
    %dma_start3A_132 = tpu.memref_slice %arg14[%dma_start3A_131] : memref<512xi32, #tpu.memory_space<vmem>> -> memref<128xi32, #tpu.memory_space<vmem>>
    %dma_start3A_133 = arith.constant 0 : i32
    %dma_start3A_134 = arith.constant 0 : i32
    %dma_start3A_135 = tpu.memref_slice %arg5[%dma_start3A_133, %dma_start3A_134] : memref<1000000x32xf32, #tpu.memory_space<hbm>> -> memref<1000000x32xf32, #tpu.memory_space<hbm>>
    tpu.enqueue_indirect_dma source(%dma_start3A_135 : memref<1000000x32xf32, #tpu.memory_space<hbm>>) target(%dma_start3A_130 : memref<128x32xf32, #tpu.memory_space<vmem>>) offsets(%dma_start3A_132 : memref<128xi32, #tpu.memory_space<vmem>>) semaphore(%arg21 : memref<!tpu.dma_semaphore, #tpu.memory_space<semaphore_mem>>)
    %dma_start3A_136 = arith.constant 128 : i32
    %dma_start3A_137 = arith.constant 0 : i32
    %dma_start3A_138 = tpu.memref_slice %arg15[%dma_start3A_136, %dma_start3A_137] : memref<512x32xf32, #tpu.memory_space<vmem>> -> memref<128x32xf32, #tpu.memory_space<vmem>>
    %dma_start3A_139 = arith.constant 128 : i32
    %dma_start3A_140 = tpu.memref_slice %arg14[%dma_start3A_139] : memref<512xi32, #tpu.memory_space<vmem>> -> memref<128xi32, #tpu.memory_space<vmem>>
    %dma_start3A_141 = arith.constant 0 : i32
    %dma_start3A_142 = arith.constant 0 : i32
    %dma_start3A_143 = tpu.memref_slice %arg5[%dma_start3A_141, %dma_start3A_142] : memref<1000000x32xf32, #tpu.memory_space<hbm>> -> memref<1000000x32xf32, #tpu.memory_space<hbm>>
    tpu.enqueue_indirect_dma source(%dma_start3A_143 : memref<1000000x32xf32, #tpu.memory_space<hbm>>) target(%dma_start3A_138 : memref<128x32xf32, #tpu.memory_space<vmem>>) offsets(%dma_start3A_140 : memref<128xi32, #tpu.memory_space<vmem>>) semaphore(%arg21 : memref<!tpu.dma_semaphore, #tpu.memory_space<semaphore_mem>>)
    %dma_start3A_144 = arith.constant 256 : i32
    %dma_start3A_145 = arith.constant 0 : i32
    %dma_start3A_146 = tpu.memref_slice %arg15[%dma_start3A_144, %dma_start3A_145] : memref<512x32xf32, #tpu.memory_space<vmem>> -> memref<128x32xf32, #tpu.memory_space<vmem>>
    %dma_start3A_147 = arith.constant 256 : i32
    %dma_start3A_148 = tpu.memref_slice %arg14[%dma_start3A_147] : memref<512xi32, #tpu.memory_space<vmem>> -> memref<128xi32, #tpu.memory_space<vmem>>
    %dma_start3A_149 = arith.constant 0 : i32
    %dma_start3A_150 = arith.constant 0 : i32
    %dma_start3A_151 = tpu.memref_slice %arg5[%dma_start3A_149, %dma_start3A_150] : memref<1000000x32xf32, #tpu.memory_space<hbm>> -> memref<1000000x32xf32, #tpu.memory_space<hbm>>
    tpu.enqueue_indirect_dma source(%dma_start3A_151 : memref<1000000x32xf32, #tpu.memory_space<hbm>>) target(%dma_start3A_146 : memref<128x32xf32, #tpu.memory_space<vmem>>) offsets(%dma_start3A_148 : memref<128xi32, #tpu.memory_space<vmem>>) semaphore(%arg21 : memref<!tpu.dma_semaphore, #tpu.memory_space<semaphore_mem>>)
    %dma_start3A_152 = arith.constant 384 : i32
    %dma_start3A_153 = arith.constant 0 : i32
    %dma_start3A_154 = tpu.memref_slice %arg15[%dma_start3A_152, %dma_start3A_153] : memref<512x32xf32, #tpu.memory_space<vmem>> -> memref<128x32xf32, #tpu.memory_space<vmem>>
    %dma_start3A_155 = arith.constant 384 : i32
    %dma_start3A_156 = tpu.memref_slice %arg14[%dma_start3A_155] : memref<512xi32, #tpu.memory_space<vmem>> -> memref<128xi32, #tpu.memory_space<vmem>>
    %dma_start3A_157 = arith.constant 0 : i32
    %dma_start3A_158 = arith.constant 0 : i32
    %dma_start3A_159 = tpu.memref_slice %arg5[%dma_start3A_157, %dma_start3A_158] : memref<1000000x32xf32, #tpu.memory_space<hbm>> -> memref<1000000x32xf32, #tpu.memory_space<hbm>>
    tpu.enqueue_indirect_dma source(%dma_start3A_159 : memref<1000000x32xf32, #tpu.memory_space<hbm>>) target(%dma_start3A_154 : memref<128x32xf32, #tpu.memory_space<vmem>>) offsets(%dma_start3A_156 : memref<128xi32, #tpu.memory_space<vmem>>) semaphore(%arg21 : memref<!tpu.dma_semaphore, #tpu.memory_space<semaphore_mem>>)
    "tpu.region"() ({
      %run_scoped3A = tpu.sem_alloc : memref<!tpu.dma_semaphore, #tpu.memory_space<semaphore_mem>>
      tpu.enqueue_dma source(%arg3 : memref<16384xi32, #tpu.memory_space<hbm>>) target(%arg17 : memref<16384xi32, #tpu.memory_space<vmem>>) target_semaphore(%run_scoped3A : memref<!tpu.dma_semaphore, #tpu.memory_space<semaphore_mem>>)
      tpu.wait_dma2 semaphore(%run_scoped3A : memref<!tpu.dma_semaphore, #tpu.memory_space<semaphore_mem>>) src(%arg3 : memref<16384xi32, #tpu.memory_space<hbm>>) dst(%arg17 : memref<16384xi32, #tpu.memory_space<vmem>>)
      tpu.yield
    }) : () -> ()
    %scan3A_160 = arith.constant 0 : i32
    %scan3A_161 = arith.constant 0 : i32
    %scan3A_162 = arith.constant 256 : i32
    %scan3A_163 = arith.addi %scan3A_161, %scan3A_162 : i32
    %scan3A_164 = arith.constant 1 : i32
    scf.for %scan3A_314 = %scan3A_161 to %scan3A_163 step %scan3A_164  : i32 {
      %mul3A_315 = arith.constant 4 : i32
      %mul3A_316 = arith.muli %scan3A_314, %mul3A_315 : i32
      %add3A_317 = arith.constant 0 : i32
      %add3A_318 = arith.addi %mul3A_316, %add3A_317 : i32
      %mul3A_319 = arith.constant 16 : i32
      %mul3A_320 = arith.muli %add3A_318, %mul3A_319 : i32
      %get3A = arith.index_cast %mul3A_320 : i32 to index
      %get3A_321 = tpu.vector_load %arg17[%get3A] {strides = array<i32>} : memref<16384xi32, #tpu.memory_space<vmem>>, vector<16xi32>,
      %mul3A_322 = arith.constant 16 : i32
      %mul3A_323 = vector.broadcast %mul3A_322 : i32 to vector<16xi32>
      %mul3A_324 = arith.muli %get3A_321, %mul3A_323 : vector<16xi32>
      %add3A_325 = arith.addi %mul3A_324, %iota3A : vector<16xi32>
      %masked_sort3A = arith.constant dense<true> : vector<16xi1>
      %masked_sort3A_326 = arith.constant -2147483648 : i32
      %masked_sort3A_327 = vector.broadcast %masked_sort3A_326 : i32 to vector<16xi32>
      %masked_sort3A_328 = arith.xori %add3A_325, %masked_sort3A_327 : vector<16xi32>
      %masked_sort3A_329, %masked_sort3A_330, %masked_sort3A_331 = tpu.sort %masked_sort3A_328, %add3A_325 masked %masked_sort3A : (vector<16xi32>, vector<16xi32>, vector<16xi1>) -> (vector<16xi1>, vector<16xi32>, vector<16xi32>)
      %masked_sort3A_332 = arith.xori %masked_sort3A_330, %masked_sort3A_327 : vector<16xi32>
      %swap3A_333 = arith.constant 0 : index
      %swap3A_334 = tpu.vector_load %arg20[%swap3A_333] {strides = array<i32>} : memref<32xi32, #tpu.memory_space<vmem>>, vector<16xi32>,
      tpu.vector_store %arg20[%swap3A_333], %masked_sort3A_332 {strides = array<i32>} : memref<32xi32, #tpu.memory_space<vmem>>, vector<16xi32>,
      %get3A_335 = arith.constant 1 : index
      %get3A_336 = tpu.vector_load %arg20[%get3A_335] {strides = array<i32>} : memref<32xi32, #tpu.memory_space<vmem>>, vector<16xi32>,
      %shift_right_arithmetic3A = arith.constant 4 : i32
      %shift_right_arithmetic3A_337 = vector.broadcast %shift_right_arithmetic3A : i32 to vector<16xi32>
      %shift_right_arithmetic3A_338 = arith.shrsi %masked_sort3A_332, %shift_right_arithmetic3A_337 : vector<16xi32>
      %shift_right_arithmetic3A_339 = arith.constant 4 : i32
      %shift_right_arithmetic3A_340 = vector.broadcast %shift_right_arithmetic3A_339 : i32 to vector<16xi32>
      %shift_right_arithmetic3A_341 = arith.shrsi %get3A_336, %shift_right_arithmetic3A_340 : vector<16xi32>
      %ne3A = arith.cmpi ne, %shift_right_arithmetic3A_338, %shift_right_arithmetic3A_341 : vector<16xi32>
      %shift_right_arithmetic3A_342 = arith.constant 15 : i32
      %shift_right_arithmetic3A_343 = vector.broadcast %shift_right_arithmetic3A_342 : i32 to vector<16xi32>
      %shift_right_arithmetic3A_344 = arith.shrsi %shift_right_arithmetic3A_338, %shift_right_arithmetic3A_343 : vector<16xi32>
      %eq3A = vector.broadcast %add3A : i32 to vector<16xi32>
      %eq3A_345 = arith.cmpi eq, %shift_right_arithmetic3A_344, %eq3A : vector<16xi32>
      %and3A = arith.andi %ne3A, %eq3A_345 : vector<16xi1>
      %mul3A_346 = arith.constant 16 : i32
      %mul3A_347 = arith.muli %add3A_318, %mul3A_346 : i32
      %and3A_348 = arith.constant 15 : i32
      %and3A_349 = vector.broadcast %and3A_348 : i32 to vector<16xi32>
      %and3A_350 = arith.andi %masked_sort3A_332, %and3A_349 : vector<16xi32>
      %add3A_351 = vector.broadcast %mul3A_347 : i32 to vector<16xi32>
      %add3A_352 = arith.addi %add3A_351, %and3A_350 : vector<16xi32>
      %add3A_353 = arith.constant 1 : i32
      %add3A_354 = vector.broadcast %add3A_353 : i32 to vector<16xi32>
      %add3A_355 = arith.addi %add3A_352, %add3A_354 : vector<16xi32>
      %and3A_356 = arith.constant 32767 : i32
      %and3A_357 = vector.broadcast %and3A_356 : i32 to vector<16xi32>
      %and3A_358 = arith.andi %shift_right_arithmetic3A_338, %and3A_357 : vector<16xi32>
      tpu.vector_store_idx %arg19[%and3A_358], %add3A_355 masked %and3A : memref<32768xi32, #tpu.memory_space<vmem>>[vector<16xi32>], vector<16xi32>, vector<16xi1>
      %mul3A_359 = arith.constant 4 : i32
      %mul3A_360 = arith.muli %scan3A_314, %mul3A_359 : i32
      %add3A_361 = arith.constant 1 : i32
      %add3A_362 = arith.addi %mul3A_360, %add3A_361 : i32
      %mul3A_363 = arith.constant 16 : i32
      %mul3A_364 = arith.muli %add3A_362, %mul3A_363 : i32
      %get3A_365 = arith.index_cast %mul3A_364 : i32 to index
      %get3A_366 = tpu.vector_load %arg17[%get3A_365] {strides = array<i32>} : memref<16384xi32, #tpu.memory_space<vmem>>, vector<16xi32>,
      %mul3A_367 = arith.constant 16 : i32
      %mul3A_368 = vector.broadcast %mul3A_367 : i32 to vector<16xi32>
      %mul3A_369 = arith.muli %get3A_366, %mul3A_368 : vector<16xi32>
      %add3A_370 = arith.addi %mul3A_369, %iota3A : vector<16xi32>
      %masked_sort3A_371 = arith.constant dense<true> : vector<16xi1>
      %masked_sort3A_372 = arith.constant -2147483648 : i32
      %masked_sort3A_373 = vector.broadcast %masked_sort3A_372 : i32 to vector<16xi32>
      %masked_sort3A_374 = arith.xori %add3A_370, %masked_sort3A_373 : vector<16xi32>
      %masked_sort3A_375, %masked_sort3A_376, %masked_sort3A_377 = tpu.sort %masked_sort3A_374, %add3A_370 masked %masked_sort3A_371 : (vector<16xi32>, vector<16xi32>, vector<16xi1>) -> (vector<16xi1>, vector<16xi32>, vector<16xi32>)
      %masked_sort3A_378 = arith.xori %masked_sort3A_376, %masked_sort3A_373 : vector<16xi32>
      %swap3A_379 = arith.constant 0 : index
      %swap3A_380 = tpu.vector_load %arg20[%swap3A_379] {strides = array<i32>} : memref<32xi32, #tpu.memory_space<vmem>>, vector<16xi32>,
      tpu.vector_store %arg20[%swap3A_379], %masked_sort3A_378 {strides = array<i32>} : memref<32xi32, #tpu.memory_space<vmem>>, vector<16xi32>,
      %get3A_381 = arith.constant 1 : index
      %get3A_382 = tpu.vector_load %arg20[%get3A_381] {strides = array<i32>} : memref<32xi32, #tpu.memory_space<vmem>>, vector<16xi32>,
      %shift_right_arithmetic3A_383 = arith.constant 4 : i32
      %shift_right_arithmetic3A_384 = vector.broadcast %shift_right_arithmetic3A_383 : i32 to vector<16xi32>
      %shift_right_arithmetic3A_385 = arith.shrsi %masked_sort3A_378, %shift_right_arithmetic3A_384 : vector<16xi32>
      %shift_right_arithmetic3A_386 = arith.constant 4 : i32
      %shift_right_arithmetic3A_387 = vector.broadcast %shift_right_arithmetic3A_386 : i32 to vector<16xi32>
      %shift_right_arithmetic3A_388 = arith.shrsi %get3A_382, %shift_right_arithmetic3A_387 : vector<16xi32>
      %ne3A_389 = arith.cmpi ne, %shift_right_arithmetic3A_385, %shift_right_arithmetic3A_388 : vector<16xi32>
      %shift_right_arithmetic3A_390 = arith.constant 15 : i32
      %shift_right_arithmetic3A_391 = vector.broadcast %shift_right_arithmetic3A_390 : i32 to vector<16xi32>
      %shift_right_arithmetic3A_392 = arith.shrsi %shift_right_arithmetic3A_385, %shift_right_arithmetic3A_391 : vector<16xi32>
      %eq3A_393 = vector.broadcast %add3A : i32 to vector<16xi32>
      %eq3A_394 = arith.cmpi eq, %shift_right_arithmetic3A_392, %eq3A_393 : vector<16xi32>
      %and3A_395 = arith.andi %ne3A_389, %eq3A_394 : vector<16xi1>
      %mul3A_396 = arith.constant 16 : i32
      %mul3A_397 = arith.muli %add3A_362, %mul3A_396 : i32
      %and3A_398 = arith.constant 15 : i32
      %and3A_399 = vector.broadcast %and3A_398 : i32 to vector<16xi32>
      %and3A_400 = arith.andi %masked_sort3A_378, %and3A_399 : vector<16xi32>
      %add3A_401 = vector.broadcast %mul3A_397 : i32 to vector<16xi32>
      %add3A_402 = arith.addi %add3A_401, %and3A_400 : vector<16xi32>
      %add3A_403 = arith.constant 1 : i32
      %add3A_404 = vector.broadcast %add3A_403 : i32 to vector<16xi32>
      %add3A_405 = arith.addi %add3A_402, %add3A_404 : vector<16xi32>
      %and3A_406 = arith.constant 32767 : i32
      %and3A_407 = vector.broadcast %and3A_406 : i32 to vector<16xi32>
      %and3A_408 = arith.andi %shift_right_arithmetic3A_385, %and3A_407 : vector<16xi32>
      tpu.vector_store_idx %arg19[%and3A_408], %add3A_405 masked %and3A_395 : memref<32768xi32, #tpu.memory_space<vmem>>[vector<16xi32>], vector<16xi32>, vector<16xi1>
      %mul3A_409 = arith.constant 4 : i32
      %mul3A_410 = arith.muli %scan3A_314, %mul3A_409 : i32
      %add3A_411 = arith.constant 2 : i32
      %add3A_412 = arith.addi %mul3A_410, %add3A_411 : i32
      %mul3A_413 = arith.constant 16 : i32
      %mul3A_414 = arith.muli %add3A_412, %mul3A_413 : i32
      %get3A_415 = arith.index_cast %mul3A_414 : i32 to index
      %get3A_416 = tpu.vector_load %arg17[%get3A_415] {strides = array<i32>} : memref<16384xi32, #tpu.memory_space<vmem>>, vector<16xi32>,
      %mul3A_417 = arith.constant 16 : i32
      %mul3A_418 = vector.broadcast %mul3A_417 : i32 to vector<16xi32>
      %mul3A_419 = arith.muli %get3A_416, %mul3A_418 : vector<16xi32>
      %add3A_420 = arith.addi %mul3A_419, %iota3A : vector<16xi32>
      %masked_sort3A_421 = arith.constant dense<true> : vector<16xi1>
      %masked_sort3A_422 = arith.constant -2147483648 : i32
      %masked_sort3A_423 = vector.broadcast %masked_sort3A_422 : i32 to vector<16xi32>
      %masked_sort3A_424 = arith.xori %add3A_420, %masked_sort3A_423 : vector<16xi32>
      %masked_sort3A_425, %masked_sort3A_426, %masked_sort3A_427 = tpu.sort %masked_sort3A_424, %add3A_420 masked %masked_sort3A_421 : (vector<16xi32>, vector<16xi32>, vector<16xi1>) -> (vector<16xi1>, vector<16xi32>, vector<16xi32>)
      %masked_sort3A_428 = arith.xori %masked_sort3A_426, %masked_sort3A_423 : vector<16xi32>
      %swap3A_429 = arith.constant 0 : index
      %swap3A_430 = tpu.vector_load %arg20[%swap3A_429] {strides = array<i32>} : memref<32xi32, #tpu.memory_space<vmem>>, vector<16xi32>,
      tpu.vector_store %arg20[%swap3A_429], %masked_sort3A_428 {strides = array<i32>} : memref<32xi32, #tpu.memory_space<vmem>>, vector<16xi32>,
      %get3A_431 = arith.constant 1 : index
      %get3A_432 = tpu.vector_load %arg20[%get3A_431] {strides = array<i32>} : memref<32xi32, #tpu.memory_space<vmem>>, vector<16xi32>,
      %shift_right_arithmetic3A_433 = arith.constant 4 : i32
      %shift_right_arithmetic3A_434 = vector.broadcast %shift_right_arithmetic3A_433 : i32 to vector<16xi32>
      %shift_right_arithmetic3A_435 = arith.shrsi %masked_sort3A_428, %shift_right_arithmetic3A_434 : vector<16xi32>
      %shift_right_arithmetic3A_436 = arith.constant 4 : i32
      %shift_right_arithmetic3A_437 = vector.broadcast %shift_right_arithmetic3A_436 : i32 to vector<16xi32>
      %shift_right_arithmetic3A_438 = arith.shrsi %get3A_432, %shift_right_arithmetic3A_437 : vector<16xi32>
      %ne3A_439 = arith.cmpi ne, %shift_right_arithmetic3A_435, %shift_right_arithmetic3A_438 : vector<16xi32>
      %shift_right_arithmetic3A_440 = arith.constant 15 : i32
      %shift_right_arithmetic3A_441 = vector.broadcast %shift_right_arithmetic3A_440 : i32 to vector<16xi32>
      %shift_right_arithmetic3A_442 = arith.shrsi %shift_right_arithmetic3A_435, %shift_right_arithmetic3A_441 : vector<16xi32>
      %eq3A_443 = vector.broadcast %add3A : i32 to vector<16xi32>
      %eq3A_444 = arith.cmpi eq, %shift_right_arithmetic3A_442, %eq3A_443 : vector<16xi32>
      %and3A_445 = arith.andi %ne3A_439, %eq3A_444 : vector<16xi1>
      %mul3A_446 = arith.constant 16 : i32
      %mul3A_447 = arith.muli %add3A_412, %mul3A_446 : i32
      %and3A_448 = arith.constant 15 : i32
      %and3A_449 = vector.broadcast %and3A_448 : i32 to vector<16xi32>
      %and3A_450 = arith.andi %masked_sort3A_428, %and3A_449 : vector<16xi32>
      %add3A_451 = vector.broadcast %mul3A_447 : i32 to vector<16xi32>
      %add3A_452 = arith.addi %add3A_451, %and3A_450 : vector<16xi32>
      %add3A_453 = arith.constant 1 : i32
      %add3A_454 = vector.broadcast %add3A_453 : i32 to vector<16xi32>
      %add3A_455 = arith.addi %add3A_452, %add3A_454 : vector<16xi32>
      %and3A_456 = arith.constant 32767 : i32
      %and3A_457 = vector.broadcast %and3A_456 : i32 to vector<16xi32>
      %and3A_458 = arith.andi %shift_right_arithmetic3A_435, %and3A_457 : vector<16xi32>
      tpu.vector_store_idx %arg19[%and3A_458], %add3A_455 masked %and3A_445 : memref<32768xi32, #tpu.memory_space<vmem>>[vector<16xi32>], vector<16xi32>, vector<16xi1>
      %mul3A_459 = arith.constant 4 : i32
      %mul3A_460 = arith.muli %scan3A_314, %mul3A_459 : i32
      %add3A_461 = arith.constant 3 : i32
      %add3A_462 = arith.addi %mul3A_460, %add3A_461 : i32
      %mul3A_463 = arith.constant 16 : i32
      %mul3A_464 = arith.muli %add3A_462, %mul3A_463 : i32
      %get3A_465 = arith.index_cast %mul3A_464 : i32 to index
      %get3A_466 = tpu.vector_load %arg17[%get3A_465] {strides = array<i32>} : memref<16384xi32, #tpu.memory_space<vmem>>, vector<16xi32>,
      %mul3A_467 = arith.constant 16 : i32
      %mul3A_468 = vector.broadcast %mul3A_467 : i32 to vector<16xi32>
      %mul3A_469 = arith.muli %get3A_466, %mul3A_468 : vector<16xi32>
      %add3A_470 = arith.addi %mul3A_469, %iota3A : vector<16xi32>
      %masked_sort3A_471 = arith.constant dense<true> : vector<16xi1>
      %masked_sort3A_472 = arith.constant -2147483648 : i32
      %masked_sort3A_473 = vector.broadcast %masked_sort3A_472 : i32 to vector<16xi32>
      %masked_sort3A_474 = arith.xori %add3A_470, %masked_sort3A_473 : vector<16xi32>
      %masked_sort3A_475, %masked_sort3A_476, %masked_sort3A_477 = tpu.sort %masked_sort3A_474, %add3A_470 masked %masked_sort3A_471 : (vector<16xi32>, vector<16xi32>, vector<16xi1>) -> (vector<16xi1>, vector<16xi32>, vector<16xi32>)
      %masked_sort3A_478 = arith.xori %masked_sort3A_476, %masked_sort3A_473 : vector<16xi32>
      %swap3A_479 = arith.constant 0 : index
      %swap3A_480 = tpu.vector_load %arg20[%swap3A_479] {strides = array<i32>} : memref<32xi32, #tpu.memory_space<vmem>>, vector<16xi32>,
      tpu.vector_store %arg20[%swap3A_479], %masked_sort3A_478 {strides = array<i32>} : memref<32xi32, #tpu.memory_space<vmem>>, vector<16xi32>,
      %get3A_481 = arith.constant 1 : index
      %get3A_482 = tpu.vector_load %arg20[%get3A_481] {strides = array<i32>} : memref<32xi32, #tpu.memory_space<vmem>>, vector<16xi32>,
      %shift_right_arithmetic3A_483 = arith.constant 4 : i32
      %shift_right_arithmetic3A_484 = vector.broadcast %shift_right_arithmetic3A_483 : i32 to vector<16xi32>
      %shift_right_arithmetic3A_485 = arith.shrsi %masked_sort3A_478, %shift_right_arithmetic3A_484 : vector<16xi32>
      %shift_right_arithmetic3A_486 = arith.constant 4 : i32
      %shift_right_arithmetic3A_487 = vector.broadcast %shift_right_arithmetic3A_486 : i32 to vector<16xi32>
      %shift_right_arithmetic3A_488 = arith.shrsi %get3A_482, %shift_right_arithmetic3A_487 : vector<16xi32>
      %ne3A_489 = arith.cmpi ne, %shift_right_arithmetic3A_485, %shift_right_arithmetic3A_488 : vector<16xi32>
      %shift_right_arithmetic3A_490 = arith.constant 15 : i32
      %shift_right_arithmetic3A_491 = vector.broadcast %shift_right_arithmetic3A_490 : i32 to vector<16xi32>
      %shift_right_arithmetic3A_492 = arith.shrsi %shift_right_arithmetic3A_485, %shift_right_arithmetic3A_491 : vector<16xi32>
      %eq3A_493 = vector.broadcast %add3A : i32 to vector<16xi32>
      %eq3A_494 = arith.cmpi eq, %shift_right_arithmetic3A_492, %eq3A_493 : vector<16xi32>
      %and3A_495 = arith.andi %ne3A_489, %eq3A_494 : vector<16xi1>
      %mul3A_496 = arith.constant 16 : i32
      %mul3A_497 = arith.muli %add3A_462, %mul3A_496 : i32
      %and3A_498 = arith.constant 15 : i32
      %and3A_499 = vector.broadcast %and3A_498 : i32 to vector<16xi32>
      %and3A_500 = arith.andi %masked_sort3A_478, %and3A_499 : vector<16xi32>
      %add3A_501 = vector.broadcast %mul3A_497 : i32 to vector<16xi32>
      %add3A_502 = arith.addi %add3A_501, %and3A_500 : vector<16xi32>
      %add3A_503 = arith.constant 1 : i32
      %add3A_504 = vector.broadcast %add3A_503 : i32 to vector<16xi32>
      %add3A_505 = arith.addi %add3A_502, %add3A_504 : vector<16xi32>
      %and3A_506 = arith.constant 32767 : i32
      %and3A_507 = vector.broadcast %and3A_506 : i32 to vector<16xi32>
      %and3A_508 = arith.andi %shift_right_arithmetic3A_485, %and3A_507 : vector<16xi32>
      tpu.vector_store_idx %arg19[%and3A_508], %add3A_505 masked %and3A_495 : memref<32768xi32, #tpu.memory_space<vmem>>[vector<16xi32>], vector<16xi32>, vector<16xi1>
    }
    %scan3A_165 = arith.constant 256 : i32
    %dma_wait3A_166 = arith.constant 0 : i32
    %dma_wait3A_167 = arith.constant 0 : i32
    %dma_wait3A_168 = tpu.memref_slice %arg15[%dma_wait3A_166, %dma_wait3A_167] : memref<512x32xf32, #tpu.memory_space<vmem>> -> memref<128x32xf32, #tpu.memory_space<vmem>>
    %dma_wait3A_169 = arith.constant 0 : i32
    %dma_wait3A_170 = tpu.memref_slice %arg14[%dma_wait3A_169] : memref<512xi32, #tpu.memory_space<vmem>> -> memref<128xi32, #tpu.memory_space<vmem>>
    %dma_wait3A_171 = arith.constant 0 : i32
    %dma_wait3A_172 = arith.constant 0 : i32
    %dma_wait3A_173 = tpu.memref_slice %arg5[%dma_wait3A_171, %dma_wait3A_172] : memref<1000000x32xf32, #tpu.memory_space<hbm>> -> memref<1000000x32xf32, #tpu.memory_space<hbm>>
    tpu.wait_indirect_dma semaphore(%arg21 : memref<!tpu.dma_semaphore, #tpu.memory_space<semaphore_mem>>) src(%dma_wait3A_173 : memref<1000000x32xf32, #tpu.memory_space<hbm>>) dst(%dma_wait3A_168 : memref<128x32xf32, #tpu.memory_space<vmem>>)
    %dma_wait3A_174 = arith.constant 128 : i32
    %dma_wait3A_175 = arith.constant 0 : i32
    %dma_wait3A_176 = tpu.memref_slice %arg15[%dma_wait3A_174, %dma_wait3A_175] : memref<512x32xf32, #tpu.memory_space<vmem>> -> memref<128x32xf32, #tpu.memory_space<vmem>>
    %dma_wait3A_177 = arith.constant 128 : i32
    %dma_wait3A_178 = tpu.memref_slice %arg14[%dma_wait3A_177] : memref<512xi32, #tpu.memory_space<vmem>> -> memref<128xi32, #tpu.memory_space<vmem>>
    %dma_wait3A_179 = arith.constant 0 : i32
    %dma_wait3A_180 = arith.constant 0 : i32
    %dma_wait3A_181 = tpu.memref_slice %arg5[%dma_wait3A_179, %dma_wait3A_180] : memref<1000000x32xf32, #tpu.memory_space<hbm>> -> memref<1000000x32xf32, #tpu.memory_space<hbm>>
    tpu.wait_indirect_dma semaphore(%arg21 : memref<!tpu.dma_semaphore, #tpu.memory_space<semaphore_mem>>) src(%dma_wait3A_181 : memref<1000000x32xf32, #tpu.memory_space<hbm>>) dst(%dma_wait3A_176 : memref<128x32xf32, #tpu.memory_space<vmem>>)
    %dma_wait3A_182 = arith.constant 256 : i32
    %dma_wait3A_183 = arith.constant 0 : i32
    %dma_wait3A_184 = tpu.memref_slice %arg15[%dma_wait3A_182, %dma_wait3A_183] : memref<512x32xf32, #tpu.memory_space<vmem>> -> memref<128x32xf32, #tpu.memory_space<vmem>>
    %dma_wait3A_185 = arith.constant 256 : i32
    %dma_wait3A_186 = tpu.memref_slice %arg14[%dma_wait3A_185] : memref<512xi32, #tpu.memory_space<vmem>> -> memref<128xi32, #tpu.memory_space<vmem>>
    %dma_wait3A_187 = arith.constant 0 : i32
    %dma_wait3A_188 = arith.constant 0 : i32
    %dma_wait3A_189 = tpu.memref_slice %arg5[%dma_wait3A_187, %dma_wait3A_188] : memref<1000000x32xf32, #tpu.memory_space<hbm>> -> memref<1000000x32xf32, #tpu.memory_space<hbm>>
    tpu.wait_indirect_dma semaphore(%arg21 : memref<!tpu.dma_semaphore, #tpu.memory_space<semaphore_mem>>) src(%dma_wait3A_189 : memref<1000000x32xf32, #tpu.memory_space<hbm>>) dst(%dma_wait3A_184 : memref<128x32xf32, #tpu.memory_space<vmem>>)
    %dma_wait3A_190 = arith.constant 384 : i32
    %dma_wait3A_191 = arith.constant 0 : i32
    %dma_wait3A_192 = tpu.memref_slice %arg15[%dma_wait3A_190, %dma_wait3A_191] : memref<512x32xf32, #tpu.memory_space<vmem>> -> memref<128x32xf32, #tpu.memory_space<vmem>>
    %dma_wait3A_193 = arith.constant 384 : i32
    %dma_wait3A_194 = tpu.memref_slice %arg14[%dma_wait3A_193] : memref<512xi32, #tpu.memory_space<vmem>> -> memref<128xi32, #tpu.memory_space<vmem>>
    %dma_wait3A_195 = arith.constant 0 : i32
    %dma_wait3A_196 = arith.constant 0 : i32
    %dma_wait3A_197 = tpu.memref_slice %arg5[%dma_wait3A_195, %dma_wait3A_196] : memref<1000000x32xf32, #tpu.memory_space<hbm>> -> memref<1000000x32xf32, #tpu.memory_space<hbm>>
    tpu.wait_indirect_dma semaphore(%arg21 : memref<!tpu.dma_semaphore, #tpu.memory_space<semaphore_mem>>) src(%dma_wait3A_197 : memref<1000000x32xf32, #tpu.memory_space<hbm>>) dst(%dma_wait3A_192 : memref<128x32xf32, #tpu.memory_space<vmem>>)
    "tpu.region"() ({
      %run_scoped3A = tpu.sem_alloc : memref<!tpu.dma_semaphore, #tpu.memory_space<semaphore_mem>>
      %dma_start3A_314 = arith.constant 0 : i32
      %dma_start3A_315 = tpu.memref_slice %arg8[%mul3A_2, %dma_start3A_314] : memref<16384x32xf32, #tpu.memory_space<hbm>> -> memref<512x32xf32, #tpu.memory_space<hbm>>
      %dma_start3A_316 = arith.constant 0 : i32
      %dma_start3A_317 = tpu.memref_slice %arg8[%mul3A_2, %dma_start3A_316] : memref<16384x32xf32, #tpu.memory_space<hbm>> -> memref<512x32xf32, #tpu.memory_space<hbm>>
      tpu.enqueue_dma source(%arg15 : memref<512x32xf32, #tpu.memory_space<vmem>>) target(%dma_start3A_317 : memref<512x32xf32, #tpu.memory_space<hbm>>) target_semaphore(%run_scoped3A : memref<!tpu.dma_semaphore, #tpu.memory_space<semaphore_mem>>)
      %dma_wait3A_318 = arith.constant 0 : i32
      %dma_wait3A_319 = tpu.memref_slice %arg8[%mul3A_2, %dma_wait3A_318] : memref<16384x32xf32, #tpu.memory_space<hbm>> -> memref<512x32xf32, #tpu.memory_space<hbm>>
      %dma_wait3A_320 = arith.constant 0 : i32
      %dma_wait3A_321 = tpu.memref_slice %arg8[%mul3A_2, %dma_wait3A_320] : memref<16384x32xf32, #tpu.memory_space<hbm>> -> memref<512x32xf32, #tpu.memory_space<hbm>>
      tpu.wait_dma2 semaphore(%run_scoped3A : memref<!tpu.dma_semaphore, #tpu.memory_space<semaphore_mem>>) src(%arg15 : memref<512x32xf32, #tpu.memory_space<vmem>>) dst(%dma_wait3A_321 : memref<512x32xf32, #tpu.memory_space<hbm>>)
      tpu.yield
    }) : () -> ()
    %dma_start3A_198 = arith.constant 0 : i32
    %dma_start3A_199 = tpu.memref_slice %arg16[%dma_start3A_198] : memref<512xi32, #tpu.memory_space<vmem>> -> memref<128xi32, #tpu.memory_space<vmem>>
    %dma_start3A_200 = arith.constant 0 : i32
    %dma_start3A_201 = tpu.memref_slice %arg14[%dma_start3A_200] : memref<512xi32, #tpu.memory_space<vmem>> -> memref<128xi32, #tpu.memory_space<vmem>>
    %dma_start3A_202 = arith.constant 0 : i32
    %dma_start3A_203 = tpu.memref_slice %arg6[%dma_start3A_202] : memref<1000000xi32, #tpu.memory_space<hbm>> -> memref<1000000xi32, #tpu.memory_space<hbm>>
    tpu.enqueue_indirect_dma source(%dma_start3A_203 : memref<1000000xi32, #tpu.memory_space<hbm>>) target(%dma_start3A_199 : memref<128xi32, #tpu.memory_space<vmem>>) offsets(%dma_start3A_201 : memref<128xi32, #tpu.memory_space<vmem>>) semaphore(%arg21 : memref<!tpu.dma_semaphore, #tpu.memory_space<semaphore_mem>>)
    %dma_wait3A_204 = arith.constant 0 : i32
    %dma_wait3A_205 = tpu.memref_slice %arg16[%dma_wait3A_204] : memref<512xi32, #tpu.memory_space<vmem>> -> memref<128xi32, #tpu.memory_space<vmem>>
    %dma_wait3A_206 = arith.constant 0 : i32
    %dma_wait3A_207 = tpu.memref_slice %arg14[%dma_wait3A_206] : memref<512xi32, #tpu.memory_space<vmem>> -> memref<128xi32, #tpu.memory_space<vmem>>
    %dma_wait3A_208 = arith.constant 0 : i32
    %dma_wait3A_209 = tpu.memref_slice %arg6[%dma_wait3A_208] : memref<1000000xi32, #tpu.memory_space<hbm>> -> memref<1000000xi32, #tpu.memory_space<hbm>>
    tpu.wait_indirect_dma semaphore(%arg21 : memref<!tpu.dma_semaphore, #tpu.memory_space<semaphore_mem>>) src(%dma_wait3A_209 : memref<1000000xi32, #tpu.memory_space<hbm>>) dst(%dma_wait3A_205 : memref<128xi32, #tpu.memory_space<vmem>>)
    %dma_start3A_210 = arith.constant 128 : i32
    %dma_start3A_211 = tpu.memref_slice %arg16[%dma_start3A_210] : memref<512xi32, #tpu.memory_space<vmem>> -> memref<128xi32, #tpu.memory_space<vmem>>
    %dma_start3A_212 = arith.constant 128 : i32
    %dma_start3A_213 = tpu.memref_slice %arg14[%dma_start3A_212] : memref<512xi32, #tpu.memory_space<vmem>> -> memref<128xi32, #tpu.memory_space<vmem>>
    %dma_start3A_214 = arith.constant 0 : i32
    %dma_start3A_215 = tpu.memref_slice %arg6[%dma_start3A_214] : memref<1000000xi32, #tpu.memory_space<hbm>> -> memref<1000000xi32, #tpu.memory_space<hbm>>
    tpu.enqueue_indirect_dma source(%dma_start3A_215 : memref<1000000xi32, #tpu.memory_space<hbm>>) target(%dma_start3A_211 : memref<128xi32, #tpu.memory_space<vmem>>) offsets(%dma_start3A_213 : memref<128xi32, #tpu.memory_space<vmem>>) semaphore(%arg21 : memref<!tpu.dma_semaphore, #tpu.memory_space<semaphore_mem>>)
    %dma_wait3A_216 = arith.constant 128 : i32
    %dma_wait3A_217 = tpu.memref_slice %arg16[%dma_wait3A_216] : memref<512xi32, #tpu.memory_space<vmem>> -> memref<128xi32, #tpu.memory_space<vmem>>
    %dma_wait3A_218 = arith.constant 128 : i32
    %dma_wait3A_219 = tpu.memref_slice %arg14[%dma_wait3A_218] : memref<512xi32, #tpu.memory_space<vmem>> -> memref<128xi32, #tpu.memory_space<vmem>>
    %dma_wait3A_220 = arith.constant 0 : i32
    %dma_wait3A_221 = tpu.memref_slice %arg6[%dma_wait3A_220] : memref<1000000xi32, #tpu.memory_space<hbm>> -> memref<1000000xi32, #tpu.memory_space<hbm>>
    tpu.wait_indirect_dma semaphore(%arg21 : memref<!tpu.dma_semaphore, #tpu.memory_space<semaphore_mem>>) src(%dma_wait3A_221 : memref<1000000xi32, #tpu.memory_space<hbm>>) dst(%dma_wait3A_217 : memref<128xi32, #tpu.memory_space<vmem>>)
    %dma_start3A_222 = arith.constant 256 : i32
    %dma_start3A_223 = tpu.memref_slice %arg16[%dma_start3A_222] : memref<512xi32, #tpu.memory_space<vmem>> -> memref<128xi32, #tpu.memory_space<vmem>>
    %dma_start3A_224 = arith.constant 256 : i32
    %dma_start3A_225 = tpu.memref_slice %arg14[%dma_start3A_224] : memref<512xi32, #tpu.memory_space<vmem>> -> memref<128xi32, #tpu.memory_space<vmem>>
    %dma_start3A_226 = arith.constant 0 : i32
    %dma_start3A_227 = tpu.memref_slice %arg6[%dma_start3A_226] : memref<1000000xi32, #tpu.memory_space<hbm>> -> memref<1000000xi32, #tpu.memory_space<hbm>>
    tpu.enqueue_indirect_dma source(%dma_start3A_227 : memref<1000000xi32, #tpu.memory_space<hbm>>) target(%dma_start3A_223 : memref<128xi32, #tpu.memory_space<vmem>>) offsets(%dma_start3A_225 : memref<128xi32, #tpu.memory_space<vmem>>) semaphore(%arg21 : memref<!tpu.dma_semaphore, #tpu.memory_space<semaphore_mem>>)
    %dma_wait3A_228 = arith.constant 256 : i32
    %dma_wait3A_229 = tpu.memref_slice %arg16[%dma_wait3A_228] : memref<512xi32, #tpu.memory_space<vmem>> -> memref<128xi32, #tpu.memory_space<vmem>>
    %dma_wait3A_230 = arith.constant 256 : i32
    %dma_wait3A_231 = tpu.memref_slice %arg14[%dma_wait3A_230] : memref<512xi32, #tpu.memory_space<vmem>> -> memref<128xi32, #tpu.memory_space<vmem>>
    %dma_wait3A_232 = arith.constant 0 : i32
    %dma_wait3A_233 = tpu.memref_slice %arg6[%dma_wait3A_232] : memref<1000000xi32, #tpu.memory_space<hbm>> -> memref<1000000xi32, #tpu.memory_space<hbm>>
    tpu.wait_indirect_dma semaphore(%arg21 : memref<!tpu.dma_semaphore, #tpu.memory_space<semaphore_mem>>) src(%dma_wait3A_233 : memref<1000000xi32, #tpu.memory_space<hbm>>) dst(%dma_wait3A_229 : memref<128xi32, #tpu.memory_space<vmem>>)
    %dma_start3A_234 = arith.constant 384 : i32
    %dma_start3A_235 = tpu.memref_slice %arg16[%dma_start3A_234] : memref<512xi32, #tpu.memory_space<vmem>> -> memref<128xi32, #tpu.memory_space<vmem>>
    %dma_start3A_236 = arith.constant 384 : i32
    %dma_start3A_237 = tpu.memref_slice %arg14[%dma_start3A_236] : memref<512xi32, #tpu.memory_space<vmem>> -> memref<128xi32, #tpu.memory_space<vmem>>
    %dma_start3A_238 = arith.constant 0 : i32
    %dma_start3A_239 = tpu.memref_slice %arg6[%dma_start3A_238] : memref<1000000xi32, #tpu.memory_space<hbm>> -> memref<1000000xi32, #tpu.memory_space<hbm>>
    tpu.enqueue_indirect_dma source(%dma_start3A_239 : memref<1000000xi32, #tpu.memory_space<hbm>>) target(%dma_start3A_235 : memref<128xi32, #tpu.memory_space<vmem>>) offsets(%dma_start3A_237 : memref<128xi32, #tpu.memory_space<vmem>>) semaphore(%arg21 : memref<!tpu.dma_semaphore, #tpu.memory_space<semaphore_mem>>)
    %dma_wait3A_240 = arith.constant 384 : i32
    %dma_wait3A_241 = tpu.memref_slice %arg16[%dma_wait3A_240] : memref<512xi32, #tpu.memory_space<vmem>> -> memref<128xi32, #tpu.memory_space<vmem>>
    %dma_wait3A_242 = arith.constant 384 : i32
    %dma_wait3A_243 = tpu.memref_slice %arg14[%dma_wait3A_242] : memref<512xi32, #tpu.memory_space<vmem>> -> memref<128xi32, #tpu.memory_space<vmem>>
    %dma_wait3A_244 = arith.constant 0 : i32
    %dma_wait3A_245 = tpu.memref_slice %arg6[%dma_wait3A_244] : memref<1000000xi32, #tpu.memory_space<hbm>> -> memref<1000000xi32, #tpu.memory_space<hbm>>
    tpu.wait_indirect_dma semaphore(%arg21 : memref<!tpu.dma_semaphore, #tpu.memory_space<semaphore_mem>>) src(%dma_wait3A_245 : memref<1000000xi32, #tpu.memory_space<hbm>>) dst(%dma_wait3A_241 : memref<128xi32, #tpu.memory_space<vmem>>)
    "tpu.region"() ({
      %run_scoped3A = tpu.sem_alloc : memref<!tpu.dma_semaphore, #tpu.memory_space<semaphore_mem>>
      %dma_start3A_314 = tpu.memref_slice %arg11[%mul3A_2] : memref<16384xi32, #tpu.memory_space<hbm>> -> memref<512xi32, #tpu.memory_space<hbm>>
      %dma_start3A_315 = tpu.memref_slice %arg11[%mul3A_2] : memref<16384xi32, #tpu.memory_space<hbm>> -> memref<512xi32, #tpu.memory_space<hbm>>
      tpu.enqueue_dma source(%arg16 : memref<512xi32, #tpu.memory_space<vmem>>) target(%dma_start3A_315 : memref<512xi32, #tpu.memory_space<hbm>>) target_semaphore(%run_scoped3A : memref<!tpu.dma_semaphore, #tpu.memory_space<semaphore_mem>>)
      %dma_wait3A_316 = tpu.memref_slice %arg11[%mul3A_2] : memref<16384xi32, #tpu.memory_space<hbm>> -> memref<512xi32, #tpu.memory_space<hbm>>
      %dma_wait3A_317 = tpu.memref_slice %arg11[%mul3A_2] : memref<16384xi32, #tpu.memory_space<hbm>> -> memref<512xi32, #tpu.memory_space<hbm>>
      tpu.wait_dma2 semaphore(%run_scoped3A : memref<!tpu.dma_semaphore, #tpu.memory_space<semaphore_mem>>) src(%arg16 : memref<512xi32, #tpu.memory_space<vmem>>) dst(%dma_wait3A_317 : memref<512xi32, #tpu.memory_space<hbm>>)
      tpu.yield
    }) : () -> ()
    "tpu.region"() ({
      %run_scoped3A = tpu.sem_alloc : memref<!tpu.dma_semaphore, #tpu.memory_space<semaphore_mem>>
      %dma_start3A_314 = tpu.memref_slice %arg4[%mul3A_2] : memref<16384xi32, #tpu.memory_space<hbm>> -> memref<512xi32, #tpu.memory_space<hbm>>
      %dma_start3A_315 = tpu.memref_slice %arg4[%mul3A_2] : memref<16384xi32, #tpu.memory_space<hbm>> -> memref<512xi32, #tpu.memory_space<hbm>>
      tpu.enqueue_dma source(%dma_start3A_315 : memref<512xi32, #tpu.memory_space<hbm>>) target(%arg14 : memref<512xi32, #tpu.memory_space<vmem>>) target_semaphore(%run_scoped3A : memref<!tpu.dma_semaphore, #tpu.memory_space<semaphore_mem>>)
      %dma_wait3A_316 = tpu.memref_slice %arg4[%mul3A_2] : memref<16384xi32, #tpu.memory_space<hbm>> -> memref<512xi32, #tpu.memory_space<hbm>>
      %dma_wait3A_317 = tpu.memref_slice %arg4[%mul3A_2] : memref<16384xi32, #tpu.memory_space<hbm>> -> memref<512xi32, #tpu.memory_space<hbm>>
      tpu.wait_dma2 semaphore(%run_scoped3A : memref<!tpu.dma_semaphore, #tpu.memory_space<semaphore_mem>>) src(%dma_wait3A_317 : memref<512xi32, #tpu.memory_space<hbm>>) dst(%arg14 : memref<512xi32, #tpu.memory_space<vmem>>)
      tpu.yield
    }) : () -> ()
    %dma_start3A_246 = arith.constant 0 : i32
    %dma_start3A_247 = arith.constant 0 : i32
    %dma_start3A_248 = tpu.memref_slice %arg15[%dma_start3A_246, %dma_start3A_247] : memref<512x32xf32, #tpu.memory_space<vmem>> -> memref<128x32xf32, #tpu.memory_space<vmem>>
    %dma_start3A_249 = arith.constant 0 : i32
    %dma_start3A_250 = tpu.memref_slice %arg14[%dma_start3A_249] : memref<512xi32, #tpu.memory_space<vmem>> -> memref<128xi32, #tpu.memory_space<vmem>>
    %dma_start3A_251 = arith.constant 0 : i32
    %dma_start3A_252 = arith.constant 0 : i32
    %dma_start3A_253 = tpu.memref_slice %arg5[%dma_start3A_251, %dma_start3A_252] : memref<1000000x32xf32, #tpu.memory_space<hbm>> -> memref<1000000x32xf32, #tpu.memory_space<hbm>>
    tpu.enqueue_indirect_dma source(%dma_start3A_253 : memref<1000000x32xf32, #tpu.memory_space<hbm>>) target(%dma_start3A_248 : memref<128x32xf32, #tpu.memory_space<vmem>>) offsets(%dma_start3A_250 : memref<128xi32, #tpu.memory_space<vmem>>) semaphore(%arg21 : memref<!tpu.dma_semaphore, #tpu.memory_space<semaphore_mem>>)
    %dma_start3A_254 = arith.constant 128 : i32
    %dma_start3A_255 = arith.constant 0 : i32
    %dma_start3A_256 = tpu.memref_slice %arg15[%dma_start3A_254, %dma_start3A_255] : memref<512x32xf32, #tpu.memory_space<vmem>> -> memref<128x32xf32, #tpu.memory_space<vmem>>
    %dma_start3A_257 = arith.constant 128 : i32
    %dma_start3A_258 = tpu.memref_slice %arg14[%dma_start3A_257] : memref<512xi32, #tpu.memory_space<vmem>> -> memref<128xi32, #tpu.memory_space<vmem>>
    %dma_start3A_259 = arith.constant 0 : i32
    %dma_start3A_260 = arith.constant 0 : i32
    %dma_start3A_261 = tpu.memref_slice %arg5[%dma_start3A_259, %dma_start3A_260] : memref<1000000x32xf32, #tpu.memory_space<hbm>> -> memref<1000000x32xf32, #tpu.memory_space<hbm>>
    tpu.enqueue_indirect_dma source(%dma_start3A_261 : memref<1000000x32xf32, #tpu.memory_space<hbm>>) target(%dma_start3A_256 : memref<128x32xf32, #tpu.memory_space<vmem>>) offsets(%dma_start3A_258 : memref<128xi32, #tpu.memory_space<vmem>>) semaphore(%arg21 : memref<!tpu.dma_semaphore, #tpu.memory_space<semaphore_mem>>)
    %dma_start3A_262 = arith.constant 256 : i32
    %dma_start3A_263 = arith.constant 0 : i32
    %dma_start3A_264 = tpu.memref_slice %arg15[%dma_start3A_262, %dma_start3A_263] : memref<512x32xf32, #tpu.memory_space<vmem>> -> memref<128x32xf32, #tpu.memory_space<vmem>>
    %dma_start3A_265 = arith.constant 256 : i32
    %dma_start3A_266 = tpu.memref_slice %arg14[%dma_start3A_265] : memref<512xi32, #tpu.memory_space<vmem>> -> memref<128xi32, #tpu.memory_space<vmem>>
    %dma_start3A_267 = arith.constant 0 : i32
    %dma_start3A_268 = arith.constant 0 : i32
    %dma_start3A_269 = tpu.memref_slice %arg5[%dma_start3A_267, %dma_start3A_268] : memref<1000000x32xf32, #tpu.memory_space<hbm>> -> memref<1000000x32xf32, #tpu.memory_space<hbm>>
    tpu.enqueue_indirect_dma source(%dma_start3A_269 : memref<1000000x32xf32, #tpu.memory_space<hbm>>) target(%dma_start3A_264 : memref<128x32xf32, #tpu.memory_space<vmem>>) offsets(%dma_start3A_266 : memref<128xi32, #tpu.memory_space<vmem>>) semaphore(%arg21 : memref<!tpu.dma_semaphore, #tpu.memory_space<semaphore_mem>>)
    %dma_start3A_270 = arith.constant 384 : i32
    %dma_start3A_271 = arith.constant 0 : i32
    %dma_start3A_272 = tpu.memref_slice %arg15[%dma_start3A_270, %dma_start3A_271] : memref<512x32xf32, #tpu.memory_space<vmem>> -> memref<128x32xf32, #tpu.memory_space<vmem>>
    %dma_start3A_273 = arith.constant 384 : i32
    %dma_start3A_274 = tpu.memref_slice %arg14[%dma_start3A_273] : memref<512xi32, #tpu.memory_space<vmem>> -> memref<128xi32, #tpu.memory_space<vmem>>
    %dma_start3A_275 = arith.constant 0 : i32
    %dma_start3A_276 = arith.constant 0 : i32
    %dma_start3A_277 = tpu.memref_slice %arg5[%dma_start3A_275, %dma_start3A_276] : memref<1000000x32xf32, #tpu.memory_space<hbm>> -> memref<1000000x32xf32, #tpu.memory_space<hbm>>
    tpu.enqueue_indirect_dma source(%dma_start3A_277 : memref<1000000x32xf32, #tpu.memory_space<hbm>>) target(%dma_start3A_272 : memref<128x32xf32, #tpu.memory_space<vmem>>) offsets(%dma_start3A_274 : memref<128xi32, #tpu.memory_space<vmem>>) semaphore(%arg21 : memref<!tpu.dma_semaphore, #tpu.memory_space<semaphore_mem>>)
    %mul3A_278 = arith.constant 32768 : i32
    %mul3A_279 = arith.muli %add3A, %mul3A_278 : i32
    "tpu.region"() ({
      %run_scoped3A = tpu.sem_alloc : memref<!tpu.dma_semaphore, #tpu.memory_space<semaphore_mem>>
      %dma_start3A_314 = tpu.memref_slice %arg12[%mul3A_279] : memref<1048576xi32, #tpu.memory_space<hbm>> -> memref<32768xi32, #tpu.memory_space<hbm>>
      %dma_start3A_315 = tpu.memref_slice %arg12[%mul3A_279] : memref<1048576xi32, #tpu.memory_space<hbm>> -> memref<32768xi32, #tpu.memory_space<hbm>>
      tpu.enqueue_dma source(%arg18 : memref<32768xi32, #tpu.memory_space<vmem>>) target(%dma_start3A_315 : memref<32768xi32, #tpu.memory_space<hbm>>) target_semaphore(%run_scoped3A : memref<!tpu.dma_semaphore, #tpu.memory_space<semaphore_mem>>)
      %dma_wait3A_316 = tpu.memref_slice %arg12[%mul3A_279] : memref<1048576xi32, #tpu.memory_space<hbm>> -> memref<32768xi32, #tpu.memory_space<hbm>>
      %dma_wait3A_317 = tpu.memref_slice %arg12[%mul3A_279] : memref<1048576xi32, #tpu.memory_space<hbm>> -> memref<32768xi32, #tpu.memory_space<hbm>>
      tpu.wait_dma2 semaphore(%run_scoped3A : memref<!tpu.dma_semaphore, #tpu.memory_space<semaphore_mem>>) src(%arg18 : memref<32768xi32, #tpu.memory_space<vmem>>) dst(%dma_wait3A_317 : memref<32768xi32, #tpu.memory_space<hbm>>)
      tpu.yield
    }) : () -> ()
    %mul3A_280 = arith.constant 32768 : i32
    %mul3A_281 = arith.muli %add3A, %mul3A_280 : i32
    "tpu.region"() ({
      %run_scoped3A = tpu.sem_alloc : memref<!tpu.dma_semaphore, #tpu.memory_space<semaphore_mem>>
      %dma_start3A_314 = tpu.memref_slice %arg13[%mul3A_281] : memref<1048576xi32, #tpu.memory_space<hbm>> -> memref<32768xi32, #tpu.memory_space<hbm>>
      %dma_start3A_315 = tpu.memref_slice %arg13[%mul3A_281] : memref<1048576xi32, #tpu.memory_space<hbm>> -> memref<32768xi32, #tpu.memory_space<hbm>>
      tpu.enqueue_dma source(%arg19 : memref<32768xi32, #tpu.memory_space<vmem>>) target(%dma_start3A_315 : memref<32768xi32, #tpu.memory_space<hbm>>) target_semaphore(%run_scoped3A : memref<!tpu.dma_semaphore, #tpu.memory_space<semaphore_mem>>)
      %dma_wait3A_316 = tpu.memref_slice %arg13[%mul3A_281] : memref<1048576xi32, #tpu.memory_space<hbm>> -> memref<32768xi32, #tpu.memory_space<hbm>>
      %dma_wait3A_317 = tpu.memref_slice %arg13[%mul3A_281] : memref<1048576xi32, #tpu.memory_space<hbm>> -> memref<32768xi32, #tpu.memory_space<hbm>>
      tpu.wait_dma2 semaphore(%run_scoped3A : memref<!tpu.dma_semaphore, #tpu.memory_space<semaphore_mem>>) src(%arg19 : memref<32768xi32, #tpu.memory_space<vmem>>) dst(%dma_wait3A_317 : memref<32768xi32, #tpu.memory_space<hbm>>)
      tpu.yield
    }) : () -> ()
    %dma_wait3A_282 = arith.constant 0 : i32
    %dma_wait3A_283 = arith.constant 0 : i32
    %dma_wait3A_284 = tpu.memref_slice %arg15[%dma_wait3A_282, %dma_wait3A_283] : memref<512x32xf32, #tpu.memory_space<vmem>> -> memref<128x32xf32, #tpu.memory_space<vmem>>
    %dma_wait3A_285 = arith.constant 0 : i32
    %dma_wait3A_286 = tpu.memref_slice %arg14[%dma_wait3A_285] : memref<512xi32, #tpu.memory_space<vmem>> -> memref<128xi32, #tpu.memory_space<vmem>>
    %dma_wait3A_287 = arith.constant 0 : i32
    %dma_wait3A_288 = arith.constant 0 : i32
    %dma_wait3A_289 = tpu.memref_slice %arg5[%dma_wait3A_287, %dma_wait3A_288] : memref<1000000x32xf32, #tpu.memory_space<hbm>> -> memref<1000000x32xf32, #tpu.memory_space<hbm>>
    tpu.wait_indirect_dma semaphore(%arg21 : memref<!tpu.dma_semaphore, #tpu.memory_space<semaphore_mem>>) src(%dma_wait3A_289 : memref<1000000x32xf32, #tpu.memory_space<hbm>>) dst(%dma_wait3A_284 : memref<128x32xf32, #tpu.memory_space<vmem>>)
    %dma_wait3A_290 = arith.constant 128 : i32
    %dma_wait3A_291 = arith.constant 0 : i32
    %dma_wait3A_292 = tpu.memref_slice %arg15[%dma_wait3A_290, %dma_wait3A_291] : memref<512x32xf32, #tpu.memory_space<vmem>> -> memref<128x32xf32, #tpu.memory_space<vmem>>
    %dma_wait3A_293 = arith.constant 128 : i32
    %dma_wait3A_294 = tpu.memref_slice %arg14[%dma_wait3A_293] : memref<512xi32, #tpu.memory_space<vmem>> -> memref<128xi32, #tpu.memory_space<vmem>>
    %dma_wait3A_295 = arith.constant 0 : i32
    %dma_wait3A_296 = arith.constant 0 : i32
    %dma_wait3A_297 = tpu.memref_slice %arg5[%dma_wait3A_295, %dma_wait3A_296] : memref<1000000x32xf32, #tpu.memory_space<hbm>> -> memref<1000000x32xf32, #tpu.memory_space<hbm>>
    tpu.wait_indirect_dma semaphore(%arg21 : memref<!tpu.dma_semaphore, #tpu.memory_space<semaphore_mem>>) src(%dma_wait3A_297 : memref<1000000x32xf32, #tpu.memory_space<hbm>>) dst(%dma_wait3A_292 : memref<128x32xf32, #tpu.memory_space<vmem>>)
    %dma_wait3A_298 = arith.constant 256 : i32
    %dma_wait3A_299 = arith.constant 0 : i32
    %dma_wait3A_300 = tpu.memref_slice %arg15[%dma_wait3A_298, %dma_wait3A_299] : memref<512x32xf32, #tpu.memory_space<vmem>> -> memref<128x32xf32, #tpu.memory_space<vmem>>
    %dma_wait3A_301 = arith.constant 256 : i32
    %dma_wait3A_302 = tpu.memref_slice %arg14[%dma_wait3A_301] : memref<512xi32, #tpu.memory_space<vmem>> -> memref<128xi32, #tpu.memory_space<vmem>>
    %dma_wait3A_303 = arith.constant 0 : i32
    %dma_wait3A_304 = arith.constant 0 : i32
    %dma_wait3A_305 = tpu.memref_slice %arg5[%dma_wait3A_303, %dma_wait3A_304] : memref<1000000x32xf32, #tpu.memory_space<hbm>> -> memref<1000000x32xf32, #tpu.memory_space<hbm>>
    tpu.wait_indirect_dma semaphore(%arg21 : memref<!tpu.dma_semaphore, #tpu.memory_space<semaphore_mem>>) src(%dma_wait3A_305 : memref<1000000x32xf32, #tpu.memory_space<hbm>>) dst(%dma_wait3A_300 : memref<128x32xf32, #tpu.memory_space<vmem>>)
    %dma_wait3A_306 = arith.constant 384 : i32
    %dma_wait3A_307 = arith.constant 0 : i32
    %dma_wait3A_308 = tpu.memref_slice %arg15[%dma_wait3A_306, %dma_wait3A_307] : memref<512x32xf32, #tpu.memory_space<vmem>> -> memref<128x32xf32, #tpu.memory_space<vmem>>
    %dma_wait3A_309 = arith.constant 384 : i32
    %dma_wait3A_310 = tpu.memref_slice %arg14[%dma_wait3A_309] : memref<512xi32, #tpu.memory_space<vmem>> -> memref<128xi32, #tpu.memory_space<vmem>>
    %dma_wait3A_311 = arith.constant 0 : i32
    %dma_wait3A_312 = arith.constant 0 : i32
    %dma_wait3A_313 = tpu.memref_slice %arg5[%dma_wait3A_311, %dma_wait3A_312] : memref<1000000x32xf32, #tpu.memory_space<hbm>> -> memref<1000000x32xf32, #tpu.memory_space<hbm>>
    tpu.wait_indirect_dma semaphore(%arg21 : memref<!tpu.dma_semaphore, #tpu.memory_space<semaphore_mem>>) src(%dma_wait3A_313 : memref<1000000x32xf32, #tpu.memory_space<hbm>>) dst(%dma_wait3A_308 : memref<128x32xf32, #tpu.memory_space<vmem>>)
    "tpu.region"() ({
      %run_scoped3A = tpu.sem_alloc : memref<!tpu.dma_semaphore, #tpu.memory_space<semaphore_mem>>
      %dma_start3A_314 = arith.constant 0 : i32
      %dma_start3A_315 = tpu.memref_slice %arg9[%mul3A_2, %dma_start3A_314] : memref<16384x32xf32, #tpu.memory_space<hbm>> -> memref<512x32xf32, #tpu.memory_space<hbm>>
      %dma_start3A_316 = arith.constant 0 : i32
      %dma_start3A_317 = tpu.memref_slice %arg9[%mul3A_2, %dma_start3A_316] : memref<16384x32xf32, #tpu.memory_space<hbm>> -> memref<512x32xf32, #tpu.memory_space<hbm>>
      tpu.enqueue_dma source(%arg15 : memref<512x32xf32, #tpu.memory_space<vmem>>) target(%dma_start3A_317 : memref<512x32xf32, #tpu.memory_space<hbm>>) target_semaphore(%run_scoped3A : memref<!tpu.dma_semaphore, #tpu.memory_space<semaphore_mem>>)
      %dma_wait3A_318 = arith.constant 0 : i32
      %dma_wait3A_319 = tpu.memref_slice %arg9[%mul3A_2, %dma_wait3A_318] : memref<16384x32xf32, #tpu.memory_space<hbm>> -> memref<512x32xf32, #tpu.memory_space<hbm>>
      %dma_wait3A_320 = arith.constant 0 : i32
      %dma_wait3A_321 = tpu.memref_slice %arg9[%mul3A_2, %dma_wait3A_320] : memref<16384x32xf32, #tpu.memory_space<hbm>> -> memref<512x32xf32, #tpu.memory_space<hbm>>
      tpu.wait_dma2 semaphore(%run_scoped3A : memref<!tpu.dma_semaphore, #tpu.memory_space<semaphore_mem>>) src(%arg15 : memref<512x32xf32, #tpu.memory_space<vmem>>) dst(%dma_wait3A_321 : memref<512x32xf32, #tpu.memory_space<hbm>>)
      tpu.yield
    }) : () -> ()
    return
  }
}

module attributes {stable_mosaic.version = 14 : i64} {
  func.func @_gru_mlp_body(%arg0: i32, %arg1: memref<2048x32xf32, #tpu.memory_space<vmem>>, %arg2: memref<2048x32xf32, #tpu.memory_space<vmem>>, %arg3: memref<2048x32xf32, #tpu.memory_space<vmem>>, %arg4: memref<2048x1xi32, #tpu.memory_space<vmem>>, %arg5: memref<2048x1xi32, #tpu.memory_space<vmem>>, %arg6: memref<2048x1xi32, #tpu.memory_space<vmem>>, %arg7: memref<2048x32xf32, #tpu.memory_space<vmem>>, %arg8: memref<1x32xf32, #tpu.memory_space<vmem>>, %arg9: memref<1x32xf32, #tpu.memory_space<vmem>>, %arg10: memref<32x128xf32, #tpu.memory_space<vmem>>, %arg11: memref<32x128xf32, #tpu.memory_space<vmem>>, %arg12: memref<32x128xf32, #tpu.memory_space<vmem>>, %arg13: memref<32x32xf32, #tpu.memory_space<vmem>>, %arg14: memref<32x32xf32, #tpu.memory_space<vmem>>, %arg15: memref<32x32xf32, #tpu.memory_space<vmem>>, %arg16: memref<1x32xf32, #tpu.memory_space<vmem>>, %arg17: memref<1x32xf32, #tpu.memory_space<vmem>>, %arg18: memref<1x32xf32, #tpu.memory_space<vmem>>, %arg19: memref<1x32xf32, #tpu.memory_space<vmem>>, %arg20: memref<1x32xf32, #tpu.memory_space<vmem>>, %arg21: memref<1x32xf32, #tpu.memory_space<vmem>>, %arg22: memref<32x32xf32, #tpu.memory_space<vmem>>, %arg23: memref<1x32xf32, #tpu.memory_space<vmem>>, %arg24: memref<16x32xf32, #tpu.memory_space<vmem>>, %arg25: memref<1x16xf32, #tpu.memory_space<vmem>>, %arg26: memref<2048x16xf32, #tpu.memory_space<vmem>>, %arg27: memref<2048x16xf32, #tpu.memory_space<vmem>>, %arg28: memref<2048x16xf32, #tpu.memory_space<vmem>>) attributes {dimension_semantics = [#tpu.dimension_semantics<arbitrary>], iteration_bounds = array<i64: 8>, scalar_prefetch = 0 : i64, scratch_operands = 0 : i64, tpu.core_type = #tpu.core_type<tc>, window_params = [{transform_indices = @transform_0, window_bounds = array<i64: 2048, 32>}, {transform_indices = @transform_1, window_bounds = array<i64: 2048, 32>}, {transform_indices = @transform_2, window_bounds = array<i64: 2048, 32>}, {transform_indices = @transform_3, window_bounds = array<i64: 2048, 1>}, {transform_indices = @transform_4, window_bounds = array<i64: 2048, 1>}, {transform_indices = @transform_5, window_bounds = array<i64: 2048, 1>}, {transform_indices = @transform_6, window_bounds = array<i64: 2048, 32>}, {pipeline_mode = #tpu.pipeline_mode<synchronous>, transform_indices = @transform_7, window_bounds = array<i64: 1, 32>}, {pipeline_mode = #tpu.pipeline_mode<synchronous>, transform_indices = @transform_8, window_bounds = array<i64: 1, 32>}, {pipeline_mode = #tpu.pipeline_mode<synchronous>, transform_indices = @transform_9, window_bounds = array<i64: 32, 128>}, {pipeline_mode = #tpu.pipeline_mode<synchronous>, transform_indices = @transform_10, window_bounds = array<i64: 32, 128>}, {pipeline_mode = #tpu.pipeline_mode<synchronous>, transform_indices = @transform_11, window_bounds = array<i64: 32, 128>}, {pipeline_mode = #tpu.pipeline_mode<synchronous>, transform_indices = @transform_12, window_bounds = array<i64: 32, 32>}, {pipeline_mode = #tpu.pipeline_mode<synchronous>, transform_indices = @transform_13, window_bounds = array<i64: 32, 32>}, {pipeline_mode = #tpu.pipeline_mode<synchronous>, transform_indices = @transform_14, window_bounds = array<i64: 32, 32>}, {pipeline_mode = #tpu.pipeline_mode<synchronous>, transform_indices = @transform_15, window_bounds = array<i64: 1, 32>}, {pipeline_mode = #tpu.pipeline_mode<synchronous>, transform_indices = @transform_16, window_bounds = array<i64: 1, 32>}, {pipeline_mode = #tpu.pipeline_mode<synchronous>, transform_indices = @transform_17, window_bounds = array<i64: 1, 32>}, {pipeline_mode = #tpu.pipeline_mode<synchronous>, transform_indices = @transform_18, window_bounds = array<i64: 1, 32>}, {pipeline_mode = #tpu.pipeline_mode<synchronous>, transform_indices = @transform_19, window_bounds = array<i64: 1, 32>}, {pipeline_mode = #tpu.pipeline_mode<synchronous>, transform_indices = @transform_20, window_bounds = array<i64: 1, 32>}, {pipeline_mode = #tpu.pipeline_mode<synchronous>, transform_indices = @transform_21, window_bounds = array<i64: 32, 32>}, {pipeline_mode = #tpu.pipeline_mode<synchronous>, transform_indices = @transform_22, window_bounds = array<i64: 1, 32>}, {pipeline_mode = #tpu.pipeline_mode<synchronous>, transform_indices = @transform_23, window_bounds = array<i64: 16, 32>}, {pipeline_mode = #tpu.pipeline_mode<synchronous>, transform_indices = @transform_24, window_bounds = array<i64: 1, 16>}, {transform_indices = @transform_25, window_bounds = array<i64: 2048, 16>}, {transform_indices = @transform_26, window_bounds = array<i64: 2048, 16>}, {transform_indices = @transform_27, window_bounds = array<i64: 2048, 16>}]} {
    %get3A = arith.constant 0 : index
    %get3A_0 = arith.constant 0 : index
    %get3A_1 = vector.load %arg1[%get3A, %get3A_0] : memref<2048x32xf32, #tpu.memory_space<vmem>>, vector<2048x32xf32>
    %get3A_2 = arith.constant 0 : index
    %get3A_3 = arith.constant 0 : index
    %get3A_4 = vector.load %arg2[%get3A_2, %get3A_3] : memref<2048x32xf32, #tpu.memory_space<vmem>>, vector<2048x32xf32>
    %get3A_5 = arith.constant 0 : index
    %get3A_6 = arith.constant 0 : index
    %get3A_7 = vector.load %arg3[%get3A_5, %get3A_6] : memref<2048x32xf32, #tpu.memory_space<vmem>>, vector<2048x32xf32>
    %get3A_8 = arith.constant 0 : index
    %get3A_9 = arith.constant 0 : index
    %get3A_10 = vector.load %arg4[%get3A_8, %get3A_9] : memref<2048x1xi32, #tpu.memory_space<vmem>>, vector<2048x1xi32>
    %convert_element_type3A = arith.sitofp %get3A_10 : vector<2048x1xi32> to vector<2048x1xf32>
    %get3A_11 = arith.constant 0 : index
    %get3A_12 = arith.constant 0 : index
    %get3A_13 = vector.load %arg5[%get3A_11, %get3A_12] : memref<2048x1xi32, #tpu.memory_space<vmem>>, vector<2048x1xi32>
    %convert_element_type3A_14 = arith.sitofp %get3A_13 : vector<2048x1xi32> to vector<2048x1xf32>
    %get3A_15 = arith.constant 0 : index
    %get3A_16 = arith.constant 0 : index
    %get3A_17 = vector.load %arg6[%get3A_15, %get3A_16] : memref<2048x1xi32, #tpu.memory_space<vmem>>, vector<2048x1xi32>
    %convert_element_type3A_18 = arith.sitofp %get3A_17 : vector<2048x1xi32> to vector<2048x1xf32>
    %get3A_19 = arith.constant 0 : index
    %get3A_20 = arith.constant 0 : index
    %get3A_21 = vector.load %arg8[%get3A_19, %get3A_20] : memref<1x32xf32, #tpu.memory_space<vmem>>, vector<1x32xf32>
    %get3A_22 = arith.constant 0 : index
    %get3A_23 = arith.constant 0 : index
    %get3A_24 = vector.load %arg9[%get3A_22, %get3A_23] : memref<1x32xf32, #tpu.memory_space<vmem>>, vector<1x32xf32>
    %sub3A = arith.subf %convert_element_type3A, %convert_element_type3A_14 : vector<2048x1xf32>
    %mul3A = vector.broadcast %sub3A : vector<2048x1xf32> to vector<2048x32xf32>
    %mul3A_25 = vector.broadcast %get3A_21 : vector<1x32xf32> to vector<2048x32xf32>
    %mul3A_26 = arith.mulf %mul3A, %mul3A_25 : vector<2048x32xf32>
    %add3A = vector.broadcast %get3A_24 : vector<1x32xf32> to vector<2048x32xf32>
    %add3A_27 = arith.addf %mul3A_26, %add3A : vector<2048x32xf32>
    %cos3A = math.cos %add3A_27 : vector<2048x32xf32>
    %concatenate3A = tpu.concatenate %get3A_1, %get3A_4, %get3A_7, %cos3A in 1 : vector<2048x32xf32>, vector<2048x32xf32>, vector<2048x32xf32>, vector<2048x32xf32> -> vector<2048x128xf32>
    %get3A_28 = arith.constant 0 : index
    %get3A_29 = arith.constant 0 : index
    %get3A_30 = vector.load %arg10[%get3A_28, %get3A_29] : memref<32x128xf32, #tpu.memory_space<vmem>>, vector<32x128xf32>
    %dot_general3A = arith.constant dense<0.000000e+00> : vector<2048x32xf32>
    %dot_general3A_31 = tpu.matmul %concatenate3A, %get3A_30, %dot_general3A {dimension_numbers = #tpu.dot_dimension_numbers<[1], [1], [0], [0], [0, 0, 1, 0], [], []>, transpose_lhs_hint = false} : vector<2048x128xf32>, vector<32x128xf32>, vector<2048x32xf32> -> vector<2048x32xf32>
    %get3A_32 = arith.constant 0 : index
    %get3A_33 = arith.constant 0 : index
    %get3A_34 = vector.load %arg16[%get3A_32, %get3A_33] : memref<1x32xf32, #tpu.memory_space<vmem>>, vector<1x32xf32>
    %add3A_35 = vector.broadcast %get3A_34 : vector<1x32xf32> to vector<2048x32xf32>
    %add3A_36 = arith.addf %dot_general3A_31, %add3A_35 : vector<2048x32xf32>
    %get3A_37 = arith.constant 0 : index
    %get3A_38 = arith.constant 0 : index
    %get3A_39 = vector.load %arg13[%get3A_37, %get3A_38] : memref<32x32xf32, #tpu.memory_space<vmem>>, vector<32x32xf32>
    %dot_general3A_40 = arith.constant dense<0.000000e+00> : vector<2048x32xf32>
    %dot_general3A_41 = tpu.matmul %get3A_1, %get3A_39, %dot_general3A_40 {dimension_numbers = #tpu.dot_dimension_numbers<[1], [1], [0], [0], [0, 0, 1, 0], [], []>, transpose_lhs_hint = false} : vector<2048x32xf32>, vector<32x32xf32>, vector<2048x32xf32> -> vector<2048x32xf32>
    %add3A_42 = arith.addf %add3A_36, %dot_general3A_41 : vector<2048x32xf32>
    %get3A_43 = arith.constant 0 : index
    %get3A_44 = arith.constant 0 : index
    %get3A_45 = vector.load %arg19[%get3A_43, %get3A_44] : memref<1x32xf32, #tpu.memory_space<vmem>>, vector<1x32xf32>
    %add3A_46 = vector.broadcast %get3A_45 : vector<1x32xf32> to vector<2048x32xf32>
    %add3A_47 = arith.addf %add3A_42, %add3A_46 : vector<2048x32xf32>
    %logistic3A = arith.negf %add3A_47 : vector<2048x32xf32>
    %logistic3A_48 = math.exp %logistic3A : vector<2048x32xf32>
    %logistic3A_49 = arith.constant 1.000000e+00 : f32
    %logistic3A_50 = vector.broadcast %logistic3A_49 : f32 to vector<2048x32xf32>
    %logistic3A_51 = arith.addf %logistic3A_50, %logistic3A_48 : vector<2048x32xf32>
    %logistic3A_52 = arith.divf %logistic3A_50, %logistic3A_51 : vector<2048x32xf32>
    %get3A_53 = arith.constant 0 : index
    %get3A_54 = arith.constant 0 : index
    %get3A_55 = vector.load %arg11[%get3A_53, %get3A_54] : memref<32x128xf32, #tpu.memory_space<vmem>>, vector<32x128xf32>
    %dot_general3A_56 = arith.constant dense<0.000000e+00> : vector<2048x32xf32>
    %dot_general3A_57 = tpu.matmul %concatenate3A, %get3A_55, %dot_general3A_56 {dimension_numbers = #tpu.dot_dimension_numbers<[1], [1], [0], [0], [0, 0, 1, 0], [], []>, transpose_lhs_hint = false} : vector<2048x128xf32>, vector<32x128xf32>, vector<2048x32xf32> -> vector<2048x32xf32>
    %get3A_58 = arith.constant 0 : index
    %get3A_59 = arith.constant 0 : index
    %get3A_60 = vector.load %arg17[%get3A_58, %get3A_59] : memref<1x32xf32, #tpu.memory_space<vmem>>, vector<1x32xf32>
    %add3A_61 = vector.broadcast %get3A_60 : vector<1x32xf32> to vector<2048x32xf32>
    %add3A_62 = arith.addf %dot_general3A_57, %add3A_61 : vector<2048x32xf32>
    %get3A_63 = arith.constant 0 : index
    %get3A_64 = arith.constant 0 : index
    %get3A_65 = vector.load %arg14[%get3A_63, %get3A_64] : memref<32x32xf32, #tpu.memory_space<vmem>>, vector<32x32xf32>
    %dot_general3A_66 = arith.constant dense<0.000000e+00> : vector<2048x32xf32>
    %dot_general3A_67 = tpu.matmul %get3A_1, %get3A_65, %dot_general3A_66 {dimension_numbers = #tpu.dot_dimension_numbers<[1], [1], [0], [0], [0, 0, 1, 0], [], []>, transpose_lhs_hint = false} : vector<2048x32xf32>, vector<32x32xf32>, vector<2048x32xf32> -> vector<2048x32xf32>
    %add3A_68 = arith.addf %add3A_62, %dot_general3A_67 : vector<2048x32xf32>
    %get3A_69 = arith.constant 0 : index
    %get3A_70 = arith.constant 0 : index
    %get3A_71 = vector.load %arg20[%get3A_69, %get3A_70] : memref<1x32xf32, #tpu.memory_space<vmem>>, vector<1x32xf32>
    %add3A_72 = vector.broadcast %get3A_71 : vector<1x32xf32> to vector<2048x32xf32>
    %add3A_73 = arith.addf %add3A_68, %add3A_72 : vector<2048x32xf32>
    %logistic3A_74 = arith.negf %add3A_73 : vector<2048x32xf32>
    %logistic3A_75 = math.exp %logistic3A_74 : vector<2048x32xf32>
    %logistic3A_76 = arith.constant 1.000000e+00 : f32
    %logistic3A_77 = vector.broadcast %logistic3A_76 : f32 to vector<2048x32xf32>
    %logistic3A_78 = arith.addf %logistic3A_77, %logistic3A_75 : vector<2048x32xf32>
    %logistic3A_79 = arith.divf %logistic3A_77, %logistic3A_78 : vector<2048x32xf32>
    %get3A_80 = arith.constant 0 : index
    %get3A_81 = arith.constant 0 : index
    %get3A_82 = vector.load %arg12[%get3A_80, %get3A_81] : memref<32x128xf32, #tpu.memory_space<vmem>>, vector<32x128xf32>
    %dot_general3A_83 = arith.constant dense<0.000000e+00> : vector<2048x32xf32>
    %dot_general3A_84 = tpu.matmul %concatenate3A, %get3A_82, %dot_general3A_83 {dimension_numbers = #tpu.dot_dimension_numbers<[1], [1], [0], [0], [0, 0, 1, 0], [], []>, transpose_lhs_hint = false} : vector<2048x128xf32>, vector<32x128xf32>, vector<2048x32xf32> -> vector<2048x32xf32>
    %get3A_85 = arith.constant 0 : index
    %get3A_86 = arith.constant 0 : index
    %get3A_87 = vector.load %arg18[%get3A_85, %get3A_86] : memref<1x32xf32, #tpu.memory_space<vmem>>, vector<1x32xf32>
    %add3A_88 = vector.broadcast %get3A_87 : vector<1x32xf32> to vector<2048x32xf32>
    %add3A_89 = arith.addf %dot_general3A_84, %add3A_88 : vector<2048x32xf32>
    %get3A_90 = arith.constant 0 : index
    %get3A_91 = arith.constant 0 : index
    %get3A_92 = vector.load %arg15[%get3A_90, %get3A_91] : memref<32x32xf32, #tpu.memory_space<vmem>>, vector<32x32xf32>
    %dot_general3A_93 = arith.constant dense<0.000000e+00> : vector<2048x32xf32>
    %dot_general3A_94 = tpu.matmul %get3A_1, %get3A_92, %dot_general3A_93 {dimension_numbers = #tpu.dot_dimension_numbers<[1], [1], [0], [0], [0, 0, 1, 0], [], []>, transpose_lhs_hint = false} : vector<2048x32xf32>, vector<32x32xf32>, vector<2048x32xf32> -> vector<2048x32xf32>
    %get3A_95 = arith.constant 0 : index
    %get3A_96 = arith.constant 0 : index
    %get3A_97 = vector.load %arg21[%get3A_95, %get3A_96] : memref<1x32xf32, #tpu.memory_space<vmem>>, vector<1x32xf32>
    %add3A_98 = vector.broadcast %get3A_97 : vector<1x32xf32> to vector<2048x32xf32>
    %add3A_99 = arith.addf %dot_general3A_94, %add3A_98 : vector<2048x32xf32>
    %mul3A_100 = arith.mulf %logistic3A_52, %add3A_99 : vector<2048x32xf32>
    %add3A_101 = arith.addf %add3A_89, %mul3A_100 : vector<2048x32xf32>
    %tanh3A = math.tanh %add3A_101 : vector<2048x32xf32>
    %sub3A_102 = arith.constant 1.000000e+00 : f32
    %sub3A_103 = vector.broadcast %sub3A_102 : f32 to vector<2048x32xf32>
    %sub3A_104 = arith.subf %sub3A_103, %logistic3A_79 : vector<2048x32xf32>
    %mul3A_105 = arith.mulf %sub3A_104, %tanh3A : vector<2048x32xf32>
    %mul3A_106 = arith.mulf %logistic3A_79, %get3A_1 : vector<2048x32xf32>
    %add3A_107 = arith.addf %mul3A_105, %mul3A_106 : vector<2048x32xf32>
    %sub3A_108 = arith.subf %convert_element_type3A, %convert_element_type3A_18 : vector<2048x1xf32>
    %mul3A_109 = vector.broadcast %sub3A_108 : vector<2048x1xf32> to vector<2048x32xf32>
    %mul3A_110 = vector.broadcast %get3A_21 : vector<1x32xf32> to vector<2048x32xf32>
    %mul3A_111 = arith.mulf %mul3A_109, %mul3A_110 : vector<2048x32xf32>
    %add3A_112 = vector.broadcast %get3A_24 : vector<1x32xf32> to vector<2048x32xf32>
    %add3A_113 = arith.addf %mul3A_111, %add3A_112 : vector<2048x32xf32>
    %cos3A_114 = math.cos %add3A_113 : vector<2048x32xf32>
    %concatenate3A_115 = tpu.concatenate %get3A_4, %get3A_1, %get3A_7, %cos3A_114 in 1 : vector<2048x32xf32>, vector<2048x32xf32>, vector<2048x32xf32>, vector<2048x32xf32> -> vector<2048x128xf32>
    %get3A_116 = arith.constant 0 : index
    %get3A_117 = arith.constant 0 : index
    %get3A_118 = vector.load %arg10[%get3A_116, %get3A_117] : memref<32x128xf32, #tpu.memory_space<vmem>>, vector<32x128xf32>
    %dot_general3A_119 = arith.constant dense<0.000000e+00> : vector<2048x32xf32>
    %dot_general3A_120 = tpu.matmul %concatenate3A_115, %get3A_118, %dot_general3A_119 {dimension_numbers = #tpu.dot_dimension_numbers<[1], [1], [0], [0], [0, 0, 1, 0], [], []>, transpose_lhs_hint = false} : vector<2048x128xf32>, vector<32x128xf32>, vector<2048x32xf32> -> vector<2048x32xf32>
    %get3A_121 = arith.constant 0 : index
    %get3A_122 = arith.constant 0 : index
    %get3A_123 = vector.load %arg16[%get3A_121, %get3A_122] : memref<1x32xf32, #tpu.memory_space<vmem>>, vector<1x32xf32>
    %add3A_124 = vector.broadcast %get3A_123 : vector<1x32xf32> to vector<2048x32xf32>
    %add3A_125 = arith.addf %dot_general3A_120, %add3A_124 : vector<2048x32xf32>
    %get3A_126 = arith.constant 0 : index
    %get3A_127 = arith.constant 0 : index
    %get3A_128 = vector.load %arg13[%get3A_126, %get3A_127] : memref<32x32xf32, #tpu.memory_space<vmem>>, vector<32x32xf32>
    %dot_general3A_129 = arith.constant dense<0.000000e+00> : vector<2048x32xf32>
    %dot_general3A_130 = tpu.matmul %get3A_4, %get3A_128, %dot_general3A_129 {dimension_numbers = #tpu.dot_dimension_numbers<[1], [1], [0], [0], [0, 0, 1, 0], [], []>, transpose_lhs_hint = false} : vector<2048x32xf32>, vector<32x32xf32>, vector<2048x32xf32> -> vector<2048x32xf32>
    %add3A_131 = arith.addf %add3A_125, %dot_general3A_130 : vector<2048x32xf32>
    %get3A_132 = arith.constant 0 : index
    %get3A_133 = arith.constant 0 : index
    %get3A_134 = vector.load %arg19[%get3A_132, %get3A_133] : memref<1x32xf32, #tpu.memory_space<vmem>>, vector<1x32xf32>
    %add3A_135 = vector.broadcast %get3A_134 : vector<1x32xf32> to vector<2048x32xf32>
    %add3A_136 = arith.addf %add3A_131, %add3A_135 : vector<2048x32xf32>
    %logistic3A_137 = arith.negf %add3A_136 : vector<2048x32xf32>
    %logistic3A_138 = math.exp %logistic3A_137 : vector<2048x32xf32>
    %logistic3A_139 = arith.constant 1.000000e+00 : f32
    %logistic3A_140 = vector.broadcast %logistic3A_139 : f32 to vector<2048x32xf32>
    %logistic3A_141 = arith.addf %logistic3A_140, %logistic3A_138 : vector<2048x32xf32>
    %logistic3A_142 = arith.divf %logistic3A_140, %logistic3A_141 : vector<2048x32xf32>
    %get3A_143 = arith.constant 0 : index
    %get3A_144 = arith.constant 0 : index
    %get3A_145 = vector.load %arg11[%get3A_143, %get3A_144] : memref<32x128xf32, #tpu.memory_space<vmem>>, vector<32x128xf32>
    %dot_general3A_146 = arith.constant dense<0.000000e+00> : vector<2048x32xf32>
    %dot_general3A_147 = tpu.matmul %concatenate3A_115, %get3A_145, %dot_general3A_146 {dimension_numbers = #tpu.dot_dimension_numbers<[1], [1], [0], [0], [0, 0, 1, 0], [], []>, transpose_lhs_hint = false} : vector<2048x128xf32>, vector<32x128xf32>, vector<2048x32xf32> -> vector<2048x32xf32>
    %get3A_148 = arith.constant 0 : index
    %get3A_149 = arith.constant 0 : index
    %get3A_150 = vector.load %arg17[%get3A_148, %get3A_149] : memref<1x32xf32, #tpu.memory_space<vmem>>, vector<1x32xf32>
    %add3A_151 = vector.broadcast %get3A_150 : vector<1x32xf32> to vector<2048x32xf32>
    %add3A_152 = arith.addf %dot_general3A_147, %add3A_151 : vector<2048x32xf32>
    %get3A_153 = arith.constant 0 : index
    %get3A_154 = arith.constant 0 : index
    %get3A_155 = vector.load %arg14[%get3A_153, %get3A_154] : memref<32x32xf32, #tpu.memory_space<vmem>>, vector<32x32xf32>
    %dot_general3A_156 = arith.constant dense<0.000000e+00> : vector<2048x32xf32>
    %dot_general3A_157 = tpu.matmul %get3A_4, %get3A_155, %dot_general3A_156 {dimension_numbers = #tpu.dot_dimension_numbers<[1], [1], [0], [0], [0, 0, 1, 0], [], []>, transpose_lhs_hint = false} : vector<2048x32xf32>, vector<32x32xf32>, vector<2048x32xf32> -> vector<2048x32xf32>
    %add3A_158 = arith.addf %add3A_152, %dot_general3A_157 : vector<2048x32xf32>
    %get3A_159 = arith.constant 0 : index
    %get3A_160 = arith.constant 0 : index
    %get3A_161 = vector.load %arg20[%get3A_159, %get3A_160] : memref<1x32xf32, #tpu.memory_space<vmem>>, vector<1x32xf32>
    %add3A_162 = vector.broadcast %get3A_161 : vector<1x32xf32> to vector<2048x32xf32>
    %add3A_163 = arith.addf %add3A_158, %add3A_162 : vector<2048x32xf32>
    %logistic3A_164 = arith.negf %add3A_163 : vector<2048x32xf32>
    %logistic3A_165 = math.exp %logistic3A_164 : vector<2048x32xf32>
    %logistic3A_166 = arith.constant 1.000000e+00 : f32
    %logistic3A_167 = vector.broadcast %logistic3A_166 : f32 to vector<2048x32xf32>
    %logistic3A_168 = arith.addf %logistic3A_167, %logistic3A_165 : vector<2048x32xf32>
    %logistic3A_169 = arith.divf %logistic3A_167, %logistic3A_168 : vector<2048x32xf32>
    %get3A_170 = arith.constant 0 : index
    %get3A_171 = arith.constant 0 : index
    %get3A_172 = vector.load %arg12[%get3A_170, %get3A_171] : memref<32x128xf32, #tpu.memory_space<vmem>>, vector<32x128xf32>
    %dot_general3A_173 = arith.constant dense<0.000000e+00> : vector<2048x32xf32>
    %dot_general3A_174 = tpu.matmul %concatenate3A_115, %get3A_172, %dot_general3A_173 {dimension_numbers = #tpu.dot_dimension_numbers<[1], [1], [0], [0], [0, 0, 1, 0], [], []>, transpose_lhs_hint = false} : vector<2048x128xf32>, vector<32x128xf32>, vector<2048x32xf32> -> vector<2048x32xf32>
    %get3A_175 = arith.constant 0 : index
    %get3A_176 = arith.constant 0 : index
    %get3A_177 = vector.load %arg18[%get3A_175, %get3A_176] : memref<1x32xf32, #tpu.memory_space<vmem>>, vector<1x32xf32>
    %add3A_178 = vector.broadcast %get3A_177 : vector<1x32xf32> to vector<2048x32xf32>
    %add3A_179 = arith.addf %dot_general3A_174, %add3A_178 : vector<2048x32xf32>
    %get3A_180 = arith.constant 0 : index
    %get3A_181 = arith.constant 0 : index
    %get3A_182 = vector.load %arg15[%get3A_180, %get3A_181] : memref<32x32xf32, #tpu.memory_space<vmem>>, vector<32x32xf32>
    %dot_general3A_183 = arith.constant dense<0.000000e+00> : vector<2048x32xf32>
    %dot_general3A_184 = tpu.matmul %get3A_4, %get3A_182, %dot_general3A_183 {dimension_numbers = #tpu.dot_dimension_numbers<[1], [1], [0], [0], [0, 0, 1, 0], [], []>, transpose_lhs_hint = false} : vector<2048x32xf32>, vector<32x32xf32>, vector<2048x32xf32> -> vector<2048x32xf32>
    %get3A_185 = arith.constant 0 : index
    %get3A_186 = arith.constant 0 : index
    %get3A_187 = vector.load %arg21[%get3A_185, %get3A_186] : memref<1x32xf32, #tpu.memory_space<vmem>>, vector<1x32xf32>
    %add3A_188 = vector.broadcast %get3A_187 : vector<1x32xf32> to vector<2048x32xf32>
    %add3A_189 = arith.addf %dot_general3A_184, %add3A_188 : vector<2048x32xf32>
    %mul3A_190 = arith.mulf %logistic3A_142, %add3A_189 : vector<2048x32xf32>
    %add3A_191 = arith.addf %add3A_179, %mul3A_190 : vector<2048x32xf32>
    %tanh3A_192 = math.tanh %add3A_191 : vector<2048x32xf32>
    %sub3A_193 = arith.constant 1.000000e+00 : f32
    %sub3A_194 = vector.broadcast %sub3A_193 : f32 to vector<2048x32xf32>
    %sub3A_195 = arith.subf %sub3A_194, %logistic3A_169 : vector<2048x32xf32>
    %mul3A_196 = arith.mulf %sub3A_195, %tanh3A_192 : vector<2048x32xf32>
    %mul3A_197 = arith.mulf %logistic3A_169, %get3A_4 : vector<2048x32xf32>
    %add3A_198 = arith.addf %mul3A_196, %mul3A_197 : vector<2048x32xf32>
    %get3A_199 = arith.constant 0 : index
    %get3A_200 = arith.constant 0 : index
    %get3A_201 = vector.load %arg22[%get3A_199, %get3A_200] : memref<32x32xf32, #tpu.memory_space<vmem>>, vector<32x32xf32>
    %dot_general3A_202 = arith.constant dense<0.000000e+00> : vector<2048x32xf32>
    %dot_general3A_203 = tpu.matmul %add3A_107, %get3A_201, %dot_general3A_202 {dimension_numbers = #tpu.dot_dimension_numbers<[1], [1], [0], [0], [0, 0, 1, 0], [], []>, transpose_lhs_hint = false} : vector<2048x32xf32>, vector<32x32xf32>, vector<2048x32xf32> -> vector<2048x32xf32>
    %get3A_204 = arith.constant 0 : index
    %get3A_205 = arith.constant 0 : index
    %get3A_206 = vector.load %arg23[%get3A_204, %get3A_205] : memref<1x32xf32, #tpu.memory_space<vmem>>, vector<1x32xf32>
    %add3A_207 = vector.broadcast %get3A_206 : vector<1x32xf32> to vector<2048x32xf32>
    %add3A_208 = arith.addf %dot_general3A_203, %add3A_207 : vector<2048x32xf32>
    %max3A = arith.constant 0.000000e+00 : f32
    %max3A_209 = vector.broadcast %max3A : f32 to vector<2048x32xf32>
    %max3A_210 = arith.maximumf %add3A_208, %max3A_209 : vector<2048x32xf32>
    %get3A_211 = arith.constant 0 : index
    %get3A_212 = arith.constant 0 : index
    %get3A_213 = vector.load %arg24[%get3A_211, %get3A_212] : memref<16x32xf32, #tpu.memory_space<vmem>>, vector<16x32xf32>
    %dot_general3A_214 = arith.constant dense<0.000000e+00> : vector<2048x16xf32>
    %dot_general3A_215 = tpu.matmul %max3A_210, %get3A_213, %dot_general3A_214 {dimension_numbers = #tpu.dot_dimension_numbers<[1], [1], [0], [0], [0, 0, 1, 0], [], []>, transpose_lhs_hint = false} : vector<2048x32xf32>, vector<16x32xf32>, vector<2048x16xf32> -> vector<2048x16xf32>
    %get3A_216 = arith.constant 0 : index
    %get3A_217 = arith.constant 0 : index
    %get3A_218 = vector.load %arg25[%get3A_216, %get3A_217] : memref<1x16xf32, #tpu.memory_space<vmem>>, vector<1x16xf32>
    %add3A_219 = vector.broadcast %get3A_218 : vector<1x16xf32> to vector<2048x16xf32>
    %add3A_220 = arith.addf %dot_general3A_215, %add3A_219 : vector<2048x16xf32>
    %swap3A = arith.constant 0 : index
    %swap3A_221 = arith.constant 0 : index
    %swap3A_222 = vector.load %arg26[%swap3A, %swap3A_221] : memref<2048x16xf32, #tpu.memory_space<vmem>>, vector<2048x16xf32>
    tpu.vector_store %arg26[%swap3A, %swap3A_221], %add3A_220 {strides = array<i32>} : memref<2048x16xf32, #tpu.memory_space<vmem>>, vector<2048x16xf32>,
    %get3A_223 = arith.constant 0 : index
    %get3A_224 = arith.constant 0 : index
    %get3A_225 = vector.load %arg22[%get3A_223, %get3A_224] : memref<32x32xf32, #tpu.memory_space<vmem>>, vector<32x32xf32>
    %dot_general3A_226 = arith.constant dense<0.000000e+00> : vector<2048x32xf32>
    %dot_general3A_227 = tpu.matmul %add3A_198, %get3A_225, %dot_general3A_226 {dimension_numbers = #tpu.dot_dimension_numbers<[1], [1], [0], [0], [0, 0, 1, 0], [], []>, transpose_lhs_hint = false} : vector<2048x32xf32>, vector<32x32xf32>, vector<2048x32xf32> -> vector<2048x32xf32>
    %get3A_228 = arith.constant 0 : index
    %get3A_229 = arith.constant 0 : index
    %get3A_230 = vector.load %arg23[%get3A_228, %get3A_229] : memref<1x32xf32, #tpu.memory_space<vmem>>, vector<1x32xf32>
    %add3A_231 = vector.broadcast %get3A_230 : vector<1x32xf32> to vector<2048x32xf32>
    %add3A_232 = arith.addf %dot_general3A_227, %add3A_231 : vector<2048x32xf32>
    %max3A_233 = arith.constant 0.000000e+00 : f32
    %max3A_234 = vector.broadcast %max3A_233 : f32 to vector<2048x32xf32>
    %max3A_235 = arith.maximumf %add3A_232, %max3A_234 : vector<2048x32xf32>
    %get3A_236 = arith.constant 0 : index
    %get3A_237 = arith.constant 0 : index
    %get3A_238 = vector.load %arg24[%get3A_236, %get3A_237] : memref<16x32xf32, #tpu.memory_space<vmem>>, vector<16x32xf32>
    %dot_general3A_239 = arith.constant dense<0.000000e+00> : vector<2048x16xf32>
    %dot_general3A_240 = tpu.matmul %max3A_235, %get3A_238, %dot_general3A_239 {dimension_numbers = #tpu.dot_dimension_numbers<[1], [1], [0], [0], [0, 0, 1, 0], [], []>, transpose_lhs_hint = false} : vector<2048x32xf32>, vector<16x32xf32>, vector<2048x16xf32> -> vector<2048x16xf32>
    %get3A_241 = arith.constant 0 : index
    %get3A_242 = arith.constant 0 : index
    %get3A_243 = vector.load %arg25[%get3A_241, %get3A_242] : memref<1x16xf32, #tpu.memory_space<vmem>>, vector<1x16xf32>
    %add3A_244 = vector.broadcast %get3A_243 : vector<1x16xf32> to vector<2048x16xf32>
    %add3A_245 = arith.addf %dot_general3A_240, %add3A_244 : vector<2048x16xf32>
    %swap3A_246 = arith.constant 0 : index
    %swap3A_247 = arith.constant 0 : index
    %swap3A_248 = vector.load %arg27[%swap3A_246, %swap3A_247] : memref<2048x16xf32, #tpu.memory_space<vmem>>, vector<2048x16xf32>
    tpu.vector_store %arg27[%swap3A_246, %swap3A_247], %add3A_245 {strides = array<i32>} : memref<2048x16xf32, #tpu.memory_space<vmem>>, vector<2048x16xf32>,
    %get3A_249 = arith.constant 0 : index
    %get3A_250 = arith.constant 0 : index
    %get3A_251 = vector.load %arg7[%get3A_249, %get3A_250] : memref<2048x32xf32, #tpu.memory_space<vmem>>, vector<2048x32xf32>
    %get3A_252 = arith.constant 0 : index
    %get3A_253 = arith.constant 0 : index
    %get3A_254 = vector.load %arg22[%get3A_252, %get3A_253] : memref<32x32xf32, #tpu.memory_space<vmem>>, vector<32x32xf32>
    %dot_general3A_255 = arith.constant dense<0.000000e+00> : vector<2048x32xf32>
    %dot_general3A_256 = tpu.matmul %get3A_251, %get3A_254, %dot_general3A_255 {dimension_numbers = #tpu.dot_dimension_numbers<[1], [1], [0], [0], [0, 0, 1, 0], [], []>, transpose_lhs_hint = false} : vector<2048x32xf32>, vector<32x32xf32>, vector<2048x32xf32> -> vector<2048x32xf32>
    %get3A_257 = arith.constant 0 : index
    %get3A_258 = arith.constant 0 : index
    %get3A_259 = vector.load %arg23[%get3A_257, %get3A_258] : memref<1x32xf32, #tpu.memory_space<vmem>>, vector<1x32xf32>
    %add3A_260 = vector.broadcast %get3A_259 : vector<1x32xf32> to vector<2048x32xf32>
    %add3A_261 = arith.addf %dot_general3A_256, %add3A_260 : vector<2048x32xf32>
    %max3A_262 = arith.constant 0.000000e+00 : f32
    %max3A_263 = vector.broadcast %max3A_262 : f32 to vector<2048x32xf32>
    %max3A_264 = arith.maximumf %add3A_261, %max3A_263 : vector<2048x32xf32>
    %get3A_265 = arith.constant 0 : index
    %get3A_266 = arith.constant 0 : index
    %get3A_267 = vector.load %arg24[%get3A_265, %get3A_266] : memref<16x32xf32, #tpu.memory_space<vmem>>, vector<16x32xf32>
    %dot_general3A_268 = arith.constant dense<0.000000e+00> : vector<2048x16xf32>
    %dot_general3A_269 = tpu.matmul %max3A_264, %get3A_267, %dot_general3A_268 {dimension_numbers = #tpu.dot_dimension_numbers<[1], [1], [0], [0], [0, 0, 1, 0], [], []>, transpose_lhs_hint = false} : vector<2048x32xf32>, vector<16x32xf32>, vector<2048x16xf32> -> vector<2048x16xf32>
    %get3A_270 = arith.constant 0 : index
    %get3A_271 = arith.constant 0 : index
    %get3A_272 = vector.load %arg25[%get3A_270, %get3A_271] : memref<1x16xf32, #tpu.memory_space<vmem>>, vector<1x16xf32>
    %add3A_273 = vector.broadcast %get3A_272 : vector<1x16xf32> to vector<2048x16xf32>
    %add3A_274 = arith.addf %dot_general3A_269, %add3A_273 : vector<2048x16xf32>
    %swap3A_275 = arith.constant 0 : index
    %swap3A_276 = arith.constant 0 : index
    %swap3A_277 = vector.load %arg28[%swap3A_275, %swap3A_276] : memref<2048x16xf32, #tpu.memory_space<vmem>>, vector<2048x16xf32>
    tpu.vector_store %arg28[%swap3A_275, %swap3A_276], %add3A_274 {strides = array<i32>} : memref<2048x16xf32, #tpu.memory_space<vmem>>, vector<2048x16xf32>,
    return
  }
  func.func @transform_0(%arg0: i32) -> (i32, i32) {
    %c0_i32 = arith.constant 0 : i32
    %c0_i32_0 = arith.constant 0 : i32
    return %arg0, %c0_i32 : i32, i32
  }
  func.func @transform_1(%arg0: i32) -> (i32, i32) {
    %c0_i32 = arith.constant 0 : i32
    %c0_i32_0 = arith.constant 0 : i32
    return %arg0, %c0_i32 : i32, i32
  }
  func.func @transform_2(%arg0: i32) -> (i32, i32) {
    %c0_i32 = arith.constant 0 : i32
    %c0_i32_0 = arith.constant 0 : i32
    return %arg0, %c0_i32 : i32, i32
  }
  func.func @transform_3(%arg0: i32) -> (i32, i32) {
    %c0_i32 = arith.constant 0 : i32
    %c0_i32_0 = arith.constant 0 : i32
    return %arg0, %c0_i32 : i32, i32
  }
  func.func @transform_4(%arg0: i32) -> (i32, i32) {
    %c0_i32 = arith.constant 0 : i32
    %c0_i32_0 = arith.constant 0 : i32
    return %arg0, %c0_i32 : i32, i32
  }
  func.func @transform_5(%arg0: i32) -> (i32, i32) {
    %c0_i32 = arith.constant 0 : i32
    %c0_i32_0 = arith.constant 0 : i32
    return %arg0, %c0_i32 : i32, i32
  }
  func.func @transform_6(%arg0: i32) -> (i32, i32) {
    %c0_i32 = arith.constant 0 : i32
    %c0_i32_0 = arith.constant 0 : i32
    return %arg0, %c0_i32 : i32, i32
  }
  func.func @transform_7(%arg0: i32) -> (i32, i32) {
    %c0_i32 = arith.constant 0 : i32
    %c0_i32_0 = arith.constant 0 : i32
    %c0_i32_1 = arith.constant 0 : i32
    return %c0_i32, %c0_i32_0 : i32, i32
  }
  func.func @transform_8(%arg0: i32) -> (i32, i32) {
    %c0_i32 = arith.constant 0 : i32
    %c0_i32_0 = arith.constant 0 : i32
    %c0_i32_1 = arith.constant 0 : i32
    return %c0_i32, %c0_i32_0 : i32, i32
  }
  func.func @transform_9(%arg0: i32) -> (i32, i32) {
    %c0_i32 = arith.constant 0 : i32
    %c0_i32_0 = arith.constant 0 : i32
    %c0_i32_1 = arith.constant 0 : i32
    return %c0_i32, %c0_i32_0 : i32, i32
  }
  func.func @transform_10(%arg0: i32) -> (i32, i32) {
    %c0_i32 = arith.constant 0 : i32
    %c0_i32_0 = arith.constant 0 : i32
    %c0_i32_1 = arith.constant 0 : i32
    return %c0_i32, %c0_i32_0 : i32, i32
  }
  func.func @transform_11(%arg0: i32) -> (i32, i32) {
    %c0_i32 = arith.constant 0 : i32
    %c0_i32_0 = arith.constant 0 : i32
    %c0_i32_1 = arith.constant 0 : i32
    return %c0_i32, %c0_i32_0 : i32, i32
  }
  func.func @transform_12(%arg0: i32) -> (i32, i32) {
    %c0_i32 = arith.constant 0 : i32
    %c0_i32_0 = arith.constant 0 : i32
    %c0_i32_1 = arith.constant 0 : i32
    return %c0_i32, %c0_i32_0 : i32, i32
  }
  func.func @transform_13(%arg0: i32) -> (i32, i32) {
    %c0_i32 = arith.constant 0 : i32
    %c0_i32_0 = arith.constant 0 : i32
    %c0_i32_1 = arith.constant 0 : i32
    return %c0_i32, %c0_i32_0 : i32, i32
  }
  func.func @transform_14(%arg0: i32) -> (i32, i32) {
    %c0_i32 = arith.constant 0 : i32
    %c0_i32_0 = arith.constant 0 : i32
    %c0_i32_1 = arith.constant 0 : i32
    return %c0_i32, %c0_i32_0 : i32, i32
  }
  func.func @transform_15(%arg0: i32) -> (i32, i32) {
    %c0_i32 = arith.constant 0 : i32
    %c0_i32_0 = arith.constant 0 : i32
    %c0_i32_1 = arith.constant 0 : i32
    return %c0_i32, %c0_i32_0 : i32, i32
  }
  func.func @transform_16(%arg0: i32) -> (i32, i32) {
    %c0_i32 = arith.constant 0 : i32
    %c0_i32_0 = arith.constant 0 : i32
    %c0_i32_1 = arith.constant 0 : i32
    return %c0_i32, %c0_i32_0 : i32, i32
  }
  func.func @transform_17(%arg0: i32) -> (i32, i32) {
    %c0_i32 = arith.constant 0 : i32
    %c0_i32_0 = arith.constant 0 : i32
    %c0_i32_1 = arith.constant 0 : i32
    return %c0_i32, %c0_i32_0 : i32, i32
  }
  func.func @transform_18(%arg0: i32) -> (i32, i32) {
    %c0_i32 = arith.constant 0 : i32
    %c0_i32_0 = arith.constant 0 : i32
    %c0_i32_1 = arith.constant 0 : i32
    return %c0_i32, %c0_i32_0 : i32, i32
  }
  func.func @transform_19(%arg0: i32) -> (i32, i32) {
    %c0_i32 = arith.constant 0 : i32
    %c0_i32_0 = arith.constant 0 : i32
    %c0_i32_1 = arith.constant 0 : i32
    return %c0_i32, %c0_i32_0 : i32, i32
  }
  func.func @transform_20(%arg0: i32) -> (i32, i32) {
    %c0_i32 = arith.constant 0 : i32
    %c0_i32_0 = arith.constant 0 : i32
    %c0_i32_1 = arith.constant 0 : i32
    return %c0_i32, %c0_i32_0 : i32, i32
  }
  func.func @transform_21(%arg0: i32) -> (i32, i32) {
    %c0_i32 = arith.constant 0 : i32
    %c0_i32_0 = arith.constant 0 : i32
    %c0_i32_1 = arith.constant 0 : i32
    return %c0_i32, %c0_i32_0 : i32, i32
  }
  func.func @transform_22(%arg0: i32) -> (i32, i32) {
    %c0_i32 = arith.constant 0 : i32
    %c0_i32_0 = arith.constant 0 : i32
    %c0_i32_1 = arith.constant 0 : i32
    return %c0_i32, %c0_i32_0 : i32, i32
  }
  func.func @transform_23(%arg0: i32) -> (i32, i32) {
    %c0_i32 = arith.constant 0 : i32
    %c0_i32_0 = arith.constant 0 : i32
    %c0_i32_1 = arith.constant 0 : i32
    return %c0_i32, %c0_i32_0 : i32, i32
  }
  func.func @transform_24(%arg0: i32) -> (i32, i32) {
    %c0_i32 = arith.constant 0 : i32
    %c0_i32_0 = arith.constant 0 : i32
    %c0_i32_1 = arith.constant 0 : i32
    return %c0_i32, %c0_i32_0 : i32, i32
  }
  func.func @transform_25(%arg0: i32) -> (i32, i32) {
    %c0_i32 = arith.constant 0 : i32
    %c0_i32_0 = arith.constant 0 : i32
    return %arg0, %c0_i32 : i32, i32
  }
  func.func @transform_26(%arg0: i32) -> (i32, i32) {
    %c0_i32 = arith.constant 0 : i32
    %c0_i32_0 = arith.constant 0 : i32
    return %arg0, %c0_i32 : i32, i32
  }
  func.func @transform_27(%arg0: i32) -> (i32, i32) {
    %c0_i32 = arith.constant 0 : i32
    %c0_i32_0 = arith.constant 0 : i32
    return %arg0, %c0_i32 : i32, i32
  }
}

</mosaic_0001>

<sc_bundles>
// kernel: kernel.5.cloned.1.call-start
scs
__scs_entry_jumppad:
0x0: {  	(pc) =	sbr.rel $0x88, $3  }
0x1: {  	(tag) =	ssettag $0x0;
	lr =	simm.s32 $0x1  }
0x2: {  	[smem:$0x3F90] =	sst lr;
	_ =	strace $0xD0000000  }
0x3: {  	_ = 	snop  }
0x4: {  	_ = 	snop  }
0x5: {  	_ = 	snop  }
0x6: {  	_ = 	snop  }
0x7: {  	_ = 	snop  }
__scs_overlays_trampoline_lowered:
0x8: {  	[smem:$0x3F9F] =	sst s0  }
0x9: {  	[smem:$0x3FA0] =	sst s1  }
0xa: {  	[smem:$0x3FA1] =	sst s2  }
0xb: {  	[smem:$0x3FA2] =	sst s3  }
0xc: {  	[smem:$0x3FA3] =	sst s4  }
0xd: {  	[smem:$0x3FA4] =	sst s5  }
0xe: {  	[smem:$0x3FA5] =	sst s6  }
0xf: {  	[smem:$0x3FA6] =	sst s7  }
0x10: {  	[smem:$0x3FA7] =	sst s8  }
0x11: {  	[smem:$0x3FA8] =	sst s9;
	s0 =	simm.s32 @!p0 $0x0  }
0x12: {  	s1 =	sld [smem:$0x3F8E];
	s0 =	simm.s32 @p0 $0x1  }
0x13: {  	[smem:$0x3FA9] =	sst s0;
	s0 =	simm.s32 @!p1 $0x0  }
0x14: {  	s2 =	sld [smem:$0x3F8D];
	s0 =	simm.s32 @p1 $0x1  }
0x15: {  	[smem:$0x3FAA] =	sst s0;
	s0 =	simm.s32 @!p2 $0x0  }
0x16: {  	s3 =	sld [smem:$0x3FDB];
	s0 =	simm.s32 @p2 $0x1  }
0x17: {  	s4 =	simm.s32 $0x1BF5;
	[smem:$0x3FAC] =	sst s0  }
0x18: {  	s0 =	sld [smem:$0x3F8F];
	_ =	swait.ge [sflag:s4], $0x0  }
0x19: {  	s7 =	sld [smem:$0x3F90]  }
0x1a: {  	s8 =	sadd.s32 $0xFFFFE003, lr  }
0x1b: {  	s9 =	sadd.s32 $0xFFFFFEF7, lr;
	s5 =	simm.s32 $0xFFFFFFFF;
	p2 =	slt.u32 s8, $0xFFFFF086  }
0x1c: {  	p1 =	slt.u32 s9, $0xF7A;
	s5 =	simm.s32 @!p2 $0x0  }
0x1d: {  	s5 =	simm.s32 @p1 $0x1;
	p0 =	seq.s32 s7, s2  }
0x1e: {  	s7 =	smul.u32 @!p0 $0xF7A, s2;
	p2 =	seq.s32 @!p0 s5, $0x0  }
0x1f: {  	s9 =	smul.u32 $0xF7A, s1;
	s8 =	simm.s32 @!p0 $0x1BF5;
	p2 =	por !p2, p0  }
0x20: {  	[sflag:s8] =	ssyncset.s32 @!p0 $0xFFFFF086;
	s6 =	sadd.s32 @!p0 s3, s7;
	s7 =	simm.s32 @!p0 $0x108  }
0x21: {  	s3 =	sadd.s32 s3, s9;
	s6 =	sadd.s32 @!p0 $0x88, s6;
	s7 =	simm.s32 @p2 $0x1082  }
0x22: {  	[simem:s7], [sflag:s8] =	dma.local @!p0 [hbm:s6], $0xF7A  }
0x23: {  	s9 =	sor.u32 $0xD0000000, s2;
	s6 =	simm.s32 $0x108;
	_ =	swait.ge @!p0 [sflag:s8], $0x0  }
0x24: {  	s3 =	sadd.s32 $0x88, s3;
	s6 =	simm.s32 @!p1 $0x1082;
	[sflag:s4] =	ssyncset.s32 $0xFFFFF086  }
0x25: {  	[simem:s6], [sflag:s4] =	dma.local [hbm:s3], $0xF7A  }
0x26: {  	[smem:$0x3F90] =	sst s1;
	(tag) =	ssettag s2;
	_ =	strace s9  }
0x27: {  	s1 =	sld [smem:$0x3FA0]  }
0x28: {  	s2 =	sld [smem:$0x3FA1]  }
0x29: {  	s4 =	sld [smem:$0x3FA3]  }
0x2a: {  	p0 =	seq.s32 s5, $0x0;
	s5 =	sld [smem:$0x3FA4]  }
0x2b: {  	s6 =	sld [smem:$0x3FA5]  }
0x2c: {  	s7 =	sld [smem:$0x3FA6]  }
0x2d: {  	s3 =	simm.s32 $0x108;
	s8 =	sld [smem:$0x3FA7]  }
0x2e: {  	s3 =	simm.s32 @!p0 $0x1082;
	s9 =	sld [smem:$0x3FA8]  }
0x2f: {  	lr =	sadd.s32 s0, s3;
	s0 =	sld [smem:$0x3F9F]  }
0x30: {  	s3 =	sld [smem:$0x3FA2]  }
0x31: {  	[smem:$0x3FAB] =	sst s10  }
0x32: {  	s10 =	sld [smem:$0x3FA9];
	_ =	sdelay $0x3  }
0x33: {  	p0 =	seq.s32 s10, $0x1;
	s10 =	sld [smem:$0x3FAB];
	_ =	sdelay $0x3  }
0x34: {  	[smem:$0x3FAB] =	sst s10  }
0x35: {  	s10 =	sld [smem:$0x3FAA];
	_ =	sdelay $0x3  }
0x36: {  	p1 =	seq.s32 s10, $0x1;
	s10 =	sld [smem:$0x3FAB];
	_ =	sdelay $0x3  }
0x37: {  	[smem:$0x3FAB] =	sst s10  }
0x38: {  	s10 =	sld [smem:$0x3FAC]  }
0x39: {  	_ = 	snop;
	(pc) =	sbr.ind lr, $3  }
0x3a: {  	_ = 	snop  }
0x3b: {  	_ = 	snop  }
0x3c: {  	p2 =	seq.s32 s10, $0x1;
	s10 =	sld [smem:$0x3FAB]  }
0x3d: {  	_ =	shalt  }
0x3e: {  	_ =	shalt  }
0x3f: {  	_ =	shalt  }
0x40: {  	_ =	shalt  }
0x41: {  	_ =	shalt  }
0x42: {  	_ =	shalt  }
0x43: {  	_ =	shalt  }
0x44: {  	_ =	shalt  }
0x45: {  	_ =	shalt  }
0x46: {  	_ =	shalt  }
0x47: {  	_ =	shalt  }
0x48: {  	_ =	shalt  }
0x49: {  	_ =	shalt  }
0x4a: {  	_ =	shalt  }
0x4b: {  	_ =	shalt  }
0x4c: {  	_ =	shalt  }
0x4d: {  	_ =	shalt  }
0x4e: {  	_ =	shalt  }
0x4f: {  	_ =	shalt  }
0x50: {  	_ =	shalt  }
0x51: {  	_ =	shalt  }
0x52: {  	_ =	shalt  }
0x53: {  	_ =	shalt  }
0x54: {  	_ =	shalt  }
0x55: {  	_ =	shalt  }
0x56: {  	_ =	shalt  }
0x57: {  	_ =	shalt  }
0x58: {  	_ =	shalt  }
0x59: {  	_ =	shalt  }
0x5a: {  	_ =	shalt  }
0x5b: {  	_ =	shalt  }
0x5c: {  	_ =	shalt  }
0x5d: {  	_ =	shalt  }
0x5e: {  	_ =	shalt  }
0x5f: {  	_ =	shalt  }
0x60: {  	_ =	shalt  }
0x61: {  	_ =	shalt  }
0x62: {  	_ =	shalt  }
0x63: {  	_ =	shalt  }
0x64: {  	_ =	shalt  }
0x65: {  	_ =	shalt  }
0x66: {  	_ =	shalt  }
0x67: {  	_ =	shalt  }
0x68: {  	_ =	shalt  }
0x69: {  	_ =	shalt  }
0x6a: {  	_ =	shalt  }
0x6b: {  	_ =	shalt  }
0x6c: {  	_ =	shalt  }
0x6d: {  	_ =	shalt  }
0x6e: {  	_ =	shalt  }
0x6f: {  	_ =	shalt  }
0x70: {  	_ =	shalt  }
0x71: {  	_ =	shalt  }
0x72: {  	_ =	shalt  }
0x73: {  	_ =	shalt  }
0x74: {  	_ =	shalt  }
0x75: {  	_ =	shalt  }
0x76: {  	_ =	shalt  }
0x77: {  	_ =	shalt  }
0x78: {  	_ =	shalt  }
0x79: {  	_ =	shalt  }
0x7a: {  	_ =	shalt  }
0x7b: {  	_ =	shalt  }
0x7c: {  	_ =	shalt  }
0x7d: {  	_ =	shalt  }
0x7e: {  	_ =	shalt  }
0x7f: {  	_ =	shalt  }
0x80: {  	_ =	shalt  }
0x81: {  	_ =	shalt  }
0x82: {  	_ =	shalt  }
0x83: {  	_ =	shalt  }
0x84: {  	_ =	shalt  }
0x85: {  	_ =	shalt  }
0x86: {  	_ =	shalt  }
0x87: {  	_ =	shalt  }
.Lfunc_end0:
.L_simem_size_0:
called_computation_lowered:
.L_overlay_start_0:
0x88: {  	s2 =	sld [smem:$0x3FD9]  }
0x89: {  	s3 =	sld [smem:$0x3FFE];
	_ =	sdelay $0x1  }
0x8a: {  	s1 =	srdreg.scid  }
0x8b: {  	s0 =	sand.u32 $0x1, s1  }
0x8c: {  	s17 =	sshll.u32 s0, $0xA;
	s2 =	sadd.s32 s3, s2  }
0x8d: {  	s2 =	sadd.s32 s2, s17  }
0x8e: {  	[smem:$0x3FB7] =	sst s2  }
0x8f: {  	_ = 	snop  }
0x90: {  	s2 =	sld [smem:$0x3FC9]  }
0x91: {  	s18 =	sld [smem:$0x3FC8]  }
0x92: {  	s4 =	sld [smem:$0x3FC5]  }
0x93: {  	s5 =	sld [smem:$0x3FC3]  }
0x94: {  	s6 =	sld [smem:$0x3FD0];
	(tm) =	ssettm $0x1  }
0x95: {  	s7 =	sld [smem:$0x3FFB];
	_ =	sdelay $0x3  }
0x96: {  	_ =	strace s7  }
0x97: {  	s7 =	sld [smem:$0x3FFC];
	_ =	sdelay $0x3  }
0x98: {  	_ =	strace s7  }
0x99: {  	s7 =	sld [smem:$0x3FFD];
	_ =	sdelay $0x3  }
0x9a: {  	_ =	strace s7  }
0x9b: {  	_ =	strace $0x8FFFFFFF  }
0x9c: {  	s19 =	sld [smem:$0x3FDB];
	_ =	sdelay $0x1  }
0x9d: {  	s8 =	simm.s32 $_scs_section_size  }
0x9e: {  	s9 =	simm.s32 $_size__tile_overlayer_lowered;
	s10 =	simm.s32 $_tile_overlayer_lowered  }
0x9f: {  	s22 =	simm.s32 $0x1BFF;
	s21 =	sshll.u32 s10, $0x1;
	s7 =	sadd.s32 s8, s19  }
0xa0: {  	s11 =	simm.s32 $0x0;
	s20 =	sshll.u32 s9, $0x1;
	s9 =	sadd.s32 s21, s7  }
0xa1: {  	[timem:s11], [sflag:s22] =	dma.local [hbm:s9], s20  }
0xa2: {  	_ =	swait.ge [sflag:s22], s20  }
0xa3: {  	s8 =	ssub.s32 $0x0, s20;
	[sflag:s22] =	ssyncset.done $0x0  }
0xa4: {  	[sflag:s22] =	ssyncadd.s32 s8;
	_ =	sdelay $0x1  }
0xa5: {  	s23 =	simm.s32 $0x1B8B  }
0xa6: {  	_ =	swait.ge [sflag:s23], $0x1  }
0xa7: {  	[sflag:s23] =	ssyncset.done $0x0  }
0xa8: {  	s25 =	simm.s32 $0x1B8E;
	s24 =	sld [smem:$0x3FFE];
	[sflag:s23] =	ssyncadd.s32 $0xFFFFFFFF  }
0xa9: {  	s26 =	simm.s32 $execute0_lowered;
	[smem:$0x3FD2] =	sst s25  }
0xaa: {  	s9 =	sshll.u32 s26, $0x1;
	_ =	strace $0x80000046;
	[dreg:$0x1] =	wrdreg $0xFFFFFFFF  }
0xab: {  	s28 =	simm.s32 $_size_execute0_lowered;
	s7 =	sadd.s32 s7, s9;
	[dreg:$0x0] =	wrdreg $0x0  }
0xac: {  	s9 =	sshll.u32 s28, $0x1;
	[dreg:$0x2] =	wrdreg s7  }
0xad: {  	[dreg:$0x3] =	wrdreg s9  }
0xae: {  	[dreg:$0x4] =	wrdreg $0xC0  }
0xaf: {  	_ =	task [dreg:s11], $0x5FFFF  }
0xb0: {  	[dreg:$0x1] =	wrdreg $0xFFFFFFFF  }
0xb1: {  	[dreg:$0x0] =	wrdreg $0x60  }
0xb2: {  	[dreg:$0x2] =	wrdreg s2  }
0xb3: {  	[dreg:$0x3] =	wrdreg s18  }
0xb4: {  	[dreg:$0x4] =	wrdreg s4  }
0xb5: {  	[dreg:$0x5] =	wrdreg s24  }
0xb6: {  	[dreg:$0x6] =	wrdreg s5  }
0xb7: {  	[dreg:$0x7] =	wrdreg s6  }
0xb8: {  	[dreg:$0x8] =	wrdreg $0x9  }
0xb9: {  	_ =	task.clear_ibuf [dreg:s11], $0x9FFFF;
	_ =	strace $0x90000046  }
0xba: {  	s29 =	simm.s32 $0x9;
	_ =	strace $0x80000048  }
0xbb: {  	_ =	swait.ge [sflag:s29], $0x1  }
0xbc: {  	[sflag:s29] =	ssyncadd.s32 $0xFFFFFFFF  }
0xbd: {  	_ =	strace $0x90000048  }
0xbe: {  	_ =	sfence  }
0xbf: {  	s30 =	sld [smem:$0x0];
	_ =	sdelay $0x2  }
0xc0: {  	s31 =	sshll.u32 s1, $0xD;
	s1 =	sshrl.u32 s1, $0x2  }
0xc1: {  	s3 =	sand.u32 $0x4000, s31;
	s1 =	sadd.s32 s1, s30  }
0xc2: {  	s0 =	sor.u32 s3, s0;
	s1 =	sshll.u32 s1, $0x11  }
0xc3: {  	s0 =	sor.u32 s1, s0  }
0xc4: {  	s0 =	sadd.s32 $0x8F2B, s0  }
0xc5: {  	[sflag:s0] =	ssyncadd.remote.s32 $0x1  }
0xc6: {  	_ =	sfence.sel $0xFFFF  }
0xc7: {  	[dreg:$0x0] =	wrdreg $0xFFFFFFFF;
	(pc) =	sbr.abs _section_cstart, $3  }
0xc8: {  	[dreg:$0x1] =	wrdreg $0xFFFFFFFF  }
0xc9: {  	_ =	task.clear_ibuf [dreg:s11], $0x2FFFF;
	_ =	strace $0x9FFFFFFF  }
0xca: {  	(tm) =	ssettm $0x7FFFFFFF  }
0xcb: {  	_ =	shalt  }
tec
execute0_lowered:
.L_overlay_start_1:
0x0: {  	(tag) =	ssettag $0x1  }
0x1: {  	s11 =	rddreg [dreg:$0x0]  }
0x2: {  	s14 =	rddreg [dreg:$0x1]  }
0x3: {  	s0 =	rddreg [dreg:$0x2]  }
0x4: {  	s1 =	rddreg [dreg:$0x3]  }
0x5: {  	s4 =	rddreg [dreg:$0x4]  }
0x6: {  	s2 =	rddreg [dreg:$0x5];
	s3 =	srdreg.scid  }
0x7: {  	s6 =	stileid.u32;
	s5 =	simm.s32 $0x0;
	s18 =	simm.s32 $0x2  }
0x8: {  	s19 =	simm.s32 $0x80;
	s20 =	simm.s32 $0x200;
	s21 =	simm.s32 $0x1200  }
0x9: {  	s22 =	simm.s32 $0x100;
	s23 =	simm.s32 $0x2200;
	s24 =	simm.s32 $0x180  }
0xa: {  	s28 =	simm.s32 $0x8400;
	s29 =	simm.s32 $0x1;
	s30 =	simm.s32 $0x4200  }
0xb: {  	s3 =	sand.u32 $0x1, s3;
	s6 =	sshll.u32 s6, $0x1;
	[smem:$0x7FF] =	sst s5  }
0xc: {  	s31 =	simm.s32 $0x4280;
	s7 =	sor.u32 s3, s6;
	_ =	strace $0x80000047  }
0xd: {  	s6 =	sadd.s32 $0xF46000, s1;
	s3 =	ssub.s32 $0x2, s3;
	s8 =	sshll.u32 s7, $0xB  }
0xe: {  	s13 =	sshll.u32 s7, $0x6;
	s9 =	sshll.u32 s7, $0xC;
	s10 =	sshrl.u32 s3, $0x1  }
0xf: {  	s8 =	sadd.s32 s8, s1;
	s12 =	sadd.s32 s13, s1;
	s1 =	sadd.s32 s9, s1  }
0x10: {  	s3 =	ssub.s32 s3, s10;
	s25 =	sadd.s32 s11, s13;
	s2 =	sadd.s32 s2, s13  }
0x11: {  	s10 =	sadd.s32 s14, s13;
	s13 =	sadd.s32 s0, s13;
	[dreg:$0x7] =	wrdreg s25  }
0x12: {  	s0 =	simm.s32 $0x4300;
	s26 =	sadd.s32 $0x24400, s8;
	[dreg:$0x9] =	wrdreg s2  }
0x13: {  	s11 =	sadd.s32 $0x14400, s8;
	s12 =	sadd.s32 $0x3C00, s12;
	s14 =	sadd.s32 $0x34400, s1  }
0x14: {  	s15 =	sadd.s32 $0x54400, s1;
	s16 =	sadd.s32 $0x4400, s8;
	s17 =	smax.u32 s3, $0x1  }
0x15: {  	v1 =	vimm.s32 $0xFFFFFFFF;
	s25 =	simm.s32 $0x3200;
	s3 =	simm.s32 $0x4380;
	s1 =	simm.s32 $0x10400  }
0x16: {  	v2 =	vimm.s32 $0x0;
	v3 =	vlaneseq.u32;
	v0 =	vmov s7;
	s2 =	simm.s32 $0x0;
	[dreg:$0x8] =	wrdreg s26;
	s26 =	simm.s32 $0x4400  }
.LBB2_1:
0x17: {  	[tilespmem:$0x18410] =	vst v1;
	s7 =	rddreg [dreg:$0x7]  }
0x18: {  	[tilespmem:s5], [sflag:$0x2] =	stream.linear.gather [hbm4b:s7+s5], $0x200, $0x38;
	[tilespmem:$0x18420] =	vst v63  }
0x19: {  	_ =	swait.ge [sflag:s18], $0x200  }
0x1a: {  	[sflag:s18] =	ssyncset.done $0x0  }
0x1b: {  	[sflag:s18] =	ssyncadd.s32 $0xFFFFFE00  }
0x1c: {  	[tilespmem:s20], [sflag:$0x1] =	stream.indirect.gather [hbm4b:s6+s19], $0x20, s5, s19, $0xb8;
	[tilespmem:$0x18420] =	vst v63  }
0x1d: {  	_ = 	snop  }
0x1e: {  	[tilespmem:s21], [sflag:$0x1] =	stream.indirect.gather [hbm4b:s6+s19], $0x20, s19, s19, $0xb8;
	[tilespmem:$0x18420] =	vst v63  }
0x1f: {  	_ = 	snop  }
0x20: {  	[tilespmem:s23], [sflag:$0x1] =	stream.indirect.gather [hbm4b:s6+s19], $0x20, s22, s19, $0xb8;
	[tilespmem:$0x18420] =	vst v63  }
0x21: {  	s8 =	simm.s32 $0x0;
	s7 =	simm.s32 $0x40  }
0x22: {  	[tilespmem:s25], [sflag:$0x1] =	stream.indirect.gather [hbm4b:s6+s19], $0x20, s24, s19, $0xb8;
	[tilespmem:$0x18420] =	vst v63  }
.LBB2_2:
0x23: {  	p0 =	sne.s32 s7, $0x1FFC0;
	[tilespmem:s8+$0x8400] =	vst v2;
	s9 =	smov.u32 s7;
	s7 =	sadd.s32 $0x40, s7  }
.Ltmp0:
0x24: {  	[tilespmem:s8+$0x10400] =	vst v2;
	(pc) =	sbr.rel @p0 .LBB2_2-.Ltmp0, $2  }
0x25: {  	_ =	sdelay $0x2  }
0x26: {  	s8 =	sshra.s32 s9, $0x2  }
0x27: {  	[tilespmem:s8+$0x8400] =	vst v2  }
0x28: {  	[tilespmem:s8+$0x10400] =	vst v2;
	s7 =	simm.s32 $0x0;
	s9 =	rddreg [dreg:$0x0]  }
0x29: {  	[tilespmem:s26], [sflag:$0x2] =	stream.linear.gather [hbm4b:s9+s7], $0x4000, $0x38;
	[tilespmem:$0x18420] =	vst v63  }
0x2a: {  	_ =	swait.ge [sflag:s18], $0x4000  }
0x2b: {  	[sflag:s18] =	ssyncset.done $0x0  }
0x2c: {  	s8 =	simm.s32 $0x4420;
	[sflag:s18] =	ssyncadd.s32 $0xFFFFC000  }
.LBB2_4:
0x2d: {  	v4 =	vld [tilespmem:s8+$0xFFFFFFE0];
	_ =	sdelay $0x4  }
0x2e: {  	v4 =	vshll.u32 v4, $0x4  }
0x2f: {  	v4 =	vor.u32 v3, v4  }
0x30: {  	v5 =	vxor.u32 $0x80000000, v4  }
0x31: {  	(xrf1) =	vsort.ascd.msk.u32 $0xffff, v5, v4;
	_ =	sdelay $0xd  }
0x32: {  	v4, _, _ =	vpop (xrf1)  }
0x33: {  	v5 =	vxor.u32 $0x80000000, v4  }
0x34: {  	[tilespmem:$0x18400] =	vst v5  }
0x35: {  	v6 =	vld [tilespmem:$0x18401];
	_ =	sdelay $0x4  }
0x36: {  	v7 =	vshra.s32 v5, $0x4;
	v5 =	vshra.s32 v5, $0x13;
	v6 =	vshra.s32 v6, $0x4  }
0x37: {  	vm1 =	veq.s32 v5, v0;
	vm0 =	vne.s32 v7, v6  }
0x38: {  	vm0 =	vmand vm0, vm1  }
0x39: {  	v5 =	vmov s7;
	v57 =	vand.u32 $0x7FFF, v7  }
0x3a: {  	v5 =	vadd.s32 $0x1, v5  }
0x3b: {  	v5 =	vbroadcast v5, $0x0  }
0x3c: {  	v4 =	vand.u32 $0xF, v4  }
0x3d: {  	v4 =	vadd.s32 v4, v5  }
0x3e: {  	[tilespmem:v57+s28+$0x0] =	vst.idx.msk vm0, v4  }
0x3f: {  	v4 =	vld [tilespmem:s8+$0xFFFFFFF0];
	_ =	sdelay $0x4  }
0x40: {  	v4 =	vshll.u32 v4, $0x4  }
0x41: {  	v4 =	vor.u32 v3, v4  }
0x42: {  	v5 =	vxor.u32 $0x80000000, v4  }
0x43: {  	(xrf1) =	vsort.ascd.msk.u32 $0xffff, v5, v4;
	_ =	sdelay $0xd  }
0x44: {  	v4, _, _ =	vpop (xrf1)  }
0x45: {  	v5 =	vxor.u32 $0x80000000, v4  }
0x46: {  	[tilespmem:$0x18400] =	vst v5  }
0x47: {  	v6 =	vld [tilespmem:$0x18401];
	_ =	sdelay $0x4  }
0x48: {  	v58 =	vshra.s32 v5, $0x4;
	v5 =	vshra.s32 v5, $0x13;
	v6 =	vshra.s32 v6, $0x4  }
0x49: {  	vm11 =	veq.s32 v5, v0;
	vm10 =	vne.s32 v58, v6  }
0x4a: {  	s9 =	sadd.s32 $0x10, s7;
	vm0 =	vmand vm10, vm11  }
0x4b: {  	v5 =	vmov s9;
	v59 =	vand.u32 $0x7FFF, v58  }
0x4c: {  	v5 =	vadd.s32 $0x1, v5  }
0x4d: {  	v5 =	vbroadcast v5, $0x0  }
0x4e: {  	v4 =	vand.u32 $0xF, v4  }
0x4f: {  	v4 =	vadd.s32 v4, v5  }
0x50: {  	[tilespmem:v59+s28+$0x0] =	vst.idx.msk vm0, v4  }
0x51: {  	v4 =	vld [tilespmem:s8+$0x0];
	_ =	sdelay $0x4  }
0x52: {  	v4 =	vshll.u32 v4, $0x4  }
0x53: {  	v4 =	vor.u32 v3, v4  }
0x54: {  	v5 =	vxor.u32 $0x80000000, v4  }
0x55: {  	(xrf1) =	vsort.ascd.msk.u32 $0xffff, v5, v4;
	_ =	sdelay $0xd  }
0x56: {  	v4, _, _ =	vpop (xrf1)  }
0x57: {  	v5 =	vxor.u32 $0x80000000, v4  }
0x58: {  	[tilespmem:$0x18400] =	vst v5  }
0x59: {  	v6 =	vld [tilespmem:$0x18401];
	_ =	sdelay $0x4  }
0x5a: {  	v60 =	vshra.s32 v5, $0x4;
	v5 =	vshra.s32 v5, $0x13;
	v6 =	vshra.s32 v6, $0x4  }
0x5b: {  	vm13 =	veq.s32 v5, v0;
	vm12 =	vne.s32 v60, v6  }
0x5c: {  	s9 =	sadd.s32 $0x20, s7;
	vm0 =	vmand vm12, vm13  }
0x5d: {  	v5 =	vmov s9;
	v61 =	vand.u32 $0x7FFF, v60  }
0x5e: {  	v5 =	vadd.s32 $0x1, v5  }
0x5f: {  	v5 =	vbroadcast v5, $0x0  }
0x60: {  	v4 =	vand.u32 $0xF, v4  }
0x61: {  	v4 =	vadd.s32 v4, v5  }
0x62: {  	[tilespmem:v61+s28+$0x0] =	vst.idx.msk vm0, v4  }
0x63: {  	v4 =	vld [tilespmem:s8+$0x10];
	_ =	sdelay $0x4  }
0x64: {  	v4 =	vshll.u32 v4, $0x4  }
0x65: {  	v4 =	vor.u32 v3, v4  }
0x66: {  	v5 =	vxor.u32 $0x80000000, v4  }
0x67: {  	(xrf1) =	vsort.ascd.msk.u32 $0xffff, v5, v4;
	_ =	sdelay $0xd  }
0x68: {  	v4, _, _ =	vpop (xrf1)  }
0x69: {  	v5 =	vxor.u32 $0x80000000, v4  }
0x6a: {  	[tilespmem:$0x18400] =	vst v5  }
0x6b: {  	v6 =	vld [tilespmem:$0x18401];
	_ =	sdelay $0x4  }
0x6c: {  	v62 =	vshra.s32 v5, $0x4;
	v5 =	vshra.s32 v5, $0x13;
	v6 =	vshra.s32 v6, $0x4  }
0x6d: {  	vm15 =	veq.s32 v5, v0;
	vm14 =	vne.s32 v62, v6  }
0x6e: {  	s9 =	sadd.s32 $0x30, s7;
	vm0 =	vmand vm14, vm15  }
0x6f: {  	p0 =	sne.s32 s7, $0x3FC0;
	v5 =	vmov s9;
	v63 =	vand.u32 $0x7FFF, v62  }
.Ltmp1:
0x70: {  	v5 =	vadd.s32 $0x1, v5;
	(pc) =	sbr.rel @p0 .LBB2_4-.Ltmp1, $4  }
0x71: {  	v5 =	vbroadcast v5, $0x0  }
0x72: {  	v4 =	vand.u32 $0xF, v4  }
0x73: {  	v4 =	vadd.s32 v4, v5  }
0x74: {  	s7 =	sadd.s32 $0x40, s7;
	s8 =	sadd.s32 $0x40, s8;
	[tilespmem:v63+s28+$0x0] =	vst.idx.msk vm0, v4  }
0x75: {  	_ =	swait.ge [sflag:s29], $0x1000  }
0x76: {  	[sflag:s29] =	ssyncset.done $0x0  }
0x77: {  	[sflag:s29] =	ssyncadd.s32 $0xFFFFF000  }
0x78: {  	_ =	swait.ge [sflag:s29], $0x1000  }
0x79: {  	[sflag:s29] =	ssyncset.done $0x0  }
0x7a: {  	[sflag:s29] =	ssyncadd.s32 $0xFFFFF000  }
0x7b: {  	_ =	swait.ge [sflag:s29], $0x1000  }
0x7c: {  	[sflag:s29] =	ssyncset.done $0x0  }
0x7d: {  	[sflag:s29] =	ssyncadd.s32 $0xFFFFF000  }
0x7e: {  	_ =	swait.ge [sflag:s29], $0x1000  }
0x7f: {  	[sflag:s29] =	ssyncset.done $0x0  }
0x80: {  	s7 =	simm.s32 $0x0;
	s8 =	rddreg [dreg:$0x8];
	[sflag:s29] =	ssyncadd.s32 $0xFFFFF000  }
0x81: {  	[hbm4b:s8+s7] =	stream.linear.scatter [tilespmem:s20], [sflag:$0x2], $0x4000, $0x38;
	[tilespmem:$0x18420] =	vst v63  }
0x82: {  	_ =	swait.ge [sflag:s18], $0x4000  }
0x83: {  	[sflag:s18] =	ssyncset.done $0x0  }
0x84: {  	[sflag:s18] =	ssyncadd.s32 $0xFFFFC000  }
0x85: {  	[tilespmem:s30], [sflag:$0x1] =	stream.indirect.gather [hbm4b:s4+s19], $0x1, s7, s19, $0xb8;
	[tilespmem:$0x18420] =	vst v63  }
0x86: {  	_ =	swait.ge [sflag:s29], $0x80  }
0x87: {  	[sflag:s29] =	ssyncset.done $0x0  }
0x88: {  	[sflag:s29] =	ssyncadd.s32 $0xFFFFFF80  }
0x89: {  	[tilespmem:s31], [sflag:$0x1] =	stream.indirect.gather [hbm4b:s4+s19], $0x1, s19, s19, $0xb8;
	[tilespmem:$0x18420] =	vst v63  }
0x8a: {  	_ =	swait.ge [sflag:s29], $0x80  }
0x8b: {  	[sflag:s29] =	ssyncset.done $0x0  }
0x8c: {  	[sflag:s29] =	ssyncadd.s32 $0xFFFFFF80  }
0x8d: {  	[tilespmem:s0], [sflag:$0x1] =	stream.indirect.gather [hbm4b:s4+s19], $0x1, s22, s19, $0xb8;
	[tilespmem:$0x18420] =	vst v63  }
0x8e: {  	_ =	swait.ge [sflag:s29], $0x80  }
0x8f: {  	[sflag:s29] =	ssyncset.done $0x0  }
0x90: {  	[sflag:s29] =	ssyncadd.s32 $0xFFFFFF80  }
0x91: {  	[tilespmem:s3], [sflag:$0x1] =	stream.indirect.gather [hbm4b:s4+s19], $0x1, s24, s19, $0xb8;
	[tilespmem:$0x18420] =	vst v63  }
0x92: {  	_ =	swait.ge [sflag:s29], $0x80  }
0x93: {  	[sflag:s29] =	ssyncset.done $0x0  }
0x94: {  	s9 =	rddreg [dreg:$0x9];
	[sflag:s29] =	ssyncadd.s32 $0xFFFFFF80  }
0x95: {  	[hbm4b:s9+s7] =	stream.linear.scatter [tilespmem:s30], [sflag:$0x2], $0x200, $0x38;
	[tilespmem:$0x18420] =	vst v63  }
0x96: {  	_ =	swait.ge [sflag:s18], $0x200  }
0x97: {  	[sflag:s18] =	ssyncset.done $0x0  }
0x98: {  	[sflag:s18] =	ssyncadd.s32 $0xFFFFFE00  }
0x99: {  	[tilespmem:s7], [sflag:$0x2] =	stream.linear.gather [hbm4b:s10+s7], $0x200, $0x38;
	[tilespmem:$0x18420] =	vst v63  }
0x9a: {  	_ =	swait.ge [sflag:s18], $0x200  }
0x9b: {  	[sflag:s18] =	ssyncset.done $0x0  }
0x9c: {  	[sflag:s18] =	ssyncadd.s32 $0xFFFFFE00  }
0x9d: {  	[tilespmem:s20], [sflag:$0x1] =	stream.indirect.gather [hbm4b:s6+s19], $0x20, s7, s19, $0xb8;
	[tilespmem:$0x18420] =	vst v63  }
0x9e: {  	_ = 	snop  }
0x9f: {  	[tilespmem:s21], [sflag:$0x1] =	stream.indirect.gather [hbm4b:s6+s19], $0x20, s19, s19, $0xb8;
	[tilespmem:$0x18420] =	vst v63  }
0xa0: {  	_ = 	snop  }
0xa1: {  	[tilespmem:s23], [sflag:$0x1] =	stream.indirect.gather [hbm4b:s6+s19], $0x20, s22, s19, $0xb8;
	[tilespmem:$0x18420] =	vst v63  }
0xa2: {  	_ = 	snop  }
0xa3: {  	[tilespmem:s25], [sflag:$0x1] =	stream.indirect.gather [hbm4b:s6+s19], $0x20, s24, s19, $0xb8;
	[tilespmem:$0x18420] =	vst v63  }
0xa4: {  	s9 =	rddreg [dreg:$0x1]  }
0xa5: {  	[tilespmem:s26], [sflag:$0x2] =	stream.linear.gather [hbm4b:s9+s7], $0x4000, $0x38;
	[tilespmem:$0x18420] =	vst v63  }
0xa6: {  	_ =	swait.ge [sflag:s18], $0x4000  }
0xa7: {  	[sflag:s18] =	ssyncset.done $0x0  }
0xa8: {  	s8 =	simm.s32 $0x4420;
	[sflag:s18] =	ssyncadd.s32 $0xFFFFC000  }
.LBB2_6:
0xa9: {  	v4 =	vld [tilespmem:s8+$0xFFFFFFE0];
	_ =	sdelay $0x4  }
0xaa: {  	v4 =	vshll.u32 v4, $0x4  }
0xab: {  	v4 =	vor.u32 v3, v4  }
0xac: {  	v5 =	vxor.u32 $0x80000000, v4  }
0xad: {  	(xrf1) =	vsort.ascd.msk.u32 $0xffff, v5, v4;
	_ =	sdelay $0xd  }
0xae: {  	v4, _, _ =	vpop (xrf1)  }
0xaf: {  	v5 =	vxor.u32 $0x80000000, v4  }
0xb0: {  	[tilespmem:$0x18400] =	vst v5  }
0xb1: {  	v6 =	vld [tilespmem:$0x18401];
	_ =	sdelay $0x4  }
0xb2: {  	v7 =	vshra.s32 v5, $0x4;
	v5 =	vshra.s32 v5, $0x13;
	v6 =	vshra.s32 v6, $0x4  }
0xb3: {  	vm1 =	veq.s32 v5, v0;
	vm0 =	vne.s32 v7, v6  }
0xb4: {  	vm0 =	vmand vm0, vm1  }
0xb5: {  	v5 =	vmov s7;
	v57 =	vand.u32 $0x7FFF, v7  }
0xb6: {  	v5 =	vadd.s32 $0x1, v5  }
0xb7: {  	v5 =	vbroadcast v5, $0x0  }
0xb8: {  	v4 =	vand.u32 $0xF, v4  }
0xb9: {  	v4 =	vadd.s32 v4, v5  }
0xba: {  	[tilespmem:v57+s1+$0x0] =	vst.idx.msk vm0, v4  }
0xbb: {  	v4 =	vld [tilespmem:s8+$0xFFFFFFF0];
	_ =	sdelay $0x4  }
0xbc: {  	v4 =	vshll.u32 v4, $0x4  }
0xbd: {  	v4 =	vor.u32 v3, v4  }
0xbe: {  	v5 =	vxor.u32 $0x80000000, v4  }
0xbf: {  	(xrf1) =	vsort.ascd.msk.u32 $0xffff, v5, v4;
	_ =	sdelay $0xd  }
0xc0: {  	v4, _, _ =	vpop (xrf1)  }
0xc1: {  	v5 =	vxor.u32 $0x80000000, v4  }
0xc2: {  	[tilespmem:$0x18400] =	vst v5  }
0xc3: {  	v6 =	vld [tilespmem:$0x18401];
	_ =	sdelay $0x4  }
0xc4: {  	v58 =	vshra.s32 v5, $0x4;
	v5 =	vshra.s32 v5, $0x13;
	v6 =	vshra.s32 v6, $0x4  }
0xc5: {  	vm11 =	veq.s32 v5, v0;
	vm10 =	vne.s32 v58, v6  }
0xc6: {  	s9 =	sadd.s32 $0x10, s7;
	vm0 =	vmand vm10, vm11  }
0xc7: {  	v5 =	vmov s9;
	v59 =	vand.u32 $0x7FFF, v58  }
0xc8: {  	v5 =	vadd.s32 $0x1, v5  }
0xc9: {  	v5 =	vbroadcast v5, $0x0  }
0xca: {  	v4 =	vand.u32 $0xF, v4  }
0xcb: {  	v4 =	vadd.s32 v4, v5  }
0xcc: {  	[tilespmem:v59+s1+$0x0] =	vst.idx.msk vm0, v4  }
0xcd: {  	v4 =	vld [tilespmem:s8+$0x0];
	_ =	sdelay $0x4  }
0xce: {  	v4 =	vshll.u32 v4, $0x4  }
0xcf: {  	v4 =	vor.u32 v3, v4  }
0xd0: {  	v5 =	vxor.u32 $0x80000000, v4  }
0xd1: {  	(xrf1) =	vsort.ascd.msk.u32 $0xffff, v5, v4;
	_ =	sdelay $0xd  }
0xd2: {  	v4, _, _ =	vpop (xrf1)  }
0xd3: {  	v5 =	vxor.u32 $0x80000000, v4  }
0xd4: {  	[tilespmem:$0x18400] =	vst v5  }
0xd5: {  	v6 =	vld [tilespmem:$0x18401];
	_ =	sdelay $0x4  }
0xd6: {  	v60 =	vshra.s32 v5, $0x4;
	v5 =	vshra.s32 v5, $0x13;
	v6 =	vshra.s32 v6, $0x4  }
0xd7: {  	vm13 =	veq.s32 v5, v0;
	vm12 =	vne.s32 v60, v6  }
0xd8: {  	s9 =	sadd.s32 $0x20, s7;
	vm0 =	vmand vm12, vm13  }
0xd9: {  	v5 =	vmov s9;
	v61 =	vand.u32 $0x7FFF, v60  }
0xda: {  	v5 =	vadd.s32 $0x1, v5  }
0xdb: {  	v5 =	vbroadcast v5, $0x0  }
0xdc: {  	v4 =	vand.u32 $0xF, v4  }
0xdd: {  	v4 =	vadd.s32 v4, v5  }
0xde: {  	[tilespmem:v61+s1+$0x0] =	vst.idx.msk vm0, v4  }
0xdf: {  	v4 =	vld [tilespmem:s8+$0x10];
	_ =	sdelay $0x4  }
0xe0: {  	v4 =	vshll.u32 v4, $0x4  }
0xe1: {  	v4 =	vor.u32 v3, v4  }
0xe2: {  	v5 =	vxor.u32 $0x80000000, v4  }
0xe3: {  	(xrf1) =	vsort.ascd.msk.u32 $0xffff, v5, v4;
	_ =	sdelay $0xd  }
0xe4: {  	v4, _, _ =	vpop (xrf1)  }
0xe5: {  	v5 =	vxor.u32 $0x80000000, v4  }
0xe6: {  	[tilespmem:$0x18400] =	vst v5  }
0xe7: {  	v6 =	vld [tilespmem:$0x18401];
	_ =	sdelay $0x4  }
0xe8: {  	v62 =	vshra.s32 v5, $0x4;
	v5 =	vshra.s32 v5, $0x13;
	v6 =	vshra.s32 v6, $0x4  }
0xe9: {  	vm15 =	veq.s32 v5, v0;
	vm14 =	vne.s32 v62, v6  }
0xea: {  	s9 =	sadd.s32 $0x30, s7;
	vm0 =	vmand vm14, vm15  }
0xeb: {  	p0 =	sne.s32 s7, $0x3FC0;
	v5 =	vmov s9;
	v63 =	vand.u32 $0x7FFF, v62  }
.Ltmp2:
0xec: {  	v5 =	vadd.s32 $0x1, v5;
	(pc) =	sbr.rel @p0 .LBB2_6-.Ltmp2, $4  }
0xed: {  	v5 =	vbroadcast v5, $0x0  }
0xee: {  	v4 =	vand.u32 $0xF, v4  }
0xef: {  	v4 =	vadd.s32 v4, v5  }
0xf0: {  	s7 =	sadd.s32 $0x40, s7;
	s8 =	sadd.s32 $0x40, s8;
	[tilespmem:v63+s1+$0x0] =	vst.idx.msk vm0, v4  }
0xf1: {  	_ =	swait.ge [sflag:s29], $0x1000  }
0xf2: {  	[sflag:s29] =	ssyncset.done $0x0  }
0xf3: {  	[sflag:s29] =	ssyncadd.s32 $0xFFFFF000  }
0xf4: {  	_ =	swait.ge [sflag:s29], $0x1000  }
0xf5: {  	[sflag:s29] =	ssyncset.done $0x0  }
0xf6: {  	[sflag:s29] =	ssyncadd.s32 $0xFFFFF000  }
0xf7: {  	_ =	swait.ge [sflag:s29], $0x1000  }
0xf8: {  	[sflag:s29] =	ssyncset.done $0x0  }
0xf9: {  	[sflag:s29] =	ssyncadd.s32 $0xFFFFF000  }
0xfa: {  	_ =	swait.ge [sflag:s29], $0x1000  }
0xfb: {  	[sflag:s29] =	ssyncset.done $0x0  }
0xfc: {  	[sflag:s29] =	ssyncadd.s32 $0xFFFFF000  }
0xfd: {  	[hbm4b:s11+s5] =	stream.linear.scatter [tilespmem:s20], [sflag:$0x2], $0x4000, $0x38;
	[tilespmem:$0x18420] =	vst v63  }
0xfe: {  	_ =	swait.ge [sflag:s18], $0x4000  }
0xff: {  	[sflag:s18] =	ssyncset.done $0x0  }
0x100: {  	[sflag:s18] =	ssyncadd.s32 $0xFFFFC000  }
0x101: {  	[tilespmem:s30], [sflag:$0x1] =	stream.indirect.gather [hbm4b:s4+s19], $0x1, s5, s19, $0xb8;
	[tilespmem:$0x18420] =	vst v63  }
0x102: {  	_ =	swait.ge [sflag:s29], $0x80  }
0x103: {  	[sflag:s29] =	ssyncset.done $0x0  }
0x104: {  	[sflag:s29] =	ssyncadd.s32 $0xFFFFFF80  }
0x105: {  	[tilespmem:s31], [sflag:$0x1] =	stream.indirect.gather [hbm4b:s4+s19], $0x1, s19, s19, $0xb8;
	[tilespmem:$0x18420] =	vst v63  }
0x106: {  	_ =	swait.ge [sflag:s29], $0x80  }
0x107: {  	[sflag:s29] =	ssyncset.done $0x0  }
0x108: {  	[sflag:s29] =	ssyncadd.s32 $0xFFFFFF80  }
0x109: {  	[tilespmem:s0], [sflag:$0x1] =	stream.indirect.gather [hbm4b:s4+s19], $0x1, s22, s19, $0xb8;
	[tilespmem:$0x18420] =	vst v63  }
0x10a: {  	_ =	swait.ge [sflag:s29], $0x80  }
0x10b: {  	[sflag:s29] =	ssyncset.done $0x0  }
0x10c: {  	[sflag:s29] =	ssyncadd.s32 $0xFFFFFF80  }
0x10d: {  	[tilespmem:s3], [sflag:$0x1] =	stream.indirect.gather [hbm4b:s4+s19], $0x1, s24, s19, $0xb8;
	[tilespmem:$0x18420] =	vst v63  }
0x10e: {  	_ =	swait.ge [sflag:s29], $0x80  }
0x10f: {  	[sflag:s29] =	ssyncset.done $0x0  }
0x110: {  	[sflag:s29] =	ssyncadd.s32 $0xFFFFFF80  }
0x111: {  	[hbm4b:s12+s5] =	stream.linear.scatter [tilespmem:s30], [sflag:$0x2], $0x200, $0x38;
	[tilespmem:$0x18420] =	vst v63  }
0x112: {  	_ =	swait.ge [sflag:s18], $0x200  }
0x113: {  	[sflag:s18] =	ssyncset.done $0x0  }
0x114: {  	[sflag:s18] =	ssyncadd.s32 $0xFFFFFE00  }
0x115: {  	[tilespmem:s5], [sflag:$0x2] =	stream.linear.gather [hbm4b:s13+s5], $0x200, $0x38;
	[tilespmem:$0x18420] =	vst v63  }
0x116: {  	_ =	swait.ge [sflag:s18], $0x200  }
0x117: {  	[sflag:s18] =	ssyncset.done $0x0  }
0x118: {  	[sflag:s18] =	ssyncadd.s32 $0xFFFFFE00  }
0x119: {  	[tilespmem:s20], [sflag:$0x1] =	stream.indirect.gather [hbm4b:s6+s19], $0x20, s5, s19, $0xb8;
	[tilespmem:$0x18420] =	vst v63  }
0x11a: {  	_ = 	snop  }
0x11b: {  	[tilespmem:s21], [sflag:$0x1] =	stream.indirect.gather [hbm4b:s6+s19], $0x20, s19, s19, $0xb8;
	[tilespmem:$0x18420] =	vst v63  }
0x11c: {  	_ = 	snop  }
0x11d: {  	[tilespmem:s23], [sflag:$0x1] =	stream.indirect.gather [hbm4b:s6+s19], $0x20, s22, s19, $0xb8;
	[tilespmem:$0x18420] =	vst v63  }
0x11e: {  	_ = 	snop  }
0x11f: {  	[tilespmem:s25], [sflag:$0x1] =	stream.indirect.gather [hbm4b:s6+s19], $0x20, s24, s19, $0xb8;
	[tilespmem:$0x18420] =	vst v63  }
0x120: {  	_ = 	snop  }
0x121: {  	[hbm4b:s14+s5] =	stream.linear.scatter [tilespmem:s28], [sflag:$0x2], $0x8000, $0x38;
	[tilespmem:$0x18420] =	vst v63  }
0x122: {  	_ =	swait.ge [sflag:s18], $0x8000  }
0x123: {  	[sflag:s18] =	ssyncset.done $0x0  }
0x124: {  	[sflag:s18] =	ssyncadd.s32 $0xFFFF8000  }
0x125: {  	[hbm4b:s15+s5] =	stream.linear.scatter [tilespmem:s1], [sflag:$0x2], $0x8000, $0x38;
	[tilespmem:$0x18420] =	vst v63  }
0x126: {  	_ =	swait.ge [sflag:s18], $0x8000  }
0x127: {  	[sflag:s18] =	ssyncset.done $0x0  }
0x128: {  	[sflag:s18] =	ssyncadd.s32 $0xFFFF8000  }
0x129: {  	_ =	swait.ge [sflag:s29], $0x1000  }
0x12a: {  	[sflag:s29] =	ssyncset.done $0x0  }
0x12b: {  	[sflag:s29] =	ssyncadd.s32 $0xFFFFF000  }
0x12c: {  	_ =	swait.ge [sflag:s29], $0x1000  }
0x12d: {  	[sflag:s29] =	ssyncset.done $0x0  }
0x12e: {  	[sflag:s29] =	ssyncadd.s32 $0xFFFFF000  }
0x12f: {  	_ =	swait.ge [sflag:s29], $0x1000  }
0x130: {  	[sflag:s29] =	ssyncset.done $0x0  }
0x131: {  	[sflag:s29] =	ssyncadd.s32 $0xFFFFF000  }
0x132: {  	s2 =	sadd.s32 $0x1, s2;
	_ =	swait.ge [sflag:s29], $0x1000  }
0x133: {  	p0 =	sne.s32 s2, s17;
	[sflag:s29] =	ssyncset.done $0x0  }
.Ltmp3:
0x134: {  	[sflag:s29] =	ssyncadd.s32 $0xFFFFF000;
	(pc) =	sbr.rel @p0 .LBB2_1-.Ltmp3, $4  }
0x135: {  	[hbm4b:s16+s5] =	stream.linear.scatter [tilespmem:s20], [sflag:$0x2], $0x4000, $0x38;
	[tilespmem:$0x18420] =	vst v63  }
0x136: {  	_ =	swait.ge [sflag:s18], $0x4000  }
0x137: {  	[sflag:s18] =	ssyncset.done $0x0  }
0x138: {  	[sflag:s18] =	ssyncadd.s32 $0xFFFFC000  }
0x139: {  	_ =	sfence.sel $0x180000  }
0x13a: {  	[bflag:$0x0] =	sbarrier.arrive $0xFFFF  }
0x13b: {  	_ =	strace $0x90000047  }
0x13c: {  	s0 =	stileid.u32;
	[bflag:$0x2] =	sbarrier.arrive $0xFFFF  }
0x13d: {  	p0 =	sne.s32 s0, $0x0;
	s0 =	rddreg [dreg:$0x6]  }
0x13e: {  	s0 =	sadd.s32 @!p0 $0x100000, s0  }
0x13f: {  	[sflag:s0] =	ssyncadd.tile.s32 @!p0 $0x1;
	_ =	shalt  }
.Lfunc_end2:
_tile_overlayer_lowered:
.L_overlay_start_2:
0x140: {  	(tag) =	ssettag $0x2  }
0x141: {  	s0 =	rddreg [dreg:$0x0];
	s2 =	stileid.u32  }
0x142: {  	s1 =	rddreg [dreg:$0x1];
	p0 =	sne.s32 s2, $0x0  }
0x143: {  	s3 =	rddreg [dreg:$0x2];
	[bflag:$0x3] =	sbarrier.arrive $0xFFFF;
	s2 =	simm.s32 @!p0 $0x1C02  }
0x144: {  	[timem:s3], [sflag:s2] =	dma.local @!p0 [hbm:s0], s1  }
0x145: {  	s0 =	simm.s32 @!p0 $0x2  }
0x146: {  	_ =	swait.ge @!p0 [sflag:s0], s1  }
0x147: {  	s1 =	ssub.s32 @!p0 $0x0, s1;
	[sflag:s0] =	ssyncset.done @!p0 $0x0  }
0x148: {  	[sflag:s0] =	ssyncadd.s32 @!p0 s1  }
0x149: {  	[bflag:$0x3] =	sbarrier.arrive $0xFFFF  }
0x14a: {  	_ =	shalt  }

// kernel: kernel.8.cloned.1.call-start
scs
__scs_entry_jumppad:
0x0: {  	(pc) =	sbr.rel $0x88, $3  }
0x1: {  	(tag) =	ssettag $0x0;
	lr =	simm.s32 $0x1  }
0x2: {  	[smem:$0x3F90] =	sst lr;
	_ =	strace $0xD0000000  }
0x3: {  	_ = 	snop  }
0x4: {  	_ = 	snop  }
0x5: {  	_ = 	snop  }
0x6: {  	_ = 	snop  }
0x7: {  	_ = 	snop  }
__scs_overlays_trampoline_lowered:
0x8: {  	[smem:$0x3F9F] =	sst s0  }
0x9: {  	[smem:$0x3FA0] =	sst s1  }
0xa: {  	[smem:$0x3FA1] =	sst s2  }
0xb: {  	[smem:$0x3FA2] =	sst s3  }
0xc: {  	[smem:$0x3FA3] =	sst s4  }
0xd: {  	[smem:$0x3FA4] =	sst s5  }
0xe: {  	[smem:$0x3FA5] =	sst s6  }
0xf: {  	[smem:$0x3FA6] =	sst s7  }
0x10: {  	[smem:$0x3FA7] =	sst s8  }
0x11: {  	[smem:$0x3FA8] =	sst s9;
	s0 =	simm.s32 @!p0 $0x0  }
0x12: {  	s1 =	sld [smem:$0x3F8E];
	s0 =	simm.s32 @p0 $0x1  }
0x13: {  	[smem:$0x3FA9] =	sst s0;
	s0 =	simm.s32 @!p1 $0x0  }
0x14: {  	s2 =	sld [smem:$0x3F8D];
	s0 =	simm.s32 @p1 $0x1  }
0x15: {  	[smem:$0x3FAA] =	sst s0;
	s0 =	simm.s32 @!p2 $0x0  }
0x16: {  	s3 =	sld [smem:$0x3FDB];
	s0 =	simm.s32 @p2 $0x1  }
0x17: {  	s4 =	simm.s32 $0x1BF5;
	[smem:$0x3FAC] =	sst s0  }
0x18: {  	s0 =	sld [smem:$0x3F8F];
	_ =	swait.ge [sflag:s4], $0x0  }
0x19: {  	s7 =	sld [smem:$0x3F90]  }
0x1a: {  	s8 =	sadd.s32 $0xFFFFE003, lr  }
0x1b: {  	s9 =	sadd.s32 $0xFFFFFEF7, lr;
	s5 =	simm.s32 $0xFFFFFFFF;
	p2 =	slt.u32 s8, $0xFFFFF086  }
0x1c: {  	p1 =	slt.u32 s9, $0xF7A;
	s5 =	simm.s32 @!p2 $0x0  }
0x1d: {  	s5 =	simm.s32 @p1 $0x1;
	p0 =	seq.s32 s7, s2  }
0x1e: {  	s7 =	smul.u32 @!p0 $0xF7A, s2;
	p2 =	seq.s32 @!p0 s5, $0x0  }
0x1f: {  	s9 =	smul.u32 $0xF7A, s1;
	s8 =	simm.s32 @!p0 $0x1BF5;
	p2 =	por !p2, p0  }
0x20: {  	[sflag:s8] =	ssyncset.s32 @!p0 $0xFFFFF086;
	s6 =	sadd.s32 @!p0 s3, s7;
	s7 =	simm.s32 @!p0 $0x108  }
0x21: {  	s3 =	sadd.s32 s3, s9;
	s6 =	sadd.s32 @!p0 $0x88, s6;
	s7 =	simm.s32 @p2 $0x1082  }
0x22: {  	[simem:s7], [sflag:s8] =	dma.local @!p0 [hbm:s6], $0xF7A  }
0x23: {  	s9 =	sor.u32 $0xD0000000, s2;
	s6 =	simm.s32 $0x108;
	_ =	swait.ge @!p0 [sflag:s8], $0x0  }
0x24: {  	s3 =	sadd.s32 $0x88, s3;
	s6 =	simm.s32 @!p1 $0x1082;
	[sflag:s4] =	ssyncset.s32 $0xFFFFF086  }
0x25: {  	[simem:s6], [sflag:s4] =	dma.local [hbm:s3], $0xF7A  }
0x26: {  	[smem:$0x3F90] =	sst s1;
	(tag) =	ssettag s2;
	_ =	strace s9  }
0x27: {  	s1 =	sld [smem:$0x3FA0]  }
0x28: {  	s2 =	sld [smem:$0x3FA1]  }
0x29: {  	s4 =	sld [smem:$0x3FA3]  }
0x2a: {  	p0 =	seq.s32 s5, $0x0;
	s5 =	sld [smem:$0x3FA4]  }
0x2b: {  	s6 =	sld [smem:$0x3FA5]  }
0x2c: {  	s7 =	sld [smem:$0x3FA6]  }
0x2d: {  	s3 =	simm.s32 $0x108;
	s8 =	sld [smem:$0x3FA7]  }
0x2e: {  	s3 =	simm.s32 @!p0 $0x1082;
	s9 =	sld [smem:$0x3FA8]  }
0x2f: {  	lr =	sadd.s32 s0, s3;
	s0 =	sld [smem:$0x3F9F]  }
0x30: {  	s3 =	sld [smem:$0x3FA2]  }
0x31: {  	[smem:$0x3FAB] =	sst s10  }
0x32: {  	s10 =	sld [smem:$0x3FA9];
	_ =	sdelay $0x3  }
0x33: {  	p0 =	seq.s32 s10, $0x1;
	s10 =	sld [smem:$0x3FAB];
	_ =	sdelay $0x3  }
0x34: {  	[smem:$0x3FAB] =	sst s10  }
0x35: {  	s10 =	sld [smem:$0x3FAA];
	_ =	sdelay $0x3  }
0x36: {  	p1 =	seq.s32 s10, $0x1;
	s10 =	sld [smem:$0x3FAB];
	_ =	sdelay $0x3  }
0x37: {  	[smem:$0x3FAB] =	sst s10  }
0x38: {  	s10 =	sld [smem:$0x3FAC]  }
0x39: {  	_ = 	snop;
	(pc) =	sbr.ind lr, $3  }
0x3a: {  	_ = 	snop  }
0x3b: {  	_ = 	snop  }
0x3c: {  	p2 =	seq.s32 s10, $0x1;
	s10 =	sld [smem:$0x3FAB]  }
0x3d: {  	_ =	shalt  }
0x3e: {  	_ =	shalt  }
0x3f: {  	_ =	shalt  }
0x40: {  	_ =	shalt  }
0x41: {  	_ =	shalt  }
0x42: {  	_ =	shalt  }
0x43: {  	_ =	shalt  }
0x44: {  	_ =	shalt  }
0x45: {  	_ =	shalt  }
0x46: {  	_ =	shalt  }
0x47: {  	_ =	shalt  }
0x48: {  	_ =	shalt  }
0x49: {  	_ =	shalt  }
0x4a: {  	_ =	shalt  }
0x4b: {  	_ =	shalt  }
0x4c: {  	_ =	shalt  }
0x4d: {  	_ =	shalt  }
0x4e: {  	_ =	shalt  }
0x4f: {  	_ =	shalt  }
0x50: {  	_ =	shalt  }
0x51: {  	_ =	shalt  }
0x52: {  	_ =	shalt  }
0x53: {  	_ =	shalt  }
0x54: {  	_ =	shalt  }
0x55: {  	_ =	shalt  }
0x56: {  	_ =	shalt  }
0x57: {  	_ =	shalt  }
0x58: {  	_ =	shalt  }
0x59: {  	_ =	shalt  }
0x5a: {  	_ =	shalt  }
0x5b: {  	_ =	shalt  }
0x5c: {  	_ =	shalt  }
0x5d: {  	_ =	shalt  }
0x5e: {  	_ =	shalt  }
0x5f: {  	_ =	shalt  }
0x60: {  	_ =	shalt  }
0x61: {  	_ =	shalt  }
0x62: {  	_ =	shalt  }
0x63: {  	_ =	shalt  }
0x64: {  	_ =	shalt  }
0x65: {  	_ =	shalt  }
0x66: {  	_ =	shalt  }
0x67: {  	_ =	shalt  }
0x68: {  	_ =	shalt  }
0x69: {  	_ =	shalt  }
0x6a: {  	_ =	shalt  }
0x6b: {  	_ =	shalt  }
0x6c: {  	_ =	shalt  }
0x6d: {  	_ =	shalt  }
0x6e: {  	_ =	shalt  }
0x6f: {  	_ =	shalt  }
0x70: {  	_ =	shalt  }
0x71: {  	_ =	shalt  }
0x72: {  	_ =	shalt  }
0x73: {  	_ =	shalt  }
0x74: {  	_ =	shalt  }
0x75: {  	_ =	shalt  }
0x76: {  	_ =	shalt  }
0x77: {  	_ =	shalt  }
0x78: {  	_ =	shalt  }
0x79: {  	_ =	shalt  }
0x7a: {  	_ =	shalt  }
0x7b: {  	_ =	shalt  }
0x7c: {  	_ =	shalt  }
0x7d: {  	_ =	shalt  }
0x7e: {  	_ =	shalt  }
0x7f: {  	_ =	shalt  }
0x80: {  	_ =	shalt  }
0x81: {  	_ =	shalt  }
0x82: {  	_ =	shalt  }
0x83: {  	_ =	shalt  }
0x84: {  	_ =	shalt  }
0x85: {  	_ =	shalt  }
0x86: {  	_ =	shalt  }
0x87: {  	_ =	shalt  }
.Lfunc_end0:
.L_simem_size_0:
called_computation.1_lowered:
.L_overlay_start_0:
0x88: {  	s2 =	sld [smem:$0x3FD9]  }
0x89: {  	s3 =	sld [smem:$0x3FFE];
	_ =	sdelay $0x1  }
0x8a: {  	s1 =	srdreg.scid  }
0x8b: {  	s0 =	sand.u32 $0x1, s1  }
0x8c: {  	s17 =	sshll.u32 s0, $0xA;
	s2 =	sadd.s32 s3, s2  }
0x8d: {  	s2 =	sadd.s32 s2, s17  }
0x8e: {  	[smem:$0x3FB7] =	sst s2  }
0x8f: {  	_ = 	snop  }
0x90: {  	s2 =	sld [smem:$0x3FC7]  }
0x91: {  	s18 =	sld [smem:$0x3FC5]  }
0x92: {  	s4 =	sld [smem:$0x3FD0];
	(tm) =	ssettm $0x1  }
0x93: {  	s5 =	sld [smem:$0x3FFB];
	_ =	sdelay $0x3  }
0x94: {  	_ =	strace s5  }
0x95: {  	s5 =	sld [smem:$0x3FFC];
	_ =	sdelay $0x3  }
0x96: {  	_ =	strace s5  }
0x97: {  	s5 =	sld [smem:$0x3FFD];
	_ =	sdelay $0x3  }
0x98: {  	_ =	strace s5  }
0x99: {  	_ =	strace $0x8FFFFFFF  }
0x9a: {  	s19 =	sld [smem:$0x3FDB];
	_ =	sdelay $0x1  }
0x9b: {  	s6 =	simm.s32 $_scs_section_size  }
0x9c: {  	s7 =	simm.s32 $_size__tile_overlayer_lowered;
	s8 =	simm.s32 $_tile_overlayer_lowered  }
0x9d: {  	s22 =	simm.s32 $0x1BFF;
	s21 =	sshll.u32 s8, $0x1;
	s5 =	sadd.s32 s6, s19  }
0x9e: {  	s9 =	simm.s32 $0x0;
	s20 =	sshll.u32 s7, $0x1;
	s7 =	sadd.s32 s21, s5  }
0x9f: {  	[timem:s9], [sflag:s22] =	dma.local [hbm:s7], s20  }
0xa0: {  	_ =	swait.ge [sflag:s22], s20  }
0xa1: {  	s6 =	ssub.s32 $0x0, s20;
	[sflag:s22] =	ssyncset.done $0x0  }
0xa2: {  	[sflag:s22] =	ssyncadd.s32 s6;
	_ =	sdelay $0x1  }
0xa3: {  	s23 =	simm.s32 $0x1B8B  }
0xa4: {  	_ =	swait.ge [sflag:s23], $0x1  }
0xa5: {  	[sflag:s23] =	ssyncset.done $0x0  }
0xa6: {  	s25 =	simm.s32 $0x1B8E;
	s24 =	sld [smem:$0x3FFE];
	[sflag:s23] =	ssyncadd.s32 $0xFFFFFFFF  }
0xa7: {  	s26 =	simm.s32 $execute0_lowered;
	[smem:$0x3FD2] =	sst s25  }
0xa8: {  	s7 =	sshll.u32 s26, $0x1;
	_ =	strace $0x80000049;
	[dreg:$0x1] =	wrdreg $0xFFFFFFFF  }
0xa9: {  	s28 =	simm.s32 $_size_execute0_lowered;
	s5 =	sadd.s32 s5, s7;
	[dreg:$0x0] =	wrdreg $0x0  }
0xaa: {  	s7 =	sshll.u32 s28, $0x1;
	[dreg:$0x2] =	wrdreg s5  }
0xab: {  	[dreg:$0x3] =	wrdreg s7  }
0xac: {  	[dreg:$0x4] =	wrdreg $0xC0  }
0xad: {  	_ =	task [dreg:s9], $0x5FFFF  }
0xae: {  	[dreg:$0x1] =	wrdreg $0xFFFFFFFF  }
0xaf: {  	[dreg:$0x0] =	wrdreg $0x60  }
0xb0: {  	[dreg:$0x2] =	wrdreg s18  }
0xb1: {  	[dreg:$0x3] =	wrdreg s2  }
0xb2: {  	[dreg:$0x4] =	wrdreg s24  }
0xb3: {  	[dreg:$0x5] =	wrdreg s4  }
0xb4: {  	[dreg:$0x6] =	wrdreg $0x9  }
0xb5: {  	_ =	task.clear_ibuf [dreg:s9], $0x7FFFF;
	_ =	strace $0x90000049  }
0xb6: {  	s29 =	simm.s32 $0x9;
	_ =	strace $0x8000004B  }
0xb7: {  	_ =	swait.ge [sflag:s29], $0x1  }
0xb8: {  	[sflag:s29] =	ssyncadd.s32 $0xFFFFFFFF  }
0xb9: {  	_ =	strace $0x9000004B  }
0xba: {  	_ =	sfence  }
0xbb: {  	s30 =	sld [smem:$0x0];
	_ =	sdelay $0x2  }
0xbc: {  	s31 =	sshll.u32 s1, $0xD;
	s1 =	sshrl.u32 s1, $0x2  }
0xbd: {  	s3 =	sand.u32 $0x4000, s31;
	s1 =	sadd.s32 s1, s30  }
0xbe: {  	s0 =	sor.u32 s3, s0;
	s1 =	sshll.u32 s1, $0x11  }
0xbf: {  	s0 =	sor.u32 s1, s0  }
0xc0: {  	s0 =	sadd.s32 $0x8F2B, s0  }
0xc1: {  	[sflag:s0] =	ssyncadd.remote.s32 $0x1  }
0xc2: {  	_ =	sfence.sel $0xFFFF  }
0xc3: {  	[dreg:$0x0] =	wrdreg $0xFFFFFFFF;
	(pc) =	sbr.abs _section_cstart, $3  }
0xc4: {  	[dreg:$0x1] =	wrdreg $0xFFFFFFFF  }
0xc5: {  	_ =	task.clear_ibuf [dreg:s9], $0x2FFFF;
	_ =	strace $0x9FFFFFFF  }
0xc6: {  	(tm) =	ssettm $0x7FFFFFFF  }
0xc7: {  	_ =	shalt  }
tec
execute0_lowered:
.L_overlay_start_1:
0x0: {  	(tag) =	ssettag $0x1  }
0x1: {  	s0 =	rddreg [dreg:$0x0]  }
0x2: {  	s1 =	rddreg [dreg:$0x1]  }
0x3: {  	s3 =	rddreg [dreg:$0x2]  }
0x4: {  	s7 =	rddreg [dreg:$0x3];
	s2 =	simm.s32 $0x0  }
0x5: {  	s5 =	srdreg.scid;
	s6 =	stileid.u32;
	s11 =	simm.s32 $0x2  }
0x6: {  	s12 =	simm.s32 $0x80;
	s14 =	simm.s32 $0x1;
	s18 =	simm.s32 $0x100  }
0x7: {  	s21 =	simm.s32 $0x180;
	s19 =	simm.s32 $0xB80;
	s20 =	simm.s32 $0x980  }
0x8: {  	s22 =	simm.s32 $0xD80;
	s23 =	simm.s32 $0xE00;
	s24 =	simm.s32 $0x1000  }
0x9: {  	s25 =	simm.s32 $0xE80;
	s28 =	simm.s32 $0xF00;
	s29 =	simm.s32 $0x2000  }
0xa: {  	s30 =	simm.s32 $0xF80;
	s31 =	simm.s32 $0x2800;
	[smem:$0x7FF] =	sst s2  }
0xb: {  	s4 =	sadd.s32 $0x34400, s3;
	s8 =	sand.u32 $0x1, s5;
	s5 =	sadd.s32 $0x54400, s3  }
0xc: {  	s9 =	sshll.u32 s6, $0xA;
	s6 =	sadd.s32 $0x3C00, s3;
	s10 =	sshll.u32 s8, $0x9  }
0xd: {  	_ =	strace $0x8000004A;
	s26 =	ssub.s32 $0x2, s8;
	s16 =	sor.u32 s10, s9  }
0xe: {  	s8 =	sshrl.u32 s26, $0x1;
	s9 =	sshrl.u32 s16, $0x3;
	s10 =	sshll.u32 s16, $0x1  }
0xf: {  	v0 =	vlaneseq.u32;
	s3 =	ssub.s32 s26, s8;
	s26 =	simm.s32 $0x1800;
	s8 =	sadd.s32 s0, s9  }
0x10: {  	v0 =	vor.u32 $0x8000, v0;
	s9 =	sadd.s32 s7, s10;
	s10 =	smax.u32 s3, $0x1;
	s0 =	simm.s32 $0x0  }
.LBB2_1:
0x11: {  	[tilespmem:s2], [sflag:$0x2] =	stream.linear.gather [hbm4b:s8+s2], $0x200, $0x38;
	[tilespmem:$0x3000] =	vst v63  }
0x12: {  	_ =	swait.ge [sflag:s11], $0x200  }
0x13: {  	[sflag:s11] =	ssyncset.done $0x0  }
0x14: {  	s3 =	simm.s32 $0x200;
	[sflag:s11] =	ssyncadd.s32 $0xFFFFFE00  }
0x15: {  	[tilespmem:s3], [sflag:$0x1] =	stream.indirect.gather [hbm4b:s4+s12], $0x1, s2, s12, $0xb8;
	[tilespmem:$0x3000] =	vst v63  }
0x16: {  	_ =	swait.ge [sflag:s14], $0x80  }
0x17: {  	[sflag:s14] =	ssyncset.done $0x0  }
0x18: {  	s13 =	simm.s32 $0x400;
	[sflag:s14] =	ssyncadd.s32 $0xFFFFFF80  }
0x19: {  	[tilespmem:s13], [sflag:$0x1] =	stream.indirect.gather [hbm4b:s5+s12], $0x1, s2, s12, $0xb8;
	[tilespmem:$0x3000] =	vst v63  }
0x1a: {  	_ =	swait.ge [sflag:s14], $0x80  }
0x1b: {  	[sflag:s14] =	ssyncset.done $0x0  }
0x1c: {  	s15 =	simm.s32 $0x280;
	[sflag:s14] =	ssyncadd.s32 $0xFFFFFF80  }
0x1d: {  	[tilespmem:s15], [sflag:$0x1] =	stream.indirect.gather [hbm4b:s4+s12], $0x1, s12, s12, $0xb8;
	[tilespmem:$0x3000] =	vst v63  }
0x1e: {  	_ =	swait.ge [sflag:s14], $0x80  }
0x1f: {  	[sflag:s14] =	ssyncset.done $0x0  }
0x20: {  	s17 =	simm.s32 $0x480;
	[sflag:s14] =	ssyncadd.s32 $0xFFFFFF80  }
0x21: {  	[tilespmem:s17], [sflag:$0x1] =	stream.indirect.gather [hbm4b:s5+s12], $0x1, s12, s12, $0xb8;
	[tilespmem:$0x3000] =	vst v63  }
0x22: {  	_ =	swait.ge [sflag:s14], $0x80  }
0x23: {  	[sflag:s14] =	ssyncset.done $0x0  }
0x24: {  	s7 =	simm.s32 $0x300;
	[sflag:s14] =	ssyncadd.s32 $0xFFFFFF80  }
0x25: {  	[tilespmem:s7], [sflag:$0x1] =	stream.indirect.gather [hbm4b:s4+s12], $0x1, s18, s12, $0xb8;
	[tilespmem:$0x3000] =	vst v63  }
0x26: {  	_ =	swait.ge [sflag:s14], $0x80  }
0x27: {  	[sflag:s14] =	ssyncset.done $0x0  }
0x28: {  	s13 =	simm.s32 $0x500;
	[sflag:s14] =	ssyncadd.s32 $0xFFFFFF80  }
0x29: {  	[tilespmem:s13], [sflag:$0x1] =	stream.indirect.gather [hbm4b:s5+s12], $0x1, s18, s12, $0xb8;
	[tilespmem:$0x3000] =	vst v63  }
0x2a: {  	_ =	swait.ge [sflag:s14], $0x80  }
0x2b: {  	[sflag:s14] =	ssyncset.done $0x0  }
0x2c: {  	s15 =	simm.s32 $0x380;
	[sflag:s14] =	ssyncadd.s32 $0xFFFFFF80  }
0x2d: {  	[tilespmem:s15], [sflag:$0x1] =	stream.indirect.gather [hbm4b:s4+s12], $0x1, s21, s12, $0xb8;
	[tilespmem:$0x3000] =	vst v63  }
0x2e: {  	_ =	swait.ge [sflag:s14], $0x80  }
0x2f: {  	[sflag:s14] =	ssyncset.done $0x0  }
0x30: {  	s17 =	simm.s32 $0x580;
	[sflag:s14] =	ssyncadd.s32 $0xFFFFFF80  }
0x31: {  	[tilespmem:s17], [sflag:$0x1] =	stream.indirect.gather [hbm4b:s5+s12], $0x1, s21, s12, $0xb8;
	[tilespmem:$0x3000] =	vst v63  }
0x32: {  	_ =	swait.ge [sflag:s14], $0x80  }
0x33: {  	[sflag:s14] =	ssyncset.done $0x0  }
0x34: {  	s3 =	simm.s32 $0x0;
	[sflag:s14] =	ssyncadd.s32 $0xFFFFFF80  }
0x35: {  	v1 =	vld [tilespmem:s3+$0x400]  }
0x36: {  	v2 =	vld [tilespmem:s3+$0x200];
	_ =	sdelay $0x1  }
0x37: {  	s7 =	simm.s32 $0x40  }
.LBB2_2:
0x38: {  	p0 =	sne.s32 s7, $0x7C0  }
.Ltmp0:
0x39: {  	s13 =	sshra.s32 s7, $0x2;
	s7 =	sadd.s32 $0x40, s7;
	v3 =	vadd.s32 $0xFFFFFFFF, v1;
	(pc) =	sbr.rel @p0 .LBB2_2-.Ltmp0, $4  }
0x3a: {  	v1 =	vld [tilespmem:s13+$0x400];
	v4 =	vadd.s32 $0xFFFFFFFF, v2;
	vm0 =	vgt.s32 v3, $0x0  }
0x3b: {  	v2 =	vld [tilespmem:s13+$0x200];
	vm1 =	vgt.s32 v4, $0x0;
	v3 =	vnsel vm0, $0x0, v3  }
0x3c: {  	v4 =	vnsel vm1, $0x0, v4;
	[tilespmem:s3+$0x800] =	vst v3  }
0x3d: {  	[tilespmem:s3+$0x600] =	vst v4;
	s3 =	smov.u32 s13  }
0x3e: {  	_ = 	snop  }
0x3f: {  	v1 =	vadd.s32 $0xFFFFFFFF, v1  }
0x40: {  	v2 =	vadd.s32 $0xFFFFFFFF, v2;
	vm0 =	vgt.s32 v1, $0x0  }
0x41: {  	vm1 =	vgt.s32 v2, $0x0;
	v1 =	vnsel vm0, $0x0, v1  }
0x42: {  	v2 =	vnsel vm1, $0x0, v2;
	[tilespmem:s3+$0x800] =	vst v1  }
0x43: {  	s17 =	simm.s32 $0x600;
	s7 =	simm.s32 $0xA00;
	[tilespmem:s3+$0x600] =	vst v2  }
0x44: {  	[tilespmem:s7], [sflag:$0x1] =	stream.indirect.gather [hbm4b:s1+s12], $0x1, s17, s12, $0xb8;
	[tilespmem:$0x3000] =	vst v63  }
0x45: {  	_ =	swait.ge [sflag:s14], $0x80  }
0x46: {  	[sflag:s14] =	ssyncset.done $0x0  }
0x47: {  	s13 =	simm.s32 $0xC00;
	s7 =	simm.s32 $0x800;
	[sflag:s14] =	ssyncadd.s32 $0xFFFFFF80  }
0x48: {  	[tilespmem:s13], [sflag:$0x1] =	stream.indirect.gather [hbm4b:s1+s12], $0x1, s7, s12, $0xb8;
	[tilespmem:$0x3000] =	vst v63  }
0x49: {  	_ =	swait.ge [sflag:s14], $0x80  }
0x4a: {  	[sflag:s14] =	ssyncset.done $0x0  }
0x4b: {  	s15 =	simm.s32 $0x680;
	s17 =	simm.s32 $0xA80;
	[sflag:s14] =	ssyncadd.s32 $0xFFFFFF80  }
0x4c: {  	[tilespmem:s17], [sflag:$0x1] =	stream.indirect.gather [hbm4b:s1+s12], $0x1, s15, s12, $0xb8;
	[tilespmem:$0x3000] =	vst v63  }
0x4d: {  	_ =	swait.ge [sflag:s14], $0x80  }
0x4e: {  	[sflag:s14] =	ssyncset.done $0x0  }
0x4f: {  	s7 =	simm.s32 $0x880;
	s13 =	simm.s32 $0xC80;
	[sflag:s14] =	ssyncadd.s32 $0xFFFFFF80  }
0x50: {  	[tilespmem:s13], [sflag:$0x1] =	stream.indirect.gather [hbm4b:s1+s12], $0x1, s7, s12, $0xb8;
	[tilespmem:$0x3000] =	vst v63  }
0x51: {  	_ =	swait.ge [sflag:s14], $0x80  }
0x52: {  	[sflag:s14] =	ssyncset.done $0x0  }
0x53: {  	s15 =	simm.s32 $0x700;
	s17 =	simm.s32 $0xB00;
	[sflag:s14] =	ssyncadd.s32 $0xFFFFFF80  }
0x54: {  	[tilespmem:s17], [sflag:$0x1] =	stream.indirect.gather [hbm4b:s1+s12], $0x1, s15, s12, $0xb8;
	[tilespmem:$0x3000] =	vst v63  }
0x55: {  	_ =	swait.ge [sflag:s14], $0x80  }
0x56: {  	[sflag:s14] =	ssyncset.done $0x0  }
0x57: {  	s13 =	simm.s32 $0x900;
	s15 =	simm.s32 $0xD00;
	[sflag:s14] =	ssyncadd.s32 $0xFFFFFF80  }
0x58: {  	[tilespmem:s15], [sflag:$0x1] =	stream.indirect.gather [hbm4b:s1+s12], $0x1, s13, s12, $0xb8;
	[tilespmem:$0x3000] =	vst v63  }
0x59: {  	_ =	swait.ge [sflag:s14], $0x80  }
0x5a: {  	[sflag:s14] =	ssyncset.done $0x0  }
0x5b: {  	s17 =	simm.s32 $0x780;
	[sflag:s14] =	ssyncadd.s32 $0xFFFFFF80  }
0x5c: {  	[tilespmem:s19], [sflag:$0x1] =	stream.indirect.gather [hbm4b:s1+s12], $0x1, s17, s12, $0xb8;
	[tilespmem:$0x3000] =	vst v63  }
0x5d: {  	_ =	swait.ge [sflag:s14], $0x80  }
0x5e: {  	[sflag:s14] =	ssyncset.done $0x0  }
0x5f: {  	[sflag:s14] =	ssyncadd.s32 $0xFFFFFF80  }
0x60: {  	[tilespmem:s22], [sflag:$0x1] =	stream.indirect.gather [hbm4b:s1+s12], $0x1, s20, s12, $0xb8;
	[tilespmem:$0x3000] =	vst v63  }
0x61: {  	_ =	swait.ge [sflag:s14], $0x80  }
0x62: {  	[sflag:s14] =	ssyncset.done $0x0  }
0x63: {  	s3 =	simm.s32 $0x0;
	[sflag:s14] =	ssyncadd.s32 $0xFFFFFF80  }
0x64: {  	v5 =	vld [tilespmem:s3+$0x400]  }
0x65: {  	v4 =	vld [tilespmem:s3+$0x200]  }
0x66: {  	v3 =	vld [tilespmem:s3+$0xA00]  }
0x67: {  	v6 =	vld [tilespmem:s3+$0xC00];
	_ =	sdelay $0x1  }
0x68: {  	s13 =	simm.s32 $0x10  }
0x69: {  	v1 =	vld [tilespmem:s13+$0x400]  }
0x6a: {  	v7 =	vor.u32 s16, v0;
	v2 =	vld [tilespmem:s13+$0x200]  }
0x6b: {  	vm0 =	vlt.s32 v5, $0x1;
	vm1 =	vne.s32 v4, $0x0;
	vm2 =	vlt.s32 v6, v3;
	v3 =	vld [tilespmem:s13+$0xA00]  }
0x6c: {  	v6 =	vadd.s32 $0xFFFFFFFF, v4;
	vm1 =	vmand vm1, vm2;
	vm2 =	vgt.s32 v4, $0x0;
	v4 =	vld [tilespmem:s13+$0xC00]  }
0x6d: {  	s7 =	smov.u32 s16;
	s15 =	simm.s32 $0x80;
	v5 =	vadd.s32 $0x3FFF, v5;
	vm0 =	vmor vm0, vm1;
	v6 =	vsel vm2, v6, v7  }
.LBB2_4:
0x6e: {  	s17 =	sshra.s32 s15, $0x2;
	v7 =	vsel vm0, v6, v5;
	v6 =	vmov v1;
	p0 =	sne.s32 s15, $0x7C0  }
.Ltmp1:
0x6f: {  	s7 =	sadd.s32 $0x10, s7;
	v1 =	vld [tilespmem:s17+$0x400];
	[tilespmem:s3+$0xE00] =	vst v7;
	v5 =	vmov v2;
	s3 =	smov.u32 s13;
	(pc) =	sbr.rel @p0 .LBB2_4-.Ltmp1, $4  }
0x70: {  	v7 =	vor.u32 s7, v0;
	s13 =	smov.u32 s17;
	v2 =	vld [tilespmem:s17+$0x200]  }
0x71: {  	s15 =	sadd.s32 $0x40, s15;
	vm0 =	vlt.s32 v6, $0x1;
	vm1 =	vne.s32 v5, $0x0;
	vm2 =	vlt.s32 v4, v3;
	v3 =	vld [tilespmem:s13+$0xA00]  }
0x72: {  	v8 =	vadd.s32 $0xFFFFFFFF, v5;
	v4 =	vld [tilespmem:s13+$0xC00];
	vm1 =	vmand vm1, vm2;
	vm2 =	vgt.s32 v5, $0x0  }
0x73: {  	v5 =	vadd.s32 $0x3FFF, v6;
	vm0 =	vmor vm0, vm1;
	v6 =	vsel vm2, v8, v7  }
0x74: {  	_ =	sdelay $0x1  }
0x75: {  	s7 =	sadd.s32 $0x10, s7;
	v5 =	vsel vm0, v6, v5;
	vm14 =	vlt.s32 v1, $0x1  }
0x76: {  	v63 =	vor.u32 s7, v0;
	vm2 =	vne.s32 v2, $0x0;
	vm1 =	vlt.s32 v4, v3  }
0x77: {  	vm15 =	vgt.s32 v2, $0x0;
	v2 =	vadd.s32 $0xFFFFFFFF, v2;
	vm1 =	vmand vm2, vm1  }
0x78: {  	v1 =	vadd.s32 $0x3FFF, v1;
	v2 =	vsel vm15, v2, v63;
	vm0 =	vmor vm14, vm1  }
0x79: {  	[tilespmem:s3+$0xE00] =	vst v5;
	v1 =	vsel vm0, v2, v1  }
0x7a: {  	[tilespmem:s13+$0xE00] =	vst v1  }
0x7b: {  	[tilespmem:s24], [sflag:$0x1] =	stream.indirect.gather [hbm4b:s6+s12], $0x10, s23, s12, $0xb8;
	[tilespmem:$0x3000] =	vst v63  }
0x7c: {  	_ =	swait.ge [sflag:s14], $0x800  }
0x7d: {  	[sflag:s14] =	ssyncset.done $0x0  }
0x7e: {  	[sflag:s14] =	ssyncadd.s32 $0xFFFFF800  }
0x7f: {  	[tilespmem:s26], [sflag:$0x1] =	stream.indirect.gather [hbm4b:s6+s12], $0x10, s25, s12, $0xb8;
	[tilespmem:$0x3000] =	vst v63  }
0x80: {  	_ =	swait.ge [sflag:s14], $0x800  }
0x81: {  	[sflag:s14] =	ssyncset.done $0x0  }
0x82: {  	[sflag:s14] =	ssyncadd.s32 $0xFFFFF800  }
0x83: {  	[tilespmem:s29], [sflag:$0x1] =	stream.indirect.gather [hbm4b:s6+s12], $0x10, s28, s12, $0xb8;
	[tilespmem:$0x3000] =	vst v63  }
0x84: {  	_ =	swait.ge [sflag:s14], $0x800  }
0x85: {  	[sflag:s14] =	ssyncset.done $0x0  }
0x86: {  	[sflag:s14] =	ssyncadd.s32 $0xFFFFF800  }
0x87: {  	[tilespmem:s31], [sflag:$0x1] =	stream.indirect.gather [hbm4b:s6+s12], $0x10, s30, s12, $0xb8;
	[tilespmem:$0x3000] =	vst v63  }
0x88: {  	s0 =	sadd.s32 $0x1, s0;
	_ =	swait.ge [sflag:s14], $0x800  }
0x89: {  	p0 =	sne.s32 s0, s10;
	[sflag:s14] =	ssyncset.done $0x0  }
.Ltmp2:
0x8a: {  	[sflag:s14] =	ssyncadd.s32 $0xFFFFF800;
	(pc) =	sbr.rel @p0 .LBB2_1-.Ltmp2, $4  }
0x8b: {  	[hbm4b:s9+s2] =	stream.linear.scatter [tilespmem:s24], [sflag:$0x2], $0x2000, $0x38;
	[tilespmem:$0x3000] =	vst v63  }
0x8c: {  	_ =	swait.ge [sflag:s11], $0x2000  }
0x8d: {  	[sflag:s11] =	ssyncset.done $0x0  }
0x8e: {  	[sflag:s11] =	ssyncadd.s32 $0xFFFFE000  }
0x8f: {  	_ =	sfence.sel $0x180000  }
0x90: {  	[bflag:$0x0] =	sbarrier.arrive $0xFFFF  }
0x91: {  	_ =	strace $0x9000004A  }
0x92: {  	s0 =	stileid.u32;
	[bflag:$0x2] =	sbarrier.arrive $0xFFFF  }
0x93: {  	p0 =	sne.s32 s0, $0x0;
	s0 =	rddreg [dreg:$0x4]  }
0x94: {  	s0 =	sadd.s32 @!p0 $0x100000, s0  }
0x95: {  	[sflag:s0] =	ssyncadd.tile.s32 @!p0 $0x1;
	_ =	shalt  }
.Lfunc_end2:
_tile_overlayer_lowered:
.L_overlay_start_2:
0x96: {  	(tag) =	ssettag $0x2  }
0x97: {  	s0 =	rddreg [dreg:$0x0];
	s2 =	stileid.u32  }
0x98: {  	s1 =	rddreg [dreg:$0x1];
	p0 =	sne.s32 s2, $0x0  }
0x99: {  	s3 =	rddreg [dreg:$0x2];
	[bflag:$0x3] =	sbarrier.arrive $0xFFFF;
	s2 =	simm.s32 @!p0 $0x1C02  }
0x9a: {  	[timem:s3], [sflag:s2] =	dma.local @!p0 [hbm:s0], s1  }
0x9b: {  	s0 =	simm.s32 @!p0 $0x2  }
0x9c: {  	_ =	swait.ge @!p0 [sflag:s0], s1  }
0x9d: {  	s1 =	ssub.s32 @!p0 $0x0, s1;
	[sflag:s0] =	ssyncset.done @!p0 $0x0  }
0x9e: {  	[sflag:s0] =	ssyncadd.s32 @!p0 s1  }
0x9f: {  	[bflag:$0x3] =	sbarrier.arrive $0xFFFF  }
0xa0: {  	_ =	shalt  }

</sc_bundles>
